<compile_context>
chip_gen: v7x
topology: tpu7x:2x2x1
jax: 0.10.2.dev20260603
libtpu: 0.0.44.dev20260713+nightly
codegen_flags: <defaults>
</compile_context>

<pallas_src>
import functools

import jax
import jax.numpy as jnp
from jax import lax
from jax.experimental import pallas as pl
from jax.experimental.pallas import tpu as pltpu
from jax.experimental.pallas import tpu_sc as plsc

N = 10000
D = 128
E = 320000

NC = 2
NS = 16
NW = NC * NS
K = 128
NCHUNK = E // K
BASE_CH = NCHUNK // NW
REM_CH = NCHUNK % NW
NB = 80
NBLK = N // NB
NPAD = 10112
NBK = NPAD // 128
EPT = E // NW

_mesh = plsc.VectorSubcoreMesh(core_axis_name="c", subcore_axis_name="s")


@functools.partial(
    pl.kernel,
    out_type=jax.ShapeDtypeStruct((NC * NPAD,), jnp.float32),
    mesh=_mesh,
    compiler_params=pltpu.CompilerParams(needs_layout_passes=False),
    scratch_types=[
        pltpu.VMEM((EPT,), jnp.int32),
        pltpu.VMEM((NPAD,), jnp.float32),
        pltpu.VMEM((NS, 128), jnp.float32),
        pltpu.VMEM((128,), jnp.float32),
        pltpu.VMEM_SHARED((NS, NPAD), jnp.float32),
    ],
)
def _deg_kernel(row_hbm, deg_hbm, idx_v, deg_v, red_v, res_v, slab_sh):
    c = lax.axis_index("c")
    s = lax.axis_index("s")
    wid = c * NS + s

    def fz(i, _):
        deg_v[pl.ds(i * 16, 16)] = jnp.zeros((16,), jnp.float32)
        return 0

    lax.fori_loop(0, NPAD // 16, fz, 0)

    pltpu.sync_copy(row_hbm.at[pl.ds(wid * EPT, EPT)], idx_v)
    ones = jnp.ones((16,), jnp.float32)

    def acc(i, _):
        ivec = idx_v[pl.ds(i * 16, 16)]
        plsc.addupdate_scatter(deg_v, [ivec], ones)
        return 0

    lax.fori_loop(0, EPT // 16, acc, 0)

    pltpu.sync_copy(deg_v, slab_sh.at[s])
    plsc.subcore_barrier()

    nbk = jnp.where(s < NBK % NS, NBK // NS + 1, NBK // NS)

    def red(k, _):
        b = s + NS * k
        pltpu.sync_copy(slab_sh.at[:, pl.ds(b * 128, 128)], red_v)

        def col(j, _2):
            def rowadd(t, a):
                return a + red_v[t, pl.ds(j * 16, 16)]

            res_v[pl.ds(j * 16, 16)] = lax.fori_loop(
                0, NS, rowadd, jnp.zeros((16,), jnp.float32))
            return 0

        lax.fori_loop(0, 8, col, 0)
        pltpu.sync_copy(res_v, deg_hbm.at[pl.ds(c * NPAD + b * 128, 128)])
        return 0

    lax.fori_loop(0, nbk, red, 0)


CPT = 80
G = 10


@functools.partial(
    pl.kernel,
    out_type=jax.ShapeDtypeStruct((NC, N, D), jnp.float32),
    mesh=_mesh,
    scratch_types=[
        pltpu.VMEM((G * K,), jnp.int32),
        pltpu.VMEM((G * K,), jnp.int32),
        pltpu.VMEM((G * K,), jnp.int32),
        pltpu.VMEM((G, K), jnp.int32),
        pltpu.VMEM((G, K), jnp.int32),
        pltpu.VMEM((K, D), jnp.float32),
        pltpu.VMEM((K, D), jnp.float32),
        pltpu.VMEM_SHARED((N, D), jnp.float32),
        pltpu.SemaphoreType.DMA,
        pltpu.SemaphoreType.DMA,
        pltpu.SemaphoreType.DMA,
        pltpu.SemaphoreType.DMA,
        pltpu.SemaphoreType.DMA,
        pltpu.SemaphoreType.DMA,
    ],
)
def _msg_kernel(y_hbm, col_hbm, row_hbm, h_hbm, colg0, colg1, rowflat,
                rowg0, rowg1, rows0, rows1, acc_sh, gs0, gs1, ss0, ss1,
                is0, is1):
    c = lax.axis_index("c")
    s = lax.axis_index("s")
    wid = c * NS + s
    nblk = jnp.where(s < NBLK % NS, NBLK // NS + 1, NBLK // NS)
    rows = (rows0, rows1)
    colg = (colg0, colg1)
    rowg = (rowg0, rowg1)
    gs = (gs0, gs1)
    ss = (ss0, ss1)
    isem = (is0, is1)
    zb_v = rows0.at[pl.ds(0, NB)]

    def fill_zero(t, _):
        i = t // 8
        j = t % 8
        rows0[i, pl.ds(j * 16, 16)] = jnp.zeros((16,), jnp.float32)
        return 0

    lax.fori_loop(0, NB * 8, fill_zero, 0)

    def zero_acc(k, _):
        pltpu.sync_copy(zb_v, acc_sh.at[pl.ds((s + NS * k) * NB, NB)])
        return 0

    lax.fori_loop(0, nblk, zero_acc, 0)
    plsc.subcore_barrier()

    myc = jnp.where(wid < NW - 1, CPT, NCHUNK - (NW - 1) * CPT)
    base_e = wid * CPT * K

    def repack_rows(b):
        def mv(u, _):
            tt = u // 8
            jj = u % 8
            rowg[b][tt, pl.ds(jj * 16, 16)] = rowflat[
                pl.ds(tt * K + jj * 16, 16)]
            return 0

        lax.fori_loop(0, G * 8, mv, 0)

    pltpu.sync_copy(col_hbm.at[pl.ds(base_e, G * K)], colg[0])
    pltpu.sync_copy(row_hbm.at[pl.ds(base_e, G * K)], rowflat)
    repack_rows(0)
    pltpu.async_copy(y_hbm.at[colg[0].at[pl.ds(0, K)]], rows[0], gs[0])

    ng2 = myc // (2 * G)

    def gpair(g2, _):
        for h in (0, 1):
            g = 2 * g2 + h
            for t in range(G):
                p = t % 2
                q = 1 - p

                if t == 0 and h == 0:
                    @pl.when(g2 > 0)
                    def _():
                        pltpu.make_async_copy(
                            rows[q], acc_sh.at[rowg[1 - h].at[G - 1]],
                            ss[q]).wait()
                else:
                    prev_b = h if t > 0 else 1 - h
                    prev_t = t - 1 if t > 0 else G - 1
                    pltpu.make_async_copy(
                        rows[q], acc_sh.at[rowg[prev_b].at[prev_t]],
                        ss[q]).wait()

                if t == 1:
                    def start_pref():
                        off = base_e + (g + 1) * G * K
                        pltpu.async_copy(
                            col_hbm.at[pl.ds(off, G * K)], colg[1 - h],
                            isem[1 - h])
                        pltpu.async_copy(
                            row_hbm.at[pl.ds(off, G * K)], rowflat,
                            isem[1 - h])
                    if h == 0:
                        start_pref()
                    else:
                        @pl.when(g2 < ng2 - 1)
                        def _():
                            start_pref()

                if t == 5:
                    def fin_pref():
                        off = base_e + (g + 1) * G * K
                        pltpu.make_async_copy(
                            col_hbm.at[pl.ds(off, G * K)], colg[1 - h],
                            isem[1 - h]).wait()
                        pltpu.make_async_copy(
                            row_hbm.at[pl.ds(off, G * K)], rowflat,
                            isem[1 - h]).wait()
                        repack_rows(1 - h)
                    if h == 0:
                        fin_pref()
                    else:
                        @pl.when(g2 < ng2 - 1)
                        def _():
                            fin_pref()

                pltpu.make_async_copy(
                    y_hbm.at[colg[h].at[pl.ds(t * K, K)]], rows[p],
                    gs[p]).wait()
                pltpu.async_copy(rows[p], acc_sh.at[rowg[h].at[t]],
                                 ss[p], add=True)

                if t < G - 1:
                    pltpu.async_copy(
                        y_hbm.at[colg[h].at[pl.ds((t + 1) * K, K)]],
                        rows[q], gs[q])
                else:
                    def start_g(bn):
                        pltpu.async_copy(
                            y_hbm.at[colg[bn].at[pl.ds(0, K)]], rows[q],
                            gs[q])
                    if h == 0:
                        start_g(1)
                    else:
                        @pl.when(g2 < ng2 - 1)
                        def _():
                            start_g(0)
        return 0

    lax.fori_loop(0, ng2, gpair, 0)
    pltpu.make_async_copy(rows[1], acc_sh.at[rowg[1].at[G - 1]],
                          ss[1]).wait()

    plsc.subcore_barrier()

    def dump(k, _):
        base = (s + NS * k) * NB
        pltpu.sync_copy(acc_sh.at[pl.ds(base, NB)],
                        h_hbm.at[c, pl.ds(base, NB)])
        return 0

    lax.fori_loop(0, nblk, dump, 0)


def _dis_from_deg(deg_ref):
    deg = deg_ref[0, :N] + deg_ref[1, :N]
    return jnp.where(deg > 0, lax.rsqrt(jnp.maximum(deg, 1.0)), 0.0)


def _scale_body(deg_ref, x_ref, y_ref):
    dis = _dis_from_deg(deg_ref)
    y_ref[...] = x_ref[...] * dis[:, None]


_scale_call = pl.pallas_call(
    _scale_body,
    out_shape=jax.ShapeDtypeStruct((N, D), jnp.float32),
)


def _out_body(hp_ref, deg_ref, w_ref, b_ref, o_ref):
    dis = _dis_from_deg(deg_ref)
    h = (hp_ref[0] + hp_ref[1]) * dis[:, None]
    z = jnp.dot(h, w_ref[...], preferred_element_type=jnp.float32)
    z = z + b_ref[...]
    o_ref[...] = jnp.where(z >= 0, z, 0.2 * z)


_out_call = pl.pallas_call(
    _out_body,
    out_shape=jax.ShapeDtypeStruct((N, D), jnp.float32),
)


def kernel(x, edge_index, W, b):
    ei = edge_index.astype(jnp.int32)
    row = ei[0]
    col = ei[1]
    deg_p = _deg_kernel(row).reshape(NC, NPAD)
    y = _scale_call(deg_p, x)
    h_p = _msg_kernel(y, col, row)
    return _out_call(h_p, deg_p, W, b.reshape(1, D))

# --- scband reference (transcript-rebuilt; emitter-appended) ---
"""Pipeline reference for scband-hetero-gcn-3246995275924 (READ-ONLY COPY).

The authoritative reference and input builder live on the scoring server;
editing this copy changes nothing except your own understanding.
"""

import jax, jax.numpy as jnp
import numpy as np

N_NODES = 10000
D_FEAT = 128
N_EDGES = 320000


def setup_inputs(seed: int = 0) -> dict:
    key = jax.random.key(seed)
    k1, k2, k3 = jax.random.split(key, 3)
    x = jax.random.normal(k1, (N_NODES, D_FEAT), dtype=jnp.float32)
    edge_index = jax.random.randint(k2, (2, N_EDGES), 0, N_NODES, dtype=jnp.int32).astype(jnp.int64)
    # Dense layer params (units = x_shape[1] = D_FEAT), glorot-uniform style init
    limit = np.sqrt(6.0 / (D_FEAT + D_FEAT))
    W = jax.random.uniform(k3, (D_FEAT, D_FEAT), dtype=jnp.float32, minval=-limit, maxval=limit)
    b = jnp.zeros((D_FEAT,), dtype=jnp.float32)
    return {"x": x, "edge_index": edge_index, "W": W, "b": b}


def reference(x, edge_index, W, b):
    # LightGCN-style symmetric normalization: A_hat = D^{-1/2} A D^{-1/2} (no self-loops)
    num_nodes = x.shape[0]
    row = edge_index[0]
    col = edge_index[1]
    deg = jnp.zeros((num_nodes,), dtype=x.dtype).at[row].add(1.0)
    deg_inv_sqrt = jnp.where(deg > 0, jax.lax.rsqrt(jnp.maximum(deg, 1.0)), 0.0)
    edge_weight = deg_inv_sqrt[row] * deg_inv_sqrt[col]
    # sparse matmul: h = A_hat @ x  (gather neighbor feats, scatter-add into rows)
    gathered = edge_weight[:, None] * jnp.take(x, col, axis=0)
    h = jnp.zeros_like(x).at[row].add(gathered)
    # gcn_dense: Dense(D_FEAT, activation=leaky_relu)
    h = h @ W + b
    h = jax.nn.leaky_relu(h, negative_slope=0.2)
    return h

if __name__ == "__main__":
    import jax
    _d = setup_inputs()
    print(jax.jit(kernel)(*tuple(_d.values())))

</pallas_src>

<mosaic_0001>
#map = affine_map<(d0, d1) -> (0)>
module attributes {stable_mosaic.version = 14 : i64} {
  func.func @_deg_kernel(%arg0: i32, %arg1: i32, %arg2: memref<320000xi32, #tpu.memory_space<hbm>>, %arg3: memref<20224xf32, #tpu.memory_space<hbm>>, %arg4: memref<10000xi32, #tpu.memory_space<vmem>>, %arg5: memref<10112xf32, #tpu.memory_space<vmem>>, %arg6: memref<16x128xf32, #tpu.memory_space<vmem>>, %arg7: memref<128xf32, #tpu.memory_space<vmem>>, %arg8: memref<16x10112xf32, #tpu.memory_space<vmem_shared>>) attributes {dimension_semantics = [#tpu.dimension_semantics<core_parallel>, #tpu.dimension_semantics<subcore_parallel>], iteration_bounds = array<i64: 2, 16>, scalar_prefetch = 0 : i64, scratch_operands = 5 : i64, tpu.core_type = #tpu.core_type<sc_vector_subcore>, window_params = [{transform_indices = #map}, {transform_indices = #map}]} {
    %mul3A = arith.constant 16 : i32
    %mul3A_0 = arith.muli %arg0, %mul3A : i32
    %add3A = arith.addi %mul3A_0, %arg1 : i32
    %scan3A = arith.constant 0 : i32
    %scan3A_1 = arith.constant 0 : i32
    %scan3A_2 = arith.constant 632 : i32
    %scan3A_3 = arith.addi %scan3A_1, %scan3A_2 : i32
    %scan3A_4 = arith.constant 1 : i32
    %scan3A_5 = scf.for %scan3A_30 = %scan3A_1 to %scan3A_3 step %scan3A_4 iter_args(%scan3A_31 = %scan3A) -> (i32)  : i32 {
      %broadcast_in_dim3A_32 = arith.constant 0.000000e+00 : f32
      %broadcast_in_dim3A_33 = vector.broadcast %broadcast_in_dim3A_32 : f32 to vector<16xf32>
      %mul3A_34 = arith.constant 16 : i32
      %mul3A_35 = arith.muli %scan3A_30, %mul3A_34 : i32
      %swap3A = arith.index_cast %mul3A_35 : i32 to index
      %swap3A_36 = tpu.vector_load %arg5[%swap3A] {strides = array<i32>} : memref<10112xf32, #tpu.memory_space<vmem>>, vector<16xf32>,
      tpu.vector_store %arg5[%swap3A], %broadcast_in_dim3A_33 {strides = array<i32>} : memref<10112xf32, #tpu.memory_space<vmem>>, vector<16xf32>,
      %scan3A_37 = arith.constant 0 : i32
      scf.yield %scan3A_37 : i32
    }
    %scan3A_6 = arith.constant 632 : i32
    %mul3A_7 = arith.constant 10000 : i32
    %mul3A_8 = arith.muli %add3A, %mul3A_7 : i32
    "tpu.region"() ({
      %run_scoped3A = tpu.sem_alloc : memref<!tpu.dma_semaphore, #tpu.memory_space<semaphore_mem>>
      %dma_start3A = tpu.memref_slice %arg2[%mul3A_8] : memref<320000xi32, #tpu.memory_space<hbm>> -> memref<10000xi32, #tpu.memory_space<hbm>>
      %dma_start3A_30 = tpu.memref_slice %arg2[%mul3A_8] : memref<320000xi32, #tpu.memory_space<hbm>> -> memref<10000xi32, #tpu.memory_space<hbm>>
      tpu.enqueue_dma source(%dma_start3A_30 : memref<10000xi32, #tpu.memory_space<hbm>>) target(%arg4 : memref<10000xi32, #tpu.memory_space<vmem>>) target_semaphore(%run_scoped3A : memref<!tpu.dma_semaphore, #tpu.memory_space<semaphore_mem>>)
      %dma_wait3A = tpu.memref_slice %arg2[%mul3A_8] : memref<320000xi32, #tpu.memory_space<hbm>> -> memref<10000xi32, #tpu.memory_space<hbm>>
      %dma_wait3A_31 = tpu.memref_slice %arg2[%mul3A_8] : memref<320000xi32, #tpu.memory_space<hbm>> -> memref<10000xi32, #tpu.memory_space<hbm>>
      tpu.wait_dma2 semaphore(%run_scoped3A : memref<!tpu.dma_semaphore, #tpu.memory_space<semaphore_mem>>) src(%dma_wait3A_31 : memref<10000xi32, #tpu.memory_space<hbm>>) dst(%arg4 : memref<10000xi32, #tpu.memory_space<vmem>>)
      tpu.yield
    }) : () -> ()
    %broadcast_in_dim3A = arith.constant 1.000000e+00 : f32
    %broadcast_in_dim3A_9 = vector.broadcast %broadcast_in_dim3A : f32 to vector<16xf32>
    %scan3A_10 = arith.constant 0 : i32
    %scan3A_11 = arith.constant 0 : i32
    %scan3A_12 = arith.constant 625 : i32
    %scan3A_13 = arith.addi %scan3A_11, %scan3A_12 : i32
    %scan3A_14 = arith.constant 1 : i32
    %scan3A_15 = scf.for %scan3A_30 = %scan3A_11 to %scan3A_13 step %scan3A_14 iter_args(%scan3A_31 = %scan3A_10) -> (i32)  : i32 {
      %mul3A_32 = arith.constant 16 : i32
      %mul3A_33 = arith.muli %scan3A_30, %mul3A_32 : i32
      %get3A = arith.index_cast %mul3A_33 : i32 to index
      %get3A_34 = tpu.vector_load %arg4[%get3A] {strides = array<i32>} : memref<10000xi32, #tpu.memory_space<vmem>>, vector<16xi32>,
      tpu.vector_store_idx %arg5[%get3A_34], %broadcast_in_dim3A_9 {add = true} : memref<10112xf32, #tpu.memory_space<vmem>>[vector<16xi32>], vector<16xf32>,
      %scan3A_35 = arith.constant 0 : i32
      scf.yield %scan3A_35 : i32
    }
    %scan3A_16 = arith.constant 625 : i32
    "tpu.region"() ({
      %run_scoped3A = tpu.sem_alloc : memref<!tpu.dma_semaphore, #tpu.memory_space<semaphore_mem>>
      %dma_start3A = arith.constant 0 : i32
      %dma_start3A_30 = tpu.memref_slice %arg8[%arg1, %dma_start3A] : memref<16x10112xf32, #tpu.memory_space<vmem_shared>> -> memref<1x10112xf32, #tpu.memory_space<vmem_shared>>
      %dma_start3A_31 = tpu.memref_squeeze %dma_start3A_30 : memref<1x10112xf32, #tpu.memory_space<vmem_shared>> -> memref<10112xf32, #tpu.memory_space<vmem_shared>>
      %dma_start3A_32 = arith.constant 0 : i32
      %dma_start3A_33 = tpu.memref_slice %arg8[%arg1, %dma_start3A_32] : memref<16x10112xf32, #tpu.memory_space<vmem_shared>> -> memref<1x10112xf32, #tpu.memory_space<vmem_shared>>
      %dma_start3A_34 = tpu.memref_squeeze %dma_start3A_33 : memref<1x10112xf32, #tpu.memory_space<vmem_shared>> -> memref<10112xf32, #tpu.memory_space<vmem_shared>>
      tpu.enqueue_dma source(%arg5 : memref<10112xf32, #tpu.memory_space<vmem>>) target(%dma_start3A_34 : memref<10112xf32, #tpu.memory_space<vmem_shared>>) target_semaphore(%run_scoped3A : memref<!tpu.dma_semaphore, #tpu.memory_space<semaphore_mem>>)
      %dma_wait3A = arith.constant 0 : i32
      %dma_wait3A_35 = tpu.memref_slice %arg8[%arg1, %dma_wait3A] : memref<16x10112xf32, #tpu.memory_space<vmem_shared>> -> memref<1x10112xf32, #tpu.memory_space<vmem_shared>>
      %dma_wait3A_36 = tpu.memref_squeeze %dma_wait3A_35 : memref<1x10112xf32, #tpu.memory_space<vmem_shared>> -> memref<10112xf32, #tpu.memory_space<vmem_shared>>
      %dma_wait3A_37 = arith.constant 0 : i32
      %dma_wait3A_38 = tpu.memref_slice %arg8[%arg1, %dma_wait3A_37] : memref<16x10112xf32, #tpu.memory_space<vmem_shared>> -> memref<1x10112xf32, #tpu.memory_space<vmem_shared>>
      %dma_wait3A_39 = tpu.memref_squeeze %dma_wait3A_38 : memref<1x10112xf32, #tpu.memory_space<vmem_shared>> -> memref<10112xf32, #tpu.memory_space<vmem_shared>>
      tpu.wait_dma2 semaphore(%run_scoped3A : memref<!tpu.dma_semaphore, #tpu.memory_space<semaphore_mem>>) src(%arg5 : memref<10112xf32, #tpu.memory_space<vmem>>) dst(%dma_wait3A_39 : memref<10112xf32, #tpu.memory_space<vmem_shared>>)
      tpu.yield
    }) : () -> ()
    %barrier3A = arith.constant 0 : index
    tpu.barrier barrier_id(%barrier3A)
    %lt3A = arith.constant 15 : i32
    %lt3A_17 = arith.cmpi slt, %arg1, %lt3A : i32
    %jit3A = arith.constant 5 : i32
    %jit3A_18 = arith.constant 4 : i32
    %select_n3A = arith.select %lt3A_17, %jit3A, %jit3A_18 : i32
    %while3A = arith.constant 0 : i32
    %while3A_19 = arith.constant 0 : i32
    %while3A_20 = arith.subi %select_n3A, %while3A : i32
    %while3A_21 = arith.addi %while3A, %while3A_20 : i32
    %while3A_22 = arith.constant 1 : i32
    %while3A_23 = arith.divsi %while3A_20, %while3A_22 : i32
    %while3A_24 = arith.muli %while3A_23, %while3A_22 : i32
    %while3A_25 = arith.addi %while3A, %while3A_24 : i32
    %while3A_26 = arith.constant 1 : i32
    %while3A_27 = scf.for %while3A_30 = %while3A to %while3A_25 step %while3A_26 iter_args(%while3A_31 = %while3A_19) -> (i32)  : i32 {
      %mul3A_32 = arith.constant 16 : i32
      %mul3A_33 = arith.muli %mul3A_32, %while3A_30 : i32
      %add3A_34 = arith.addi %arg1, %mul3A_33 : i32
      %mul3A_35 = arith.constant 128 : i32
      %mul3A_36 = arith.muli %add3A_34, %mul3A_35 : i32
      "tpu.region"() ({
        %run_scoped3A = tpu.sem_alloc : memref<!tpu.dma_semaphore, #tpu.memory_space<semaphore_mem>>
        %dma_start3A = arith.constant 0 : i32
        %dma_start3A_50 = tpu.memref_slice %arg8[%dma_start3A, %mul3A_36] : memref<16x10112xf32, #tpu.memory_space<vmem_shared>> -> memref<16x128xf32, #tpu.memory_space<vmem_shared>>
        %dma_start3A_51 = arith.constant 0 : i32
        %dma_start3A_52 = tpu.memref_slice %arg8[%dma_start3A_51, %mul3A_36] : memref<16x10112xf32, #tpu.memory_space<vmem_shared>> -> memref<16x128xf32, #tpu.memory_space<vmem_shared>>
        tpu.enqueue_dma source(%dma_start3A_52 : memref<16x128xf32, #tpu.memory_space<vmem_shared>>) target(%arg6 : memref<16x128xf32, #tpu.memory_space<vmem>>) target_semaphore(%run_scoped3A : memref<!tpu.dma_semaphore, #tpu.memory_space<semaphore_mem>>)
        %dma_wait3A = arith.constant 0 : i32
        %dma_wait3A_53 = tpu.memref_slice %arg8[%dma_wait3A, %mul3A_36] : memref<16x10112xf32, #tpu.memory_space<vmem_shared>> -> memref<16x128xf32, #tpu.memory_space<vmem_shared>>
        %dma_wait3A_54 = arith.constant 0 : i32
        %dma_wait3A_55 = tpu.memref_slice %arg8[%dma_wait3A_54, %mul3A_36] : memref<16x10112xf32, #tpu.memory_space<vmem_shared>> -> memref<16x128xf32, #tpu.memory_space<vmem_shared>>
        tpu.wait_dma2 semaphore(%run_scoped3A : memref<!tpu.dma_semaphore, #tpu.memory_space<semaphore_mem>>) src(%dma_wait3A_55 : memref<16x128xf32, #tpu.memory_space<vmem_shared>>) dst(%arg6 : memref<16x128xf32, #tpu.memory_space<vmem>>)
        tpu.yield
      }) : () -> ()
      %scan3A_37 = arith.constant 0 : i32
      %scan3A_38 = arith.constant 0 : i32
      %scan3A_39 = arith.constant 8 : i32
      %scan3A_40 = arith.addi %scan3A_38, %scan3A_39 : i32
      %scan3A_41 = arith.constant 1 : i32
      %scan3A_42 = scf.for %scan3A_50 = %scan3A_38 to %scan3A_40 step %scan3A_41 iter_args(%scan3A_51 = %scan3A_37) -> (i32)  : i32 {
        %broadcast_in_dim3A_52 = arith.constant 0.000000e+00 : f32
        %broadcast_in_dim3A_53 = vector.broadcast %broadcast_in_dim3A_52 : f32 to vector<16xf32>
        %scan3A_54 = arith.constant 0 : i32
        %scan3A_55 = arith.constant 16 : i32
        %scan3A_56 = arith.addi %scan3A_54, %scan3A_55 : i32
        %scan3A_57 = arith.constant 1 : i32
        %scan3A_58 = scf.for %scan3A_64 = %scan3A_54 to %scan3A_56 step %scan3A_57 iter_args(%scan3A_65 = %broadcast_in_dim3A_53) -> (vector<16xf32>)  : i32 {
          %mul3A_66 = arith.constant 16 : i32
          %mul3A_67 = arith.muli %scan3A_50, %mul3A_66 : i32
          %get3A = arith.index_cast %scan3A_64 : i32 to index
          %get3A_68 = arith.index_cast %mul3A_67 : i32 to index
          %get3A_69 = tpu.vector_load %arg6[%get3A, %get3A_68] {strides = array<i32>} : memref<16x128xf32, #tpu.memory_space<vmem>>, vector<16xf32>,
          %add3A_70 = arith.addf %scan3A_65, %get3A_69 : vector<16xf32>
          scf.yield %add3A_70 : vector<16xf32>
        }
        %scan3A_59 = arith.constant 16 : i32
        %mul3A_60 = arith.constant 16 : i32
        %mul3A_61 = arith.muli %scan3A_50, %mul3A_60 : i32
        %swap3A = arith.index_cast %mul3A_61 : i32 to index
        %swap3A_62 = tpu.vector_load %arg7[%swap3A] {strides = array<i32>} : memref<128xf32, #tpu.memory_space<vmem>>, vector<16xf32>,
        tpu.vector_store %arg7[%swap3A], %scan3A_58 {strides = array<i32>} : memref<128xf32, #tpu.memory_space<vmem>>, vector<16xf32>,
        %scan3A_63 = arith.constant 0 : i32
        scf.yield %scan3A_63 : i32
      }
      %scan3A_43 = arith.constant 8 : i32
      %mul3A_44 = arith.constant 10112 : i32
      %mul3A_45 = arith.muli %arg0, %mul3A_44 : i32
      %mul3A_46 = arith.constant 128 : i32
      %mul3A_47 = arith.muli %add3A_34, %mul3A_46 : i32
      %add3A_48 = arith.addi %mul3A_45, %mul3A_47 : i32
      "tpu.region"() ({
        %run_scoped3A = tpu.sem_alloc : memref<!tpu.dma_semaphore, #tpu.memory_space<semaphore_mem>>
        %dma_start3A = tpu.memref_slice %arg3[%add3A_48] : memref<20224xf32, #tpu.memory_space<hbm>> -> memref<128xf32, #tpu.memory_space<hbm>>
        %dma_start3A_50 = tpu.memref_slice %arg3[%add3A_48] : memref<20224xf32, #tpu.memory_space<hbm>> -> memref<128xf32, #tpu.memory_space<hbm>>
        tpu.enqueue_dma source(%arg7 : memref<128xf32, #tpu.memory_space<vmem>>) target(%dma_start3A_50 : memref<128xf32, #tpu.memory_space<hbm>>) target_semaphore(%run_scoped3A : memref<!tpu.dma_semaphore, #tpu.memory_space<semaphore_mem>>)
        %dma_wait3A = tpu.memref_slice %arg3[%add3A_48] : memref<20224xf32, #tpu.memory_space<hbm>> -> memref<128xf32, #tpu.memory_space<hbm>>
        %dma_wait3A_51 = tpu.memref_slice %arg3[%add3A_48] : memref<20224xf32, #tpu.memory_space<hbm>> -> memref<128xf32, #tpu.memory_space<hbm>>
        tpu.wait_dma2 semaphore(%run_scoped3A : memref<!tpu.dma_semaphore, #tpu.memory_space<semaphore_mem>>) src(%arg7 : memref<128xf32, #tpu.memory_space<vmem>>) dst(%dma_wait3A_51 : memref<128xf32, #tpu.memory_space<hbm>>)
        tpu.yield
      }) : () -> ()
      %while3A_49 = arith.constant 0 : i32
      scf.yield %while3A_49 : i32
    }
    %while3A_28 = arith.constant 1 : i32
    %while3A_29 = scf.for %while3A_30 = %while3A_25 to %while3A_21 step %while3A_28 iter_args(%while3A_31 = %while3A_27) -> (i32)  : i32 {
      %mul3A_32 = arith.constant 16 : i32
      %mul3A_33 = arith.muli %mul3A_32, %while3A_30 : i32
      %add3A_34 = arith.addi %arg1, %mul3A_33 : i32
      %mul3A_35 = arith.constant 128 : i32
      %mul3A_36 = arith.muli %add3A_34, %mul3A_35 : i32
      "tpu.region"() ({
        %run_scoped3A = tpu.sem_alloc : memref<!tpu.dma_semaphore, #tpu.memory_space<semaphore_mem>>
        %dma_start3A = arith.constant 0 : i32
        %dma_start3A_50 = tpu.memref_slice %arg8[%dma_start3A, %mul3A_36] : memref<16x10112xf32, #tpu.memory_space<vmem_shared>> -> memref<16x128xf32, #tpu.memory_space<vmem_shared>>
        %dma_start3A_51 = arith.constant 0 : i32
        %dma_start3A_52 = tpu.memref_slice %arg8[%dma_start3A_51, %mul3A_36] : memref<16x10112xf32, #tpu.memory_space<vmem_shared>> -> memref<16x128xf32, #tpu.memory_space<vmem_shared>>
        tpu.enqueue_dma source(%dma_start3A_52 : memref<16x128xf32, #tpu.memory_space<vmem_shared>>) target(%arg6 : memref<16x128xf32, #tpu.memory_space<vmem>>) target_semaphore(%run_scoped3A : memref<!tpu.dma_semaphore, #tpu.memory_space<semaphore_mem>>)
        %dma_wait3A = arith.constant 0 : i32
        %dma_wait3A_53 = tpu.memref_slice %arg8[%dma_wait3A, %mul3A_36] : memref<16x10112xf32, #tpu.memory_space<vmem_shared>> -> memref<16x128xf32, #tpu.memory_space<vmem_shared>>
        %dma_wait3A_54 = arith.constant 0 : i32
        %dma_wait3A_55 = tpu.memref_slice %arg8[%dma_wait3A_54, %mul3A_36] : memref<16x10112xf32, #tpu.memory_space<vmem_shared>> -> memref<16x128xf32, #tpu.memory_space<vmem_shared>>
        tpu.wait_dma2 semaphore(%run_scoped3A : memref<!tpu.dma_semaphore, #tpu.memory_space<semaphore_mem>>) src(%dma_wait3A_55 : memref<16x128xf32, #tpu.memory_space<vmem_shared>>) dst(%arg6 : memref<16x128xf32, #tpu.memory_space<vmem>>)
        tpu.yield
      }) : () -> ()
      %scan3A_37 = arith.constant 0 : i32
      %scan3A_38 = arith.constant 0 : i32
      %scan3A_39 = arith.constant 8 : i32
      %scan3A_40 = arith.addi %scan3A_38, %scan3A_39 : i32
      %scan3A_41 = arith.constant 1 : i32
      %scan3A_42 = scf.for %scan3A_50 = %scan3A_38 to %scan3A_40 step %scan3A_41 iter_args(%scan3A_51 = %scan3A_37) -> (i32)  : i32 {
        %broadcast_in_dim3A_52 = arith.constant 0.000000e+00 : f32
        %broadcast_in_dim3A_53 = vector.broadcast %broadcast_in_dim3A_52 : f32 to vector<16xf32>
        %scan3A_54 = arith.constant 0 : i32
        %scan3A_55 = arith.constant 16 : i32
        %scan3A_56 = arith.addi %scan3A_54, %scan3A_55 : i32
        %scan3A_57 = arith.constant 1 : i32
        %scan3A_58 = scf.for %scan3A_64 = %scan3A_54 to %scan3A_56 step %scan3A_57 iter_args(%scan3A_65 = %broadcast_in_dim3A_53) -> (vector<16xf32>)  : i32 {
          %mul3A_66 = arith.constant 16 : i32
          %mul3A_67 = arith.muli %scan3A_50, %mul3A_66 : i32
          %get3A = arith.index_cast %scan3A_64 : i32 to index
          %get3A_68 = arith.index_cast %mul3A_67 : i32 to index
          %get3A_69 = tpu.vector_load %arg6[%get3A, %get3A_68] {strides = array<i32>} : memref<16x128xf32, #tpu.memory_space<vmem>>, vector<16xf32>,
          %add3A_70 = arith.addf %scan3A_65, %get3A_69 : vector<16xf32>
          scf.yield %add3A_70 : vector<16xf32>
        }
        %scan3A_59 = arith.constant 16 : i32
        %mul3A_60 = arith.constant 16 : i32
        %mul3A_61 = arith.muli %scan3A_50, %mul3A_60 : i32
        %swap3A = arith.index_cast %mul3A_61 : i32 to index
        %swap3A_62 = tpu.vector_load %arg7[%swap3A] {strides = array<i32>} : memref<128xf32, #tpu.memory_space<vmem>>, vector<16xf32>,
        tpu.vector_store %arg7[%swap3A], %scan3A_58 {strides = array<i32>} : memref<128xf32, #tpu.memory_space<vmem>>, vector<16xf32>,
        %scan3A_63 = arith.constant 0 : i32
        scf.yield %scan3A_63 : i32
      }
      %scan3A_43 = arith.constant 8 : i32
      %mul3A_44 = arith.constant 10112 : i32
      %mul3A_45 = arith.muli %arg0, %mul3A_44 : i32
      %mul3A_46 = arith.constant 128 : i32
      %mul3A_47 = arith.muli %add3A_34, %mul3A_46 : i32
      %add3A_48 = arith.addi %mul3A_45, %mul3A_47 : i32
      "tpu.region"() ({
        %run_scoped3A = tpu.sem_alloc : memref<!tpu.dma_semaphore, #tpu.memory_space<semaphore_mem>>
        %dma_start3A = tpu.memref_slice %arg3[%add3A_48] : memref<20224xf32, #tpu.memory_space<hbm>> -> memref<128xf32, #tpu.memory_space<hbm>>
        %dma_start3A_50 = tpu.memref_slice %arg3[%add3A_48] : memref<20224xf32, #tpu.memory_space<hbm>> -> memref<128xf32, #tpu.memory_space<hbm>>
        tpu.enqueue_dma source(%arg7 : memref<128xf32, #tpu.memory_space<vmem>>) target(%dma_start3A_50 : memref<128xf32, #tpu.memory_space<hbm>>) target_semaphore(%run_scoped3A : memref<!tpu.dma_semaphore, #tpu.memory_space<semaphore_mem>>)
        %dma_wait3A = tpu.memref_slice %arg3[%add3A_48] : memref<20224xf32, #tpu.memory_space<hbm>> -> memref<128xf32, #tpu.memory_space<hbm>>
        %dma_wait3A_51 = tpu.memref_slice %arg3[%add3A_48] : memref<20224xf32, #tpu.memory_space<hbm>> -> memref<128xf32, #tpu.memory_space<hbm>>
        tpu.wait_dma2 semaphore(%run_scoped3A : memref<!tpu.dma_semaphore, #tpu.memory_space<semaphore_mem>>) src(%arg7 : memref<128xf32, #tpu.memory_space<vmem>>) dst(%dma_wait3A_51 : memref<128xf32, #tpu.memory_space<hbm>>)
        tpu.yield
      }) : () -> ()
      %while3A_49 = arith.constant 0 : i32
      scf.yield %while3A_49 : i32
    }
    return
  }
}

#map = affine_map<(d0, d1) -> (0, 0)>
#map1 = affine_map<(d0, d1) -> (0)>
#map2 = affine_map<(d0, d1) -> (0, 0, 0)>
module attributes {stable_mosaic.version = 14 : i64} {
  func.func @_msg_kernel(%arg0: i32, %arg1: i32, %arg2: memref<10000x128xf32, #tpu.memory_space<hbm>>, %arg3: memref<320000xi32, #tpu.memory_space<hbm>>, %arg4: memref<320000xi32, #tpu.memory_space<hbm>>, %arg5: memref<2x10000x128xf32, #tpu.memory_space<hbm>>, %arg6: memref<1280xi32, #tpu.memory_space<vmem>>, %arg7: memref<1280xi32, #tpu.memory_space<vmem>>, %arg8: memref<1280xi32, #tpu.memory_space<vmem>>, %arg9: memref<10x128xi32, #tpu.memory_space<vmem>>, %arg10: memref<10x128xi32, #tpu.memory_space<vmem>>, %arg11: memref<128x128xf32, #tpu.memory_space<vmem>>, %arg12: memref<128x128xf32, #tpu.memory_space<vmem>>, %arg13: memref<10000x128xf32, #tpu.memory_space<vmem_shared>>, %arg14: memref<!tpu.dma_semaphore, #tpu.memory_space<semaphore_mem>>, %arg15: memref<!tpu.dma_semaphore, #tpu.memory_space<semaphore_mem>>, %arg16: memref<!tpu.dma_semaphore, #tpu.memory_space<semaphore_mem>>, %arg17: memref<!tpu.dma_semaphore, #tpu.memory_space<semaphore_mem>>, %arg18: memref<!tpu.dma_semaphore, #tpu.memory_space<semaphore_mem>>, %arg19: memref<!tpu.dma_semaphore, #tpu.memory_space<semaphore_mem>>) attributes {dimension_semantics = [#tpu.dimension_semantics<core_parallel>, #tpu.dimension_semantics<subcore_parallel>], iteration_bounds = array<i64: 2, 16>, scalar_prefetch = 0 : i64, scratch_operands = 14 : i64, tpu.core_type = #tpu.core_type<sc_vector_subcore>, window_params = [{transform_indices = #map}, {transform_indices = #map1}, {transform_indices = #map1}, {transform_indices = #map2}]} {
    %mul3A = arith.constant 16 : i32
    %mul3A_0 = arith.muli %arg0, %mul3A : i32
    %add3A = arith.addi %mul3A_0, %arg1 : i32
    %lt3A = arith.constant 13 : i32
    %lt3A_1 = arith.cmpi slt, %arg1, %lt3A : i32
    %jit3A = arith.constant 8 : i32
    %jit3A_2 = arith.constant 7 : i32
    %select_n3A = arith.select %lt3A_1, %jit3A, %jit3A_2 : i32
    %scan3A = arith.constant 0 : i32
    %scan3A_3 = arith.constant 0 : i32
    %scan3A_4 = arith.constant 640 : i32
    %scan3A_5 = arith.addi %scan3A_3, %scan3A_4 : i32
    %scan3A_6 = arith.constant 1 : i32
    %scan3A_7 = scf.for %scan3A_89 = %scan3A_3 to %scan3A_5 step %scan3A_6 iter_args(%scan3A_90 = %scan3A) -> (i32)  : i32 {
      %jit3A_91 = arith.constant 8 : i32
      %div3A_92 = arith.divsi %scan3A_89, %jit3A_91 : i32
      %sign3A_93 = arith.constant 0 : i32
      %sign3A_94 = arith.cmpi sgt, %scan3A_89, %sign3A_93 : i32
      %sign3A_95 = arith.extui %sign3A_94 : i1 to i32
      %sign3A_96 = arith.constant 0 : i32
      %sign3A_97 = arith.cmpi slt, %scan3A_89, %sign3A_96 : i32
      %sign3A_98 = arith.extui %sign3A_97 : i1 to i32
      %sign3A_99 = arith.subi %sign3A_95, %sign3A_98 : i32
      %sign3A_100 = arith.constant 0 : i32
      %sign3A_101 = arith.cmpi sgt, %jit3A_91, %sign3A_100 : i32
      %sign3A_102 = arith.extui %sign3A_101 : i1 to i32
      %sign3A_103 = arith.constant 0 : i32
      %sign3A_104 = arith.cmpi slt, %jit3A_91, %sign3A_103 : i32
      %sign3A_105 = arith.extui %sign3A_104 : i1 to i32
      %sign3A_106 = arith.subi %sign3A_102, %sign3A_105 : i32
      %ne3A_107 = arith.cmpi ne, %sign3A_99, %sign3A_106 : i32
      %rem3A_108 = arith.remsi %scan3A_89, %jit3A_91 : i32
      %ne3A_109 = arith.constant 0 : i32
      %ne3A_110 = arith.cmpi ne, %rem3A_108, %ne3A_109 : i32
      %and3A_111 = arith.andi %ne3A_107, %ne3A_110 : i1
      %sub3A_112 = arith.constant 1 : i32
      %sub3A_113 = arith.subi %div3A_92, %sub3A_112 : i32
      %select_n3A_114 = arith.select %and3A_111, %sub3A_113, %div3A_92 : i32
      %jit3A_115 = arith.constant 8 : i32
      %eq3A = arith.constant 0 : i32
      %eq3A_116 = arith.cmpi eq, %jit3A_115, %eq3A : i32
      %jit3A_117 = arith.constant 1 : i32
      %select_n3A_118 = arith.select %eq3A_116, %jit3A_117, %jit3A_115 : i32
      %rem3A_119 = arith.remsi %scan3A_89, %select_n3A_118 : i32
      %ne3A_120 = arith.constant 0 : i32
      %ne3A_121 = arith.cmpi ne, %rem3A_119, %ne3A_120 : i32
      %lt3A_122 = arith.constant 0 : i32
      %lt3A_123 = arith.cmpi slt, %rem3A_119, %lt3A_122 : i32
      %lt3A_124 = arith.constant 0 : i32
      %lt3A_125 = arith.cmpi slt, %select_n3A_118, %lt3A_124 : i32
      %ne3A_126 = arith.xori %lt3A_123, %lt3A_125 : i1
      %and3A_127 = arith.andi %ne3A_126, %ne3A_121 : i1
      %add3A_128 = arith.addi %rem3A_119, %select_n3A_118 : i32
      %select_n3A_129 = arith.select %and3A_127, %add3A_128, %rem3A_119 : i32
      %broadcast_in_dim3A = arith.constant 0.000000e+00 : f32
      %broadcast_in_dim3A_130 = vector.broadcast %broadcast_in_dim3A : f32 to vector<16xf32>
      %mul3A_131 = arith.constant 16 : i32
      %mul3A_132 = arith.muli %select_n3A_129, %mul3A_131 : i32
      %swap3A = arith.index_cast %select_n3A_114 : i32 to index
      %swap3A_133 = arith.index_cast %mul3A_132 : i32 to index
      %swap3A_134 = tpu.vector_load %arg11[%swap3A, %swap3A_133] {strides = array<i32>} : memref<128x128xf32, #tpu.memory_space<vmem>>, vector<1x16xf32>,
      %swap3A_135 = vector.shape_cast %swap3A_134 : vector<1x16xf32> to vector<16xf32>
      %swap3A_136 = vector.shape_cast %broadcast_in_dim3A_130 : vector<16xf32> to vector<1x16xf32>
      tpu.vector_store %arg11[%swap3A, %swap3A_133], %swap3A_136 {strides = array<i32>} : memref<128x128xf32, #tpu.memory_space<vmem>>, vector<1x16xf32>,
      %scan3A_137 = arith.constant 0 : i32
      scf.yield %scan3A_137 : i32
    }
    %scan3A_8 = arith.constant 640 : i32
    %while3A = arith.constant 0 : i32
    %while3A_9 = arith.constant 0 : i32
    %while3A_10 = arith.subi %select_n3A, %while3A : i32
    %while3A_11 = arith.addi %while3A, %while3A_10 : i32
    %while3A_12 = arith.constant 1 : i32
    %while3A_13 = arith.divsi %while3A_10, %while3A_12 : i32
    %while3A_14 = arith.muli %while3A_13, %while3A_12 : i32
    %while3A_15 = arith.addi %while3A, %while3A_14 : i32
    %while3A_16 = arith.constant 1 : i32
    %while3A_17 = scf.for %while3A_89 = %while3A to %while3A_15 step %while3A_16 iter_args(%while3A_90 = %while3A_9) -> (i32)  : i32 {
      %mul3A_91 = arith.constant 16 : i32
      %mul3A_92 = arith.muli %mul3A_91, %while3A_89 : i32
      %add3A_93 = arith.addi %arg1, %mul3A_92 : i32
      %mul3A_94 = arith.constant 80 : i32
      %mul3A_95 = arith.muli %add3A_93, %mul3A_94 : i32
      "tpu.region"() ({
        %run_scoped3A = tpu.sem_alloc : memref<!tpu.dma_semaphore, #tpu.memory_space<semaphore_mem>>
        %dma_start3A_97 = arith.constant 0 : i32
        %dma_start3A_98 = arith.constant 0 : i32
        %dma_start3A_99 = tpu.memref_slice %arg11[%dma_start3A_97, %dma_start3A_98] : memref<128x128xf32, #tpu.memory_space<vmem>> -> memref<80x128xf32, #tpu.memory_space<vmem>>
        %dma_start3A_100 = arith.constant 0 : i32
        %dma_start3A_101 = tpu.memref_slice %arg13[%mul3A_95, %dma_start3A_100] : memref<10000x128xf32, #tpu.memory_space<vmem_shared>> -> memref<80x128xf32, #tpu.memory_space<vmem_shared>>
        %dma_start3A_102 = arith.constant 0 : i32
        %dma_start3A_103 = tpu.memref_slice %arg13[%mul3A_95, %dma_start3A_102] : memref<10000x128xf32, #tpu.memory_space<vmem_shared>> -> memref<80x128xf32, #tpu.memory_space<vmem_shared>>
        %dma_start3A_104 = arith.constant 0 : i32
        %dma_start3A_105 = arith.constant 0 : i32
        %dma_start3A_106 = tpu.memref_slice %arg11[%dma_start3A_104, %dma_start3A_105] : memref<128x128xf32, #tpu.memory_space<vmem>> -> memref<80x128xf32, #tpu.memory_space<vmem>>
        tpu.enqueue_dma source(%dma_start3A_106 : memref<80x128xf32, #tpu.memory_space<vmem>>) target(%dma_start3A_103 : memref<80x128xf32, #tpu.memory_space<vmem_shared>>) target_semaphore(%run_scoped3A : memref<!tpu.dma_semaphore, #tpu.memory_space<semaphore_mem>>)
        %dma_wait3A_107 = arith.constant 0 : i32
        %dma_wait3A_108 = arith.constant 0 : i32
        %dma_wait3A_109 = tpu.memref_slice %arg11[%dma_wait3A_107, %dma_wait3A_108] : memref<128x128xf32, #tpu.memory_space<vmem>> -> memref<80x128xf32, #tpu.memory_space<vmem>>
        %dma_wait3A_110 = arith.constant 0 : i32
        %dma_wait3A_111 = tpu.memref_slice %arg13[%mul3A_95, %dma_wait3A_110] : memref<10000x128xf32, #tpu.memory_space<vmem_shared>> -> memref<80x128xf32, #tpu.memory_space<vmem_shared>>
        %dma_wait3A_112 = arith.constant 0 : i32
        %dma_wait3A_113 = tpu.memref_slice %arg13[%mul3A_95, %dma_wait3A_112] : memref<10000x128xf32, #tpu.memory_space<vmem_shared>> -> memref<80x128xf32, #tpu.memory_space<vmem_shared>>
        %dma_wait3A_114 = arith.constant 0 : i32
        %dma_wait3A_115 = arith.constant 0 : i32
        %dma_wait3A_116 = tpu.memref_slice %arg11[%dma_wait3A_114, %dma_wait3A_115] : memref<128x128xf32, #tpu.memory_space<vmem>> -> memref<80x128xf32, #tpu.memory_space<vmem>>
        tpu.wait_dma2 semaphore(%run_scoped3A : memref<!tpu.dma_semaphore, #tpu.memory_space<semaphore_mem>>) src(%dma_wait3A_116 : memref<80x128xf32, #tpu.memory_space<vmem>>) dst(%dma_wait3A_113 : memref<80x128xf32, #tpu.memory_space<vmem_shared>>)
        tpu.yield
      }) : () -> ()
      %while3A_96 = arith.constant 0 : i32
      scf.yield %while3A_96 : i32
    }
    %while3A_18 = arith.constant 1 : i32
    %while3A_19 = scf.for %while3A_89 = %while3A_15 to %while3A_11 step %while3A_18 iter_args(%while3A_90 = %while3A_17) -> (i32)  : i32 {
      %mul3A_91 = arith.constant 16 : i32
      %mul3A_92 = arith.muli %mul3A_91, %while3A_89 : i32
      %add3A_93 = arith.addi %arg1, %mul3A_92 : i32
      %mul3A_94 = arith.constant 80 : i32
      %mul3A_95 = arith.muli %add3A_93, %mul3A_94 : i32
      "tpu.region"() ({
        %run_scoped3A = tpu.sem_alloc : memref<!tpu.dma_semaphore, #tpu.memory_space<semaphore_mem>>
        %dma_start3A_97 = arith.constant 0 : i32
        %dma_start3A_98 = arith.constant 0 : i32
        %dma_start3A_99 = tpu.memref_slice %arg11[%dma_start3A_97, %dma_start3A_98] : memref<128x128xf32, #tpu.memory_space<vmem>> -> memref<80x128xf32, #tpu.memory_space<vmem>>
        %dma_start3A_100 = arith.constant 0 : i32
        %dma_start3A_101 = tpu.memref_slice %arg13[%mul3A_95, %dma_start3A_100] : memref<10000x128xf32, #tpu.memory_space<vmem_shared>> -> memref<80x128xf32, #tpu.memory_space<vmem_shared>>
        %dma_start3A_102 = arith.constant 0 : i32
        %dma_start3A_103 = tpu.memref_slice %arg13[%mul3A_95, %dma_start3A_102] : memref<10000x128xf32, #tpu.memory_space<vmem_shared>> -> memref<80x128xf32, #tpu.memory_space<vmem_shared>>
        %dma_start3A_104 = arith.constant 0 : i32
        %dma_start3A_105 = arith.constant 0 : i32
        %dma_start3A_106 = tpu.memref_slice %arg11[%dma_start3A_104, %dma_start3A_105] : memref<128x128xf32, #tpu.memory_space<vmem>> -> memref<80x128xf32, #tpu.memory_space<vmem>>
        tpu.enqueue_dma source(%dma_start3A_106 : memref<80x128xf32, #tpu.memory_space<vmem>>) target(%dma_start3A_103 : memref<80x128xf32, #tpu.memory_space<vmem_shared>>) target_semaphore(%run_scoped3A : memref<!tpu.dma_semaphore, #tpu.memory_space<semaphore_mem>>)
        %dma_wait3A_107 = arith.constant 0 : i32
        %dma_wait3A_108 = arith.constant 0 : i32
        %dma_wait3A_109 = tpu.memref_slice %arg11[%dma_wait3A_107, %dma_wait3A_108] : memref<128x128xf32, #tpu.memory_space<vmem>> -> memref<80x128xf32, #tpu.memory_space<vmem>>
        %dma_wait3A_110 = arith.constant 0 : i32
        %dma_wait3A_111 = tpu.memref_slice %arg13[%mul3A_95, %dma_wait3A_110] : memref<10000x128xf32, #tpu.memory_space<vmem_shared>> -> memref<80x128xf32, #tpu.memory_space<vmem_shared>>
        %dma_wait3A_112 = arith.constant 0 : i32
        %dma_wait3A_113 = tpu.memref_slice %arg13[%mul3A_95, %dma_wait3A_112] : memref<10000x128xf32, #tpu.memory_space<vmem_shared>> -> memref<80x128xf32, #tpu.memory_space<vmem_shared>>
        %dma_wait3A_114 = arith.constant 0 : i32
        %dma_wait3A_115 = arith.constant 0 : i32
        %dma_wait3A_116 = tpu.memref_slice %arg11[%dma_wait3A_114, %dma_wait3A_115] : memref<128x128xf32, #tpu.memory_space<vmem>> -> memref<80x128xf32, #tpu.memory_space<vmem>>
        tpu.wait_dma2 semaphore(%run_scoped3A : memref<!tpu.dma_semaphore, #tpu.memory_space<semaphore_mem>>) src(%dma_wait3A_116 : memref<80x128xf32, #tpu.memory_space<vmem>>) dst(%dma_wait3A_113 : memref<80x128xf32, #tpu.memory_space<vmem_shared>>)
        tpu.yield
      }) : () -> ()
      %while3A_96 = arith.constant 0 : i32
      scf.yield %while3A_96 : i32
    }
    %barrier3A = arith.constant 0 : index
    tpu.barrier barrier_id(%barrier3A)
    %lt3A_20 = arith.constant 31 : i32
    %lt3A_21 = arith.cmpi slt, %add3A, %lt3A_20 : i32
    %jit3A_22 = arith.constant 80 : i32
    %jit3A_23 = arith.constant 20 : i32
    %select_n3A_24 = arith.select %lt3A_21, %jit3A_22, %jit3A_23 : i32
    %mul3A_25 = arith.constant 80 : i32
    %mul3A_26 = arith.muli %add3A, %mul3A_25 : i32
    %mul3A_27 = arith.constant 128 : i32
    %mul3A_28 = arith.muli %mul3A_26, %mul3A_27 : i32
    "tpu.region"() ({
      %run_scoped3A = tpu.sem_alloc : memref<!tpu.dma_semaphore, #tpu.memory_space<semaphore_mem>>
      %dma_start3A_89 = tpu.memref_slice %arg3[%mul3A_28] : memref<320000xi32, #tpu.memory_space<hbm>> -> memref<1280xi32, #tpu.memory_space<hbm>>
      %dma_start3A_90 = tpu.memref_slice %arg3[%mul3A_28] : memref<320000xi32, #tpu.memory_space<hbm>> -> memref<1280xi32, #tpu.memory_space<hbm>>
      tpu.enqueue_dma source(%dma_start3A_90 : memref<1280xi32, #tpu.memory_space<hbm>>) target(%arg6 : memref<1280xi32, #tpu.memory_space<vmem>>) target_semaphore(%run_scoped3A : memref<!tpu.dma_semaphore, #tpu.memory_space<semaphore_mem>>)
      %dma_wait3A_91 = tpu.memref_slice %arg3[%mul3A_28] : memref<320000xi32, #tpu.memory_space<hbm>> -> memref<1280xi32, #tpu.memory_space<hbm>>
      %dma_wait3A_92 = tpu.memref_slice %arg3[%mul3A_28] : memref<320000xi32, #tpu.memory_space<hbm>> -> memref<1280xi32, #tpu.memory_space<hbm>>
      tpu.wait_dma2 semaphore(%run_scoped3A : memref<!tpu.dma_semaphore, #tpu.memory_space<semaphore_mem>>) src(%dma_wait3A_92 : memref<1280xi32, #tpu.memory_space<hbm>>) dst(%arg6 : memref<1280xi32, #tpu.memory_space<vmem>>)
      tpu.yield
    }) : () -> ()
    "tpu.region"() ({
      %run_scoped3A = tpu.sem_alloc : memref<!tpu.dma_semaphore, #tpu.memory_space<semaphore_mem>>
      %dma_start3A_89 = tpu.memref_slice %arg4[%mul3A_28] : memref<320000xi32, #tpu.memory_space<hbm>> -> memref<1280xi32, #tpu.memory_space<hbm>>
      %dma_start3A_90 = tpu.memref_slice %arg4[%mul3A_28] : memref<320000xi32, #tpu.memory_space<hbm>> -> memref<1280xi32, #tpu.memory_space<hbm>>
      tpu.enqueue_dma source(%dma_start3A_90 : memref<1280xi32, #tpu.memory_space<hbm>>) target(%arg8 : memref<1280xi32, #tpu.memory_space<vmem>>) target_semaphore(%run_scoped3A : memref<!tpu.dma_semaphore, #tpu.memory_space<semaphore_mem>>)
      %dma_wait3A_91 = tpu.memref_slice %arg4[%mul3A_28] : memref<320000xi32, #tpu.memory_space<hbm>> -> memref<1280xi32, #tpu.memory_space<hbm>>
      %dma_wait3A_92 = tpu.memref_slice %arg4[%mul3A_28] : memref<320000xi32, #tpu.memory_space<hbm>> -> memref<1280xi32, #tpu.memory_space<hbm>>
      tpu.wait_dma2 semaphore(%run_scoped3A : memref<!tpu.dma_semaphore, #tpu.memory_space<semaphore_mem>>) src(%dma_wait3A_92 : memref<1280xi32, #tpu.memory_space<hbm>>) dst(%arg8 : memref<1280xi32, #tpu.memory_space<vmem>>)
      tpu.yield
    }) : () -> ()
    %scan3A_29 = arith.constant 0 : i32
    %scan3A_30 = arith.constant 0 : i32
    %scan3A_31 = arith.constant 80 : i32
    %scan3A_32 = arith.addi %scan3A_30, %scan3A_31 : i32
    %scan3A_33 = arith.constant 1 : i32
    %scan3A_34 = scf.for %scan3A_89 = %scan3A_30 to %scan3A_32 step %scan3A_33 iter_args(%scan3A_90 = %scan3A_29) -> (i32)  : i32 {
      %jit3A_91 = arith.constant 8 : i32
      %div3A_92 = arith.divsi %scan3A_89, %jit3A_91 : i32
      %sign3A_93 = arith.constant 0 : i32
      %sign3A_94 = arith.cmpi sgt, %scan3A_89, %sign3A_93 : i32
      %sign3A_95 = arith.extui %sign3A_94 : i1 to i32
      %sign3A_96 = arith.constant 0 : i32
      %sign3A_97 = arith.cmpi slt, %scan3A_89, %sign3A_96 : i32
      %sign3A_98 = arith.extui %sign3A_97 : i1 to i32
      %sign3A_99 = arith.subi %sign3A_95, %sign3A_98 : i32
      %sign3A_100 = arith.constant 0 : i32
      %sign3A_101 = arith.cmpi sgt, %jit3A_91, %sign3A_100 : i32
      %sign3A_102 = arith.extui %sign3A_101 : i1 to i32
      %sign3A_103 = arith.constant 0 : i32
      %sign3A_104 = arith.cmpi slt, %jit3A_91, %sign3A_103 : i32
      %sign3A_105 = arith.extui %sign3A_104 : i1 to i32
      %sign3A_106 = arith.subi %sign3A_102, %sign3A_105 : i32
      %ne3A_107 = arith.cmpi ne, %sign3A_99, %sign3A_106 : i32
      %rem3A_108 = arith.remsi %scan3A_89, %jit3A_91 : i32
      %ne3A_109 = arith.constant 0 : i32
      %ne3A_110 = arith.cmpi ne, %rem3A_108, %ne3A_109 : i32
      %and3A_111 = arith.andi %ne3A_107, %ne3A_110 : i1
      %sub3A_112 = arith.constant 1 : i32
      %sub3A_113 = arith.subi %div3A_92, %sub3A_112 : i32
      %select_n3A_114 = arith.select %and3A_111, %sub3A_113, %div3A_92 : i32
      %jit3A_115 = arith.constant 8 : i32
      %eq3A = arith.constant 0 : i32
      %eq3A_116 = arith.cmpi eq, %jit3A_115, %eq3A : i32
      %jit3A_117 = arith.constant 1 : i32
      %select_n3A_118 = arith.select %eq3A_116, %jit3A_117, %jit3A_115 : i32
      %rem3A_119 = arith.remsi %scan3A_89, %select_n3A_118 : i32
      %ne3A_120 = arith.constant 0 : i32
      %ne3A_121 = arith.cmpi ne, %rem3A_119, %ne3A_120 : i32
      %lt3A_122 = arith.constant 0 : i32
      %lt3A_123 = arith.cmpi slt, %rem3A_119, %lt3A_122 : i32
      %lt3A_124 = arith.constant 0 : i32
      %lt3A_125 = arith.cmpi slt, %select_n3A_118, %lt3A_124 : i32
      %ne3A_126 = arith.xori %lt3A_123, %lt3A_125 : i1
      %and3A_127 = arith.andi %ne3A_126, %ne3A_121 : i1
      %add3A_128 = arith.addi %rem3A_119, %select_n3A_118 : i32
      %select_n3A_129 = arith.select %and3A_127, %add3A_128, %rem3A_119 : i32
      %mul3A_130 = arith.constant 128 : i32
      %mul3A_131 = arith.muli %select_n3A_114, %mul3A_130 : i32
      %mul3A_132 = arith.constant 16 : i32
      %mul3A_133 = arith.muli %select_n3A_129, %mul3A_132 : i32
      %add3A_134 = arith.addi %mul3A_131, %mul3A_133 : i32
      %get3A = arith.index_cast %add3A_134 : i32 to index
      %get3A_135 = tpu.vector_load %arg8[%get3A] {strides = array<i32>} : memref<1280xi32, #tpu.memory_space<vmem>>, vector<16xi32>,
      %get3A_136 = vector.shape_cast %get3A_135 : vector<16xi32> to vector<16xi32>
      %mul3A_137 = arith.constant 16 : i32
      %mul3A_138 = arith.muli %select_n3A_129, %mul3A_137 : i32
      %swap3A = arith.index_cast %select_n3A_114 : i32 to index
      %swap3A_139 = arith.index_cast %mul3A_138 : i32 to index
      %swap3A_140 = tpu.vector_load %arg9[%swap3A, %swap3A_139] {strides = array<i32>} : memref<10x128xi32, #tpu.memory_space<vmem>>, vector<1x16xi32>,
      %swap3A_141 = vector.shape_cast %swap3A_140 : vector<1x16xi32> to vector<16xi32>
      %swap3A_142 = vector.shape_cast %get3A_136 : vector<16xi32> to vector<1x16xi32>
      tpu.vector_store %arg9[%swap3A, %swap3A_139], %swap3A_142 {strides = array<i32>} : memref<10x128xi32, #tpu.memory_space<vmem>>, vector<1x16xi32>,
      %scan3A_143 = arith.constant 0 : i32
      scf.yield %scan3A_143 : i32
    }
    %scan3A_35 = arith.constant 80 : i32
    %dma_start3A = arith.constant 0 : i32
    %dma_start3A_36 = tpu.memref_slice %arg6[%dma_start3A] : memref<1280xi32, #tpu.memory_space<vmem>> -> memref<128xi32, #tpu.memory_space<vmem>>
    %dma_start3A_37 = arith.constant 0 : i32
    %dma_start3A_38 = arith.constant 0 : i32
    %dma_start3A_39 = tpu.memref_slice %arg2[%dma_start3A_37, %dma_start3A_38] : memref<10000x128xf32, #tpu.memory_space<hbm>> -> memref<10000x128xf32, #tpu.memory_space<hbm>>
    tpu.enqueue_indirect_dma source(%dma_start3A_39 : memref<10000x128xf32, #tpu.memory_space<hbm>>) target(%arg11 : memref<128x128xf32, #tpu.memory_space<vmem>>) offsets(%dma_start3A_36 : memref<128xi32, #tpu.memory_space<vmem>>) semaphore(%arg14 : memref<!tpu.dma_semaphore, #tpu.memory_space<semaphore_mem>>)
    %jit3A_40 = arith.constant 20 : i32
    %div3A = arith.divsi %select_n3A_24, %jit3A_40 : i32
    %sign3A = arith.constant 0 : i32
    %sign3A_41 = arith.cmpi sgt, %select_n3A_24, %sign3A : i32
    %sign3A_42 = arith.extui %sign3A_41 : i1 to i32
    %sign3A_43 = arith.constant 0 : i32
    %sign3A_44 = arith.cmpi slt, %select_n3A_24, %sign3A_43 : i32
    %sign3A_45 = arith.extui %sign3A_44 : i1 to i32
    %sign3A_46 = arith.subi %sign3A_42, %sign3A_45 : i32
    %sign3A_47 = arith.constant 0 : i32
    %sign3A_48 = arith.cmpi sgt, %jit3A_40, %sign3A_47 : i32
    %sign3A_49 = arith.extui %sign3A_48 : i1 to i32
    %sign3A_50 = arith.constant 0 : i32
    %sign3A_51 = arith.cmpi slt, %jit3A_40, %sign3A_50 : i32
    %sign3A_52 = arith.extui %sign3A_51 : i1 to i32
    %sign3A_53 = arith.subi %sign3A_49, %sign3A_52 : i32
    %ne3A = arith.cmpi ne, %sign3A_46, %sign3A_53 : i32
    %rem3A = arith.remsi %select_n3A_24, %jit3A_40 : i32
    %ne3A_54 = arith.constant 0 : i32
    %ne3A_55 = arith.cmpi ne, %rem3A, %ne3A_54 : i32
    %and3A = arith.andi %ne3A, %ne3A_55 : i1
    %sub3A = arith.constant 1 : i32
    %sub3A_56 = arith.subi %div3A, %sub3A : i32
    %select_n3A_57 = arith.select %and3A, %sub3A_56, %div3A : i32
    %while3A_58 = arith.constant 0 : i32
    %while3A_59 = arith.constant 0 : i32
    %while3A_60 = arith.subi %select_n3A_57, %while3A_58 : i32
    %while3A_61 = arith.addi %while3A_58, %while3A_60 : i32
    %while3A_62 = arith.constant 1 : i32
    %while3A_63 = arith.divsi %while3A_60, %while3A_62 : i32
    %while3A_64 = arith.muli %while3A_63, %while3A_62 : i32
    %while3A_65 = arith.addi %while3A_58, %while3A_64 : i32
    %while3A_66 = arith.constant 1 : i32
    %while3A_67 = scf.for %while3A_89 = %while3A_58 to %while3A_65 step %while3A_66 iter_args(%while3A_90 = %while3A_59) -> (i32)  : i32 {
      %mul3A_91 = arith.constant 2 : i32
      %mul3A_92 = arith.muli %mul3A_91, %while3A_89 : i32
      %add3A_93 = arith.constant 0 : i32
      %add3A_94 = arith.addi %mul3A_92, %add3A_93 : i32
      %gt3A = arith.constant 0 : i32
      %gt3A_95 = arith.cmpi sgt, %while3A_89, %gt3A : i32
      %convert_element_type3A = arith.extui %gt3A_95 : i1 to i32
      %cond3A = arith.constant 0 : i32
      %cond3A_96 = arith.cmpi ne, %convert_element_type3A, %cond3A : i32
      scf.if %cond3A_96 {
        %dma_wait3A_617 = arith.constant 9 : i32
        %dma_wait3A_618 = arith.constant 0 : i32
        %dma_wait3A_619 = tpu.memref_slice %arg10[%dma_wait3A_617, %dma_wait3A_618] : memref<10x128xi32, #tpu.memory_space<vmem>> -> memref<1x128xi32, #tpu.memory_space<vmem>>
        %dma_wait3A_620 = tpu.memref_squeeze %dma_wait3A_619 : memref<1x128xi32, #tpu.memory_space<vmem>> -> memref<128xi32, #tpu.memory_space<vmem>>
        %dma_wait3A_621 = arith.constant 0 : i32
        %dma_wait3A_622 = arith.constant 0 : i32
        %dma_wait3A_623 = tpu.memref_slice %arg13[%dma_wait3A_621, %dma_wait3A_622] : memref<10000x128xf32, #tpu.memory_space<vmem_shared>> -> memref<10000x128xf32, #tpu.memory_space<vmem_shared>>
        tpu.wait_indirect_dma semaphore(%arg17 : memref<!tpu.dma_semaphore, #tpu.memory_space<semaphore_mem>>) src(%arg12 : memref<128x128xf32, #tpu.memory_space<vmem>>) dst(%dma_wait3A_623 : memref<10000x128xf32, #tpu.memory_space<vmem_shared>>)
      } else {
      }
      %dma_wait3A_97 = arith.constant 0 : i32
      %dma_wait3A_98 = tpu.memref_slice %arg6[%dma_wait3A_97] : memref<1280xi32, #tpu.memory_space<vmem>> -> memref<128xi32, #tpu.memory_space<vmem>>
      %dma_wait3A_99 = arith.constant 0 : i32
      %dma_wait3A_100 = arith.constant 0 : i32
      %dma_wait3A_101 = tpu.memref_slice %arg2[%dma_wait3A_99, %dma_wait3A_100] : memref<10000x128xf32, #tpu.memory_space<hbm>> -> memref<10000x128xf32, #tpu.memory_space<hbm>>
      tpu.wait_indirect_dma semaphore(%arg14 : memref<!tpu.dma_semaphore, #tpu.memory_space<semaphore_mem>>) src(%dma_wait3A_101 : memref<10000x128xf32, #tpu.memory_space<hbm>>) dst(%arg11 : memref<128x128xf32, #tpu.memory_space<vmem>>)
      %dma_start3A_102 = arith.constant 0 : i32
      %dma_start3A_103 = arith.constant 0 : i32
      %dma_start3A_104 = tpu.memref_slice %arg9[%dma_start3A_102, %dma_start3A_103] : memref<10x128xi32, #tpu.memory_space<vmem>> -> memref<1x128xi32, #tpu.memory_space<vmem>>
      %dma_start3A_105 = tpu.memref_squeeze %dma_start3A_104 : memref<1x128xi32, #tpu.memory_space<vmem>> -> memref<128xi32, #tpu.memory_space<vmem>>
      %dma_start3A_106 = arith.constant 0 : i32
      %dma_start3A_107 = arith.constant 0 : i32
      %dma_start3A_108 = tpu.memref_slice %arg13[%dma_start3A_106, %dma_start3A_107] : memref<10000x128xf32, #tpu.memory_space<vmem_shared>> -> memref<10000x128xf32, #tpu.memory_space<vmem_shared>>
      tpu.enqueue_indirect_dma source(%arg11 : memref<128x128xf32, #tpu.memory_space<vmem>>) target(%dma_start3A_108 : memref<10000x128xf32, #tpu.memory_space<vmem_shared>>) offsets(%dma_start3A_105 : memref<128xi32, #tpu.memory_space<vmem>>) semaphore(%arg16 : memref<!tpu.dma_semaphore, #tpu.memory_space<semaphore_mem>>) {add = true}
      %dma_start3A_109 = arith.constant 128 : i32
      %dma_start3A_110 = tpu.memref_slice %arg6[%dma_start3A_109] : memref<1280xi32, #tpu.memory_space<vmem>> -> memref<128xi32, #tpu.memory_space<vmem>>
      %dma_start3A_111 = arith.constant 0 : i32
      %dma_start3A_112 = arith.constant 0 : i32
      %dma_start3A_113 = tpu.memref_slice %arg2[%dma_start3A_111, %dma_start3A_112] : memref<10000x128xf32, #tpu.memory_space<hbm>> -> memref<10000x128xf32, #tpu.memory_space<hbm>>
      tpu.enqueue_indirect_dma source(%dma_start3A_113 : memref<10000x128xf32, #tpu.memory_space<hbm>>) target(%arg12 : memref<128x128xf32, #tpu.memory_space<vmem>>) offsets(%dma_start3A_110 : memref<128xi32, #tpu.memory_space<vmem>>) semaphore(%arg15 : memref<!tpu.dma_semaphore, #tpu.memory_space<semaphore_mem>>)
      %dma_wait3A_114 = arith.constant 0 : i32
      %dma_wait3A_115 = arith.constant 0 : i32
      %dma_wait3A_116 = tpu.memref_slice %arg9[%dma_wait3A_114, %dma_wait3A_115] : memref<10x128xi32, #tpu.memory_space<vmem>> -> memref<1x128xi32, #tpu.memory_space<vmem>>
      %dma_wait3A_117 = tpu.memref_squeeze %dma_wait3A_116 : memref<1x128xi32, #tpu.memory_space<vmem>> -> memref<128xi32, #tpu.memory_space<vmem>>
      %dma_wait3A_118 = arith.constant 0 : i32
      %dma_wait3A_119 = arith.constant 0 : i32
      %dma_wait3A_120 = tpu.memref_slice %arg13[%dma_wait3A_118, %dma_wait3A_119] : memref<10000x128xf32, #tpu.memory_space<vmem_shared>> -> memref<10000x128xf32, #tpu.memory_space<vmem_shared>>
      tpu.wait_indirect_dma semaphore(%arg16 : memref<!tpu.dma_semaphore, #tpu.memory_space<semaphore_mem>>) src(%arg11 : memref<128x128xf32, #tpu.memory_space<vmem>>) dst(%dma_wait3A_120 : memref<10000x128xf32, #tpu.memory_space<vmem_shared>>)
      %add3A_121 = arith.constant 1 : i32
      %add3A_122 = arith.addi %add3A_94, %add3A_121 : i32
      %mul3A_123 = arith.constant 10 : i32
      %mul3A_124 = arith.muli %add3A_122, %mul3A_123 : i32
      %mul3A_125 = arith.constant 128 : i32
      %mul3A_126 = arith.muli %mul3A_124, %mul3A_125 : i32
      %add3A_127 = arith.addi %mul3A_28, %mul3A_126 : i32
      %dma_start3A_128 = tpu.memref_slice %arg3[%add3A_127] : memref<320000xi32, #tpu.memory_space<hbm>> -> memref<1280xi32, #tpu.memory_space<hbm>>
      %dma_start3A_129 = tpu.memref_slice %arg3[%add3A_127] : memref<320000xi32, #tpu.memory_space<hbm>> -> memref<1280xi32, #tpu.memory_space<hbm>>
      tpu.enqueue_dma source(%dma_start3A_129 : memref<1280xi32, #tpu.memory_space<hbm>>) target(%arg7 : memref<1280xi32, #tpu.memory_space<vmem>>) target_semaphore(%arg19 : memref<!tpu.dma_semaphore, #tpu.memory_space<semaphore_mem>>)
      %dma_start3A_130 = tpu.memref_slice %arg4[%add3A_127] : memref<320000xi32, #tpu.memory_space<hbm>> -> memref<1280xi32, #tpu.memory_space<hbm>>
      %dma_start3A_131 = tpu.memref_slice %arg4[%add3A_127] : memref<320000xi32, #tpu.memory_space<hbm>> -> memref<1280xi32, #tpu.memory_space<hbm>>
      tpu.enqueue_dma source(%dma_start3A_131 : memref<1280xi32, #tpu.memory_space<hbm>>) target(%arg8 : memref<1280xi32, #tpu.memory_space<vmem>>) target_semaphore(%arg19 : memref<!tpu.dma_semaphore, #tpu.memory_space<semaphore_mem>>)
      %dma_wait3A_132 = arith.constant 128 : i32
      %dma_wait3A_133 = tpu.memref_slice %arg6[%dma_wait3A_132] : memref<1280xi32, #tpu.memory_space<vmem>> -> memref<128xi32, #tpu.memory_space<vmem>>
      %dma_wait3A_134 = arith.constant 0 : i32
      %dma_wait3A_135 = arith.constant 0 : i32
      %dma_wait3A_136 = tpu.memref_slice %arg2[%dma_wait3A_134, %dma_wait3A_135] : memref<10000x128xf32, #tpu.memory_space<hbm>> -> memref<10000x128xf32, #tpu.memory_space<hbm>>
      tpu.wait_indirect_dma semaphore(%arg15 : memref<!tpu.dma_semaphore, #tpu.memory_space<semaphore_mem>>) src(%dma_wait3A_136 : memref<10000x128xf32, #tpu.memory_space<hbm>>) dst(%arg12 : memref<128x128xf32, #tpu.memory_space<vmem>>)
      %dma_start3A_137 = arith.constant 1 : i32
      %dma_start3A_138 = arith.constant 0 : i32
      %dma_start3A_139 = tpu.memref_slice %arg9[%dma_start3A_137, %dma_start3A_138] : memref<10x128xi32, #tpu.memory_space<vmem>> -> memref<1x128xi32, #tpu.memory_space<vmem>>
      %dma_start3A_140 = tpu.memref_squeeze %dma_start3A_139 : memref<1x128xi32, #tpu.memory_space<vmem>> -> memref<128xi32, #tpu.memory_space<vmem>>
      %dma_start3A_141 = arith.constant 0 : i32
      %dma_start3A_142 = arith.constant 0 : i32
      %dma_start3A_143 = tpu.memref_slice %arg13[%dma_start3A_141, %dma_start3A_142] : memref<10000x128xf32, #tpu.memory_space<vmem_shared>> -> memref<10000x128xf32, #tpu.memory_space<vmem_shared>>
      tpu.enqueue_indirect_dma source(%arg12 : memref<128x128xf32, #tpu.memory_space<vmem>>) target(%dma_start3A_143 : memref<10000x128xf32, #tpu.memory_space<vmem_shared>>) offsets(%dma_start3A_140 : memref<128xi32, #tpu.memory_space<vmem>>) semaphore(%arg17 : memref<!tpu.dma_semaphore, #tpu.memory_space<semaphore_mem>>) {add = true}
      %dma_start3A_144 = arith.constant 256 : i32
      %dma_start3A_145 = tpu.memref_slice %arg6[%dma_start3A_144] : memref<1280xi32, #tpu.memory_space<vmem>> -> memref<128xi32, #tpu.memory_space<vmem>>
      %dma_start3A_146 = arith.constant 0 : i32
      %dma_start3A_147 = arith.constant 0 : i32
      %dma_start3A_148 = tpu.memref_slice %arg2[%dma_start3A_146, %dma_start3A_147] : memref<10000x128xf32, #tpu.memory_space<hbm>> -> memref<10000x128xf32, #tpu.memory_space<hbm>>
      tpu.enqueue_indirect_dma source(%dma_start3A_148 : memref<10000x128xf32, #tpu.memory_space<hbm>>) target(%arg11 : memref<128x128xf32, #tpu.memory_space<vmem>>) offsets(%dma_start3A_145 : memref<128xi32, #tpu.memory_space<vmem>>) semaphore(%arg14 : memref<!tpu.dma_semaphore, #tpu.memory_space<semaphore_mem>>)
      %dma_wait3A_149 = arith.constant 1 : i32
      %dma_wait3A_150 = arith.constant 0 : i32
      %dma_wait3A_151 = tpu.memref_slice %arg9[%dma_wait3A_149, %dma_wait3A_150] : memref<10x128xi32, #tpu.memory_space<vmem>> -> memref<1x128xi32, #tpu.memory_space<vmem>>
      %dma_wait3A_152 = tpu.memref_squeeze %dma_wait3A_151 : memref<1x128xi32, #tpu.memory_space<vmem>> -> memref<128xi32, #tpu.memory_space<vmem>>
      %dma_wait3A_153 = arith.constant 0 : i32
      %dma_wait3A_154 = arith.constant 0 : i32
      %dma_wait3A_155 = tpu.memref_slice %arg13[%dma_wait3A_153, %dma_wait3A_154] : memref<10000x128xf32, #tpu.memory_space<vmem_shared>> -> memref<10000x128xf32, #tpu.memory_space<vmem_shared>>
      tpu.wait_indirect_dma semaphore(%arg17 : memref<!tpu.dma_semaphore, #tpu.memory_space<semaphore_mem>>) src(%arg12 : memref<128x128xf32, #tpu.memory_space<vmem>>) dst(%dma_wait3A_155 : memref<10000x128xf32, #tpu.memory_space<vmem_shared>>)
      %dma_wait3A_156 = arith.constant 256 : i32
      %dma_wait3A_157 = tpu.memref_slice %arg6[%dma_wait3A_156] : memref<1280xi32, #tpu.memory_space<vmem>> -> memref<128xi32, #tpu.memory_space<vmem>>
      %dma_wait3A_158 = arith.constant 0 : i32
      %dma_wait3A_159 = arith.constant 0 : i32
      %dma_wait3A_160 = tpu.memref_slice %arg2[%dma_wait3A_158, %dma_wait3A_159] : memref<10000x128xf32, #tpu.memory_space<hbm>> -> memref<10000x128xf32, #tpu.memory_space<hbm>>
      tpu.wait_indirect_dma semaphore(%arg14 : memref<!tpu.dma_semaphore, #tpu.memory_space<semaphore_mem>>) src(%dma_wait3A_160 : memref<10000x128xf32, #tpu.memory_space<hbm>>) dst(%arg11 : memref<128x128xf32, #tpu.memory_space<vmem>>)
      %dma_start3A_161 = arith.constant 2 : i32
      %dma_start3A_162 = arith.constant 0 : i32
      %dma_start3A_163 = tpu.memref_slice %arg9[%dma_start3A_161, %dma_start3A_162] : memref<10x128xi32, #tpu.memory_space<vmem>> -> memref<1x128xi32, #tpu.memory_space<vmem>>
      %dma_start3A_164 = tpu.memref_squeeze %dma_start3A_163 : memref<1x128xi32, #tpu.memory_space<vmem>> -> memref<128xi32, #tpu.memory_space<vmem>>
      %dma_start3A_165 = arith.constant 0 : i32
      %dma_start3A_166 = arith.constant 0 : i32
      %dma_start3A_167 = tpu.memref_slice %arg13[%dma_start3A_165, %dma_start3A_166] : memref<10000x128xf32, #tpu.memory_space<vmem_shared>> -> memref<10000x128xf32, #tpu.memory_space<vmem_shared>>
      tpu.enqueue_indirect_dma source(%arg11 : memref<128x128xf32, #tpu.memory_space<vmem>>) target(%dma_start3A_167 : memref<10000x128xf32, #tpu.memory_space<vmem_shared>>) offsets(%dma_start3A_164 : memref<128xi32, #tpu.memory_space<vmem>>) semaphore(%arg16 : memref<!tpu.dma_semaphore, #tpu.memory_space<semaphore_mem>>) {add = true}
      %dma_start3A_168 = arith.constant 384 : i32
      %dma_start3A_169 = tpu.memref_slice %arg6[%dma_start3A_168] : memref<1280xi32, #tpu.memory_space<vmem>> -> memref<128xi32, #tpu.memory_space<vmem>>
      %dma_start3A_170 = arith.constant 0 : i32
      %dma_start3A_171 = arith.constant 0 : i32
      %dma_start3A_172 = tpu.memref_slice %arg2[%dma_start3A_170, %dma_start3A_171] : memref<10000x128xf32, #tpu.memory_space<hbm>> -> memref<10000x128xf32, #tpu.memory_space<hbm>>
      tpu.enqueue_indirect_dma source(%dma_start3A_172 : memref<10000x128xf32, #tpu.memory_space<hbm>>) target(%arg12 : memref<128x128xf32, #tpu.memory_space<vmem>>) offsets(%dma_start3A_169 : memref<128xi32, #tpu.memory_space<vmem>>) semaphore(%arg15 : memref<!tpu.dma_semaphore, #tpu.memory_space<semaphore_mem>>)
      %dma_wait3A_173 = arith.constant 2 : i32
      %dma_wait3A_174 = arith.constant 0 : i32
      %dma_wait3A_175 = tpu.memref_slice %arg9[%dma_wait3A_173, %dma_wait3A_174] : memref<10x128xi32, #tpu.memory_space<vmem>> -> memref<1x128xi32, #tpu.memory_space<vmem>>
      %dma_wait3A_176 = tpu.memref_squeeze %dma_wait3A_175 : memref<1x128xi32, #tpu.memory_space<vmem>> -> memref<128xi32, #tpu.memory_space<vmem>>
      %dma_wait3A_177 = arith.constant 0 : i32
      %dma_wait3A_178 = arith.constant 0 : i32
      %dma_wait3A_179 = tpu.memref_slice %arg13[%dma_wait3A_177, %dma_wait3A_178] : memref<10000x128xf32, #tpu.memory_space<vmem_shared>> -> memref<10000x128xf32, #tpu.memory_space<vmem_shared>>
      tpu.wait_indirect_dma semaphore(%arg16 : memref<!tpu.dma_semaphore, #tpu.memory_space<semaphore_mem>>) src(%arg11 : memref<128x128xf32, #tpu.memory_space<vmem>>) dst(%dma_wait3A_179 : memref<10000x128xf32, #tpu.memory_space<vmem_shared>>)
      %dma_wait3A_180 = arith.constant 384 : i32
      %dma_wait3A_181 = tpu.memref_slice %arg6[%dma_wait3A_180] : memref<1280xi32, #tpu.memory_space<vmem>> -> memref<128xi32, #tpu.memory_space<vmem>>
      %dma_wait3A_182 = arith.constant 0 : i32
      %dma_wait3A_183 = arith.constant 0 : i32
      %dma_wait3A_184 = tpu.memref_slice %arg2[%dma_wait3A_182, %dma_wait3A_183] : memref<10000x128xf32, #tpu.memory_space<hbm>> -> memref<10000x128xf32, #tpu.memory_space<hbm>>
      tpu.wait_indirect_dma semaphore(%arg15 : memref<!tpu.dma_semaphore, #tpu.memory_space<semaphore_mem>>) src(%dma_wait3A_184 : memref<10000x128xf32, #tpu.memory_space<hbm>>) dst(%arg12 : memref<128x128xf32, #tpu.memory_space<vmem>>)
      %dma_start3A_185 = arith.constant 3 : i32
      %dma_start3A_186 = arith.constant 0 : i32
      %dma_start3A_187 = tpu.memref_slice %arg9[%dma_start3A_185, %dma_start3A_186] : memref<10x128xi32, #tpu.memory_space<vmem>> -> memref<1x128xi32, #tpu.memory_space<vmem>>
      %dma_start3A_188 = tpu.memref_squeeze %dma_start3A_187 : memref<1x128xi32, #tpu.memory_space<vmem>> -> memref<128xi32, #tpu.memory_space<vmem>>
      %dma_start3A_189 = arith.constant 0 : i32
      %dma_start3A_190 = arith.constant 0 : i32
      %dma_start3A_191 = tpu.memref_slice %arg13[%dma_start3A_189, %dma_start3A_190] : memref<10000x128xf32, #tpu.memory_space<vmem_shared>> -> memref<10000x128xf32, #tpu.memory_space<vmem_shared>>
      tpu.enqueue_indirect_dma source(%arg12 : memref<128x128xf32, #tpu.memory_space<vmem>>) target(%dma_start3A_191 : memref<10000x128xf32, #tpu.memory_space<vmem_shared>>) offsets(%dma_start3A_188 : memref<128xi32, #tpu.memory_space<vmem>>) semaphore(%arg17 : memref<!tpu.dma_semaphore, #tpu.memory_space<semaphore_mem>>) {add = true}
      %dma_start3A_192 = arith.constant 512 : i32
      %dma_start3A_193 = tpu.memref_slice %arg6[%dma_start3A_192] : memref<1280xi32, #tpu.memory_space<vmem>> -> memref<128xi32, #tpu.memory_space<vmem>>
      %dma_start3A_194 = arith.constant 0 : i32
      %dma_start3A_195 = arith.constant 0 : i32
      %dma_start3A_196 = tpu.memref_slice %arg2[%dma_start3A_194, %dma_start3A_195] : memref<10000x128xf32, #tpu.memory_space<hbm>> -> memref<10000x128xf32, #tpu.memory_space<hbm>>
      tpu.enqueue_indirect_dma source(%dma_start3A_196 : memref<10000x128xf32, #tpu.memory_space<hbm>>) target(%arg11 : memref<128x128xf32, #tpu.memory_space<vmem>>) offsets(%dma_start3A_193 : memref<128xi32, #tpu.memory_space<vmem>>) semaphore(%arg14 : memref<!tpu.dma_semaphore, #tpu.memory_space<semaphore_mem>>)
      %dma_wait3A_197 = arith.constant 3 : i32
      %dma_wait3A_198 = arith.constant 0 : i32
      %dma_wait3A_199 = tpu.memref_slice %arg9[%dma_wait3A_197, %dma_wait3A_198] : memref<10x128xi32, #tpu.memory_space<vmem>> -> memref<1x128xi32, #tpu.memory_space<vmem>>
      %dma_wait3A_200 = tpu.memref_squeeze %dma_wait3A_199 : memref<1x128xi32, #tpu.memory_space<vmem>> -> memref<128xi32, #tpu.memory_space<vmem>>
      %dma_wait3A_201 = arith.constant 0 : i32
      %dma_wait3A_202 = arith.constant 0 : i32
      %dma_wait3A_203 = tpu.memref_slice %arg13[%dma_wait3A_201, %dma_wait3A_202] : memref<10000x128xf32, #tpu.memory_space<vmem_shared>> -> memref<10000x128xf32, #tpu.memory_space<vmem_shared>>
      tpu.wait_indirect_dma semaphore(%arg17 : memref<!tpu.dma_semaphore, #tpu.memory_space<semaphore_mem>>) src(%arg12 : memref<128x128xf32, #tpu.memory_space<vmem>>) dst(%dma_wait3A_203 : memref<10000x128xf32, #tpu.memory_space<vmem_shared>>)
      %dma_wait3A_204 = arith.constant 512 : i32
      %dma_wait3A_205 = tpu.memref_slice %arg6[%dma_wait3A_204] : memref<1280xi32, #tpu.memory_space<vmem>> -> memref<128xi32, #tpu.memory_space<vmem>>
      %dma_wait3A_206 = arith.constant 0 : i32
      %dma_wait3A_207 = arith.constant 0 : i32
      %dma_wait3A_208 = tpu.memref_slice %arg2[%dma_wait3A_206, %dma_wait3A_207] : memref<10000x128xf32, #tpu.memory_space<hbm>> -> memref<10000x128xf32, #tpu.memory_space<hbm>>
      tpu.wait_indirect_dma semaphore(%arg14 : memref<!tpu.dma_semaphore, #tpu.memory_space<semaphore_mem>>) src(%dma_wait3A_208 : memref<10000x128xf32, #tpu.memory_space<hbm>>) dst(%arg11 : memref<128x128xf32, #tpu.memory_space<vmem>>)
      %dma_start3A_209 = arith.constant 4 : i32
      %dma_start3A_210 = arith.constant 0 : i32
      %dma_start3A_211 = tpu.memref_slice %arg9[%dma_start3A_209, %dma_start3A_210] : memref<10x128xi32, #tpu.memory_space<vmem>> -> memref<1x128xi32, #tpu.memory_space<vmem>>
      %dma_start3A_212 = tpu.memref_squeeze %dma_start3A_211 : memref<1x128xi32, #tpu.memory_space<vmem>> -> memref<128xi32, #tpu.memory_space<vmem>>
      %dma_start3A_213 = arith.constant 0 : i32
      %dma_start3A_214 = arith.constant 0 : i32
      %dma_start3A_215 = tpu.memref_slice %arg13[%dma_start3A_213, %dma_start3A_214] : memref<10000x128xf32, #tpu.memory_space<vmem_shared>> -> memref<10000x128xf32, #tpu.memory_space<vmem_shared>>
      tpu.enqueue_indirect_dma source(%arg11 : memref<128x128xf32, #tpu.memory_space<vmem>>) target(%dma_start3A_215 : memref<10000x128xf32, #tpu.memory_space<vmem_shared>>) offsets(%dma_start3A_212 : memref<128xi32, #tpu.memory_space<vmem>>) semaphore(%arg16 : memref<!tpu.dma_semaphore, #tpu.memory_space<semaphore_mem>>) {add = true}
      %dma_start3A_216 = arith.constant 640 : i32
      %dma_start3A_217 = tpu.memref_slice %arg6[%dma_start3A_216] : memref<1280xi32, #tpu.memory_space<vmem>> -> memref<128xi32, #tpu.memory_space<vmem>>
      %dma_start3A_218 = arith.constant 0 : i32
      %dma_start3A_219 = arith.constant 0 : i32
      %dma_start3A_220 = tpu.memref_slice %arg2[%dma_start3A_218, %dma_start3A_219] : memref<10000x128xf32, #tpu.memory_space<hbm>> -> memref<10000x128xf32, #tpu.memory_space<hbm>>
      tpu.enqueue_indirect_dma source(%dma_start3A_220 : memref<10000x128xf32, #tpu.memory_space<hbm>>) target(%arg12 : memref<128x128xf32, #tpu.memory_space<vmem>>) offsets(%dma_start3A_217 : memref<128xi32, #tpu.memory_space<vmem>>) semaphore(%arg15 : memref<!tpu.dma_semaphore, #tpu.memory_space<semaphore_mem>>)
      %dma_wait3A_221 = arith.constant 4 : i32
      %dma_wait3A_222 = arith.constant 0 : i32
      %dma_wait3A_223 = tpu.memref_slice %arg9[%dma_wait3A_221, %dma_wait3A_222] : memref<10x128xi32, #tpu.memory_space<vmem>> -> memref<1x128xi32, #tpu.memory_space<vmem>>
      %dma_wait3A_224 = tpu.memref_squeeze %dma_wait3A_223 : memref<1x128xi32, #tpu.memory_space<vmem>> -> memref<128xi32, #tpu.memory_space<vmem>>
      %dma_wait3A_225 = arith.constant 0 : i32
      %dma_wait3A_226 = arith.constant 0 : i32
      %dma_wait3A_227 = tpu.memref_slice %arg13[%dma_wait3A_225, %dma_wait3A_226] : memref<10000x128xf32, #tpu.memory_space<vmem_shared>> -> memref<10000x128xf32, #tpu.memory_space<vmem_shared>>
      tpu.wait_indirect_dma semaphore(%arg16 : memref<!tpu.dma_semaphore, #tpu.memory_space<semaphore_mem>>) src(%arg11 : memref<128x128xf32, #tpu.memory_space<vmem>>) dst(%dma_wait3A_227 : memref<10000x128xf32, #tpu.memory_space<vmem_shared>>)
      %add3A_228 = arith.constant 1 : i32
      %add3A_229 = arith.addi %add3A_94, %add3A_228 : i32
      %mul3A_230 = arith.constant 10 : i32
      %mul3A_231 = arith.muli %add3A_229, %mul3A_230 : i32
      %mul3A_232 = arith.constant 128 : i32
      %mul3A_233 = arith.muli %mul3A_231, %mul3A_232 : i32
      %add3A_234 = arith.addi %mul3A_28, %mul3A_233 : i32
      %dma_wait3A_235 = tpu.memref_slice %arg3[%add3A_234] : memref<320000xi32, #tpu.memory_space<hbm>> -> memref<1280xi32, #tpu.memory_space<hbm>>
      %dma_wait3A_236 = tpu.memref_slice %arg3[%add3A_234] : memref<320000xi32, #tpu.memory_space<hbm>> -> memref<1280xi32, #tpu.memory_space<hbm>>
      tpu.wait_dma2 semaphore(%arg19 : memref<!tpu.dma_semaphore, #tpu.memory_space<semaphore_mem>>) src(%dma_wait3A_236 : memref<1280xi32, #tpu.memory_space<hbm>>) dst(%arg7 : memref<1280xi32, #tpu.memory_space<vmem>>)
      %dma_wait3A_237 = tpu.memref_slice %arg4[%add3A_234] : memref<320000xi32, #tpu.memory_space<hbm>> -> memref<1280xi32, #tpu.memory_space<hbm>>
      %dma_wait3A_238 = tpu.memref_slice %arg4[%add3A_234] : memref<320000xi32, #tpu.memory_space<hbm>> -> memref<1280xi32, #tpu.memory_space<hbm>>
      tpu.wait_dma2 semaphore(%arg19 : memref<!tpu.dma_semaphore, #tpu.memory_space<semaphore_mem>>) src(%dma_wait3A_238 : memref<1280xi32, #tpu.memory_space<hbm>>) dst(%arg8 : memref<1280xi32, #tpu.memory_space<vmem>>)
      %scan3A_239 = arith.constant 0 : i32
      %scan3A_240 = arith.constant 0 : i32
      %scan3A_241 = arith.constant 80 : i32
      %scan3A_242 = arith.addi %scan3A_240, %scan3A_241 : i32
      %scan3A_243 = arith.constant 1 : i32
      %scan3A_244 = scf.for %scan3A_617 = %scan3A_240 to %scan3A_242 step %scan3A_243 iter_args(%scan3A_618 = %scan3A_239) -> (i32)  : i32 {
        %jit3A_619 = arith.constant 8 : i32
        %div3A_620 = arith.divsi %scan3A_617, %jit3A_619 : i32
        %sign3A_621 = arith.constant 0 : i32
        %sign3A_622 = arith.cmpi sgt, %scan3A_617, %sign3A_621 : i32
        %sign3A_623 = arith.extui %sign3A_622 : i1 to i32
        %sign3A_624 = arith.constant 0 : i32
        %sign3A_625 = arith.cmpi slt, %scan3A_617, %sign3A_624 : i32
        %sign3A_626 = arith.extui %sign3A_625 : i1 to i32
        %sign3A_627 = arith.subi %sign3A_623, %sign3A_626 : i32
        %sign3A_628 = arith.constant 0 : i32
        %sign3A_629 = arith.cmpi sgt, %jit3A_619, %sign3A_628 : i32
        %sign3A_630 = arith.extui %sign3A_629 : i1 to i32
        %sign3A_631 = arith.constant 0 : i32
        %sign3A_632 = arith.cmpi slt, %jit3A_619, %sign3A_631 : i32
        %sign3A_633 = arith.extui %sign3A_632 : i1 to i32
        %sign3A_634 = arith.subi %sign3A_630, %sign3A_633 : i32
        %ne3A_635 = arith.cmpi ne, %sign3A_627, %sign3A_634 : i32
        %rem3A_636 = arith.remsi %scan3A_617, %jit3A_619 : i32
        %ne3A_637 = arith.constant 0 : i32
        %ne3A_638 = arith.cmpi ne, %rem3A_636, %ne3A_637 : i32
        %and3A_639 = arith.andi %ne3A_635, %ne3A_638 : i1
        %sub3A_640 = arith.constant 1 : i32
        %sub3A_641 = arith.subi %div3A_620, %sub3A_640 : i32
        %select_n3A_642 = arith.select %and3A_639, %sub3A_641, %div3A_620 : i32
        %jit3A_643 = arith.constant 8 : i32
        %eq3A = arith.constant 0 : i32
        %eq3A_644 = arith.cmpi eq, %jit3A_643, %eq3A : i32
        %jit3A_645 = arith.constant 1 : i32
        %select_n3A_646 = arith.select %eq3A_644, %jit3A_645, %jit3A_643 : i32
        %rem3A_647 = arith.remsi %scan3A_617, %select_n3A_646 : i32
        %ne3A_648 = arith.constant 0 : i32
        %ne3A_649 = arith.cmpi ne, %rem3A_647, %ne3A_648 : i32
        %lt3A_650 = arith.constant 0 : i32
        %lt3A_651 = arith.cmpi slt, %rem3A_647, %lt3A_650 : i32
        %lt3A_652 = arith.constant 0 : i32
        %lt3A_653 = arith.cmpi slt, %select_n3A_646, %lt3A_652 : i32
        %ne3A_654 = arith.xori %lt3A_651, %lt3A_653 : i1
        %and3A_655 = arith.andi %ne3A_654, %ne3A_649 : i1
        %add3A_656 = arith.addi %rem3A_647, %select_n3A_646 : i32
        %select_n3A_657 = arith.select %and3A_655, %add3A_656, %rem3A_647 : i32
        %mul3A_658 = arith.constant 128 : i32
        %mul3A_659 = arith.muli %select_n3A_642, %mul3A_658 : i32
        %mul3A_660 = arith.constant 16 : i32
        %mul3A_661 = arith.muli %select_n3A_657, %mul3A_660 : i32
        %add3A_662 = arith.addi %mul3A_659, %mul3A_661 : i32
        %get3A = arith.index_cast %add3A_662 : i32 to index
        %get3A_663 = tpu.vector_load %arg8[%get3A] {strides = array<i32>} : memref<1280xi32, #tpu.memory_space<vmem>>, vector<16xi32>,
        %get3A_664 = vector.shape_cast %get3A_663 : vector<16xi32> to vector<16xi32>
        %mul3A_665 = arith.constant 16 : i32
        %mul3A_666 = arith.muli %select_n3A_657, %mul3A_665 : i32
        %swap3A = arith.index_cast %select_n3A_642 : i32 to index
        %swap3A_667 = arith.index_cast %mul3A_666 : i32 to index
        %swap3A_668 = tpu.vector_load %arg10[%swap3A, %swap3A_667] {strides = array<i32>} : memref<10x128xi32, #tpu.memory_space<vmem>>, vector<1x16xi32>,
        %swap3A_669 = vector.shape_cast %swap3A_668 : vector<1x16xi32> to vector<16xi32>
        %swap3A_670 = vector.shape_cast %get3A_664 : vector<16xi32> to vector<1x16xi32>
        tpu.vector_store %arg10[%swap3A, %swap3A_667], %swap3A_670 {strides = array<i32>} : memref<10x128xi32, #tpu.memory_space<vmem>>, vector<1x16xi32>,
        %scan3A_671 = arith.constant 0 : i32
        scf.yield %scan3A_671 : i32
      }
      %scan3A_245 = arith.constant 80 : i32
      %dma_wait3A_246 = arith.constant 640 : i32
      %dma_wait3A_247 = tpu.memref_slice %arg6[%dma_wait3A_246] : memref<1280xi32, #tpu.memory_space<vmem>> -> memref<128xi32, #tpu.memory_space<vmem>>
      %dma_wait3A_248 = arith.constant 0 : i32
      %dma_wait3A_249 = arith.constant 0 : i32
      %dma_wait3A_250 = tpu.memref_slice %arg2[%dma_wait3A_248, %dma_wait3A_249] : memref<10000x128xf32, #tpu.memory_space<hbm>> -> memref<10000x128xf32, #tpu.memory_space<hbm>>
      tpu.wait_indirect_dma semaphore(%arg15 : memref<!tpu.dma_semaphore, #tpu.memory_space<semaphore_mem>>) src(%dma_wait3A_250 : memref<10000x128xf32, #tpu.memory_space<hbm>>) dst(%arg12 : memref<128x128xf32, #tpu.memory_space<vmem>>)
      %dma_start3A_251 = arith.constant 5 : i32
      %dma_start3A_252 = arith.constant 0 : i32
      %dma_start3A_253 = tpu.memref_slice %arg9[%dma_start3A_251, %dma_start3A_252] : memref<10x128xi32, #tpu.memory_space<vmem>> -> memref<1x128xi32, #tpu.memory_space<vmem>>
      %dma_start3A_254 = tpu.memref_squeeze %dma_start3A_253 : memref<1x128xi32, #tpu.memory_space<vmem>> -> memref<128xi32, #tpu.memory_space<vmem>>
      %dma_start3A_255 = arith.constant 0 : i32
      %dma_start3A_256 = arith.constant 0 : i32
      %dma_start3A_257 = tpu.memref_slice %arg13[%dma_start3A_255, %dma_start3A_256] : memref<10000x128xf32, #tpu.memory_space<vmem_shared>> -> memref<10000x128xf32, #tpu.memory_space<vmem_shared>>
      tpu.enqueue_indirect_dma source(%arg12 : memref<128x128xf32, #tpu.memory_space<vmem>>) target(%dma_start3A_257 : memref<10000x128xf32, #tpu.memory_space<vmem_shared>>) offsets(%dma_start3A_254 : memref<128xi32, #tpu.memory_space<vmem>>) semaphore(%arg17 : memref<!tpu.dma_semaphore, #tpu.memory_space<semaphore_mem>>) {add = true}
      %dma_start3A_258 = arith.constant 768 : i32
      %dma_start3A_259 = tpu.memref_slice %arg6[%dma_start3A_258] : memref<1280xi32, #tpu.memory_space<vmem>> -> memref<128xi32, #tpu.memory_space<vmem>>
      %dma_start3A_260 = arith.constant 0 : i32
      %dma_start3A_261 = arith.constant 0 : i32
      %dma_start3A_262 = tpu.memref_slice %arg2[%dma_start3A_260, %dma_start3A_261] : memref<10000x128xf32, #tpu.memory_space<hbm>> -> memref<10000x128xf32, #tpu.memory_space<hbm>>
      tpu.enqueue_indirect_dma source(%dma_start3A_262 : memref<10000x128xf32, #tpu.memory_space<hbm>>) target(%arg11 : memref<128x128xf32, #tpu.memory_space<vmem>>) offsets(%dma_start3A_259 : memref<128xi32, #tpu.memory_space<vmem>>) semaphore(%arg14 : memref<!tpu.dma_semaphore, #tpu.memory_space<semaphore_mem>>)
      %dma_wait3A_263 = arith.constant 5 : i32
      %dma_wait3A_264 = arith.constant 0 : i32
      %dma_wait3A_265 = tpu.memref_slice %arg9[%dma_wait3A_263, %dma_wait3A_264] : memref<10x128xi32, #tpu.memory_space<vmem>> -> memref<1x128xi32, #tpu.memory_space<vmem>>
      %dma_wait3A_266 = tpu.memref_squeeze %dma_wait3A_265 : memref<1x128xi32, #tpu.memory_space<vmem>> -> memref<128xi32, #tpu.memory_space<vmem>>
      %dma_wait3A_267 = arith.constant 0 : i32
      %dma_wait3A_268 = arith.constant 0 : i32
      %dma_wait3A_269 = tpu.memref_slice %arg13[%dma_wait3A_267, %dma_wait3A_268] : memref<10000x128xf32, #tpu.memory_space<vmem_shared>> -> memref<10000x128xf32, #tpu.memory_space<vmem_shared>>
      tpu.wait_indirect_dma semaphore(%arg17 : memref<!tpu.dma_semaphore, #tpu.memory_space<semaphore_mem>>) src(%arg12 : memref<128x128xf32, #tpu.memory_space<vmem>>) dst(%dma_wait3A_269 : memref<10000x128xf32, #tpu.memory_space<vmem_shared>>)
      %dma_wait3A_270 = arith.constant 768 : i32
      %dma_wait3A_271 = tpu.memref_slice %arg6[%dma_wait3A_270] : memref<1280xi32, #tpu.memory_space<vmem>> -> memref<128xi32, #tpu.memory_space<vmem>>
      %dma_wait3A_272 = arith.constant 0 : i32
      %dma_wait3A_273 = arith.constant 0 : i32
      %dma_wait3A_274 = tpu.memref_slice %arg2[%dma_wait3A_272, %dma_wait3A_273] : memref<10000x128xf32, #tpu.memory_space<hbm>> -> memref<10000x128xf32, #tpu.memory_space<hbm>>
      tpu.wait_indirect_dma semaphore(%arg14 : memref<!tpu.dma_semaphore, #tpu.memory_space<semaphore_mem>>) src(%dma_wait3A_274 : memref<10000x128xf32, #tpu.memory_space<hbm>>) dst(%arg11 : memref<128x128xf32, #tpu.memory_space<vmem>>)
      %dma_start3A_275 = arith.constant 6 : i32
      %dma_start3A_276 = arith.constant 0 : i32
      %dma_start3A_277 = tpu.memref_slice %arg9[%dma_start3A_275, %dma_start3A_276] : memref<10x128xi32, #tpu.memory_space<vmem>> -> memref<1x128xi32, #tpu.memory_space<vmem>>
      %dma_start3A_278 = tpu.memref_squeeze %dma_start3A_277 : memref<1x128xi32, #tpu.memory_space<vmem>> -> memref<128xi32, #tpu.memory_space<vmem>>
      %dma_start3A_279 = arith.constant 0 : i32
      %dma_start3A_280 = arith.constant 0 : i32
      %dma_start3A_281 = tpu.memref_slice %arg13[%dma_start3A_279, %dma_start3A_280] : memref<10000x128xf32, #tpu.memory_space<vmem_shared>> -> memref<10000x128xf32, #tpu.memory_space<vmem_shared>>
      tpu.enqueue_indirect_dma source(%arg11 : memref<128x128xf32, #tpu.memory_space<vmem>>) target(%dma_start3A_281 : memref<10000x128xf32, #tpu.memory_space<vmem_shared>>) offsets(%dma_start3A_278 : memref<128xi32, #tpu.memory_space<vmem>>) semaphore(%arg16 : memref<!tpu.dma_semaphore, #tpu.memory_space<semaphore_mem>>) {add = true}
      %dma_start3A_282 = arith.constant 896 : i32
      %dma_start3A_283 = tpu.memref_slice %arg6[%dma_start3A_282] : memref<1280xi32, #tpu.memory_space<vmem>> -> memref<128xi32, #tpu.memory_space<vmem>>
      %dma_start3A_284 = arith.constant 0 : i32
      %dma_start3A_285 = arith.constant 0 : i32
      %dma_start3A_286 = tpu.memref_slice %arg2[%dma_start3A_284, %dma_start3A_285] : memref<10000x128xf32, #tpu.memory_space<hbm>> -> memref<10000x128xf32, #tpu.memory_space<hbm>>
      tpu.enqueue_indirect_dma source(%dma_start3A_286 : memref<10000x128xf32, #tpu.memory_space<hbm>>) target(%arg12 : memref<128x128xf32, #tpu.memory_space<vmem>>) offsets(%dma_start3A_283 : memref<128xi32, #tpu.memory_space<vmem>>) semaphore(%arg15 : memref<!tpu.dma_semaphore, #tpu.memory_space<semaphore_mem>>)
      %dma_wait3A_287 = arith.constant 6 : i32
      %dma_wait3A_288 = arith.constant 0 : i32
      %dma_wait3A_289 = tpu.memref_slice %arg9[%dma_wait3A_287, %dma_wait3A_288] : memref<10x128xi32, #tpu.memory_space<vmem>> -> memref<1x128xi32, #tpu.memory_space<vmem>>
      %dma_wait3A_290 = tpu.memref_squeeze %dma_wait3A_289 : memref<1x128xi32, #tpu.memory_space<vmem>> -> memref<128xi32, #tpu.memory_space<vmem>>
      %dma_wait3A_291 = arith.constant 0 : i32
      %dma_wait3A_292 = arith.constant 0 : i32
      %dma_wait3A_293 = tpu.memref_slice %arg13[%dma_wait3A_291, %dma_wait3A_292] : memref<10000x128xf32, #tpu.memory_space<vmem_shared>> -> memref<10000x128xf32, #tpu.memory_space<vmem_shared>>
      tpu.wait_indirect_dma semaphore(%arg16 : memref<!tpu.dma_semaphore, #tpu.memory_space<semaphore_mem>>) src(%arg11 : memref<128x128xf32, #tpu.memory_space<vmem>>) dst(%dma_wait3A_293 : memref<10000x128xf32, #tpu.memory_space<vmem_shared>>)
      %dma_wait3A_294 = arith.constant 896 : i32
      %dma_wait3A_295 = tpu.memref_slice %arg6[%dma_wait3A_294] : memref<1280xi32, #tpu.memory_space<vmem>> -> memref<128xi32, #tpu.memory_space<vmem>>
      %dma_wait3A_296 = arith.constant 0 : i32
      %dma_wait3A_297 = arith.constant 0 : i32
      %dma_wait3A_298 = tpu.memref_slice %arg2[%dma_wait3A_296, %dma_wait3A_297] : memref<10000x128xf32, #tpu.memory_space<hbm>> -> memref<10000x128xf32, #tpu.memory_space<hbm>>
      tpu.wait_indirect_dma semaphore(%arg15 : memref<!tpu.dma_semaphore, #tpu.memory_space<semaphore_mem>>) src(%dma_wait3A_298 : memref<10000x128xf32, #tpu.memory_space<hbm>>) dst(%arg12 : memref<128x128xf32, #tpu.memory_space<vmem>>)
      %dma_start3A_299 = arith.constant 7 : i32
      %dma_start3A_300 = arith.constant 0 : i32
      %dma_start3A_301 = tpu.memref_slice %arg9[%dma_start3A_299, %dma_start3A_300] : memref<10x128xi32, #tpu.memory_space<vmem>> -> memref<1x128xi32, #tpu.memory_space<vmem>>
      %dma_start3A_302 = tpu.memref_squeeze %dma_start3A_301 : memref<1x128xi32, #tpu.memory_space<vmem>> -> memref<128xi32, #tpu.memory_space<vmem>>
      %dma_start3A_303 = arith.constant 0 : i32
      %dma_start3A_304 = arith.constant 0 : i32
      %dma_start3A_305 = tpu.memref_slice %arg13[%dma_start3A_303, %dma_start3A_304] : memref<10000x128xf32, #tpu.memory_space<vmem_shared>> -> memref<10000x128xf32, #tpu.memory_space<vmem_shared>>
      tpu.enqueue_indirect_dma source(%arg12 : memref<128x128xf32, #tpu.memory_space<vmem>>) target(%dma_start3A_305 : memref<10000x128xf32, #tpu.memory_space<vmem_shared>>) offsets(%dma_start3A_302 : memref<128xi32, #tpu.memory_space<vmem>>) semaphore(%arg17 : memref<!tpu.dma_semaphore, #tpu.memory_space<semaphore_mem>>) {add = true}
      %dma_start3A_306 = arith.constant 1024 : i32
      %dma_start3A_307 = tpu.memref_slice %arg6[%dma_start3A_306] : memref<1280xi32, #tpu.memory_space<vmem>> -> memref<128xi32, #tpu.memory_space<vmem>>
      %dma_start3A_308 = arith.constant 0 : i32
      %dma_start3A_309 = arith.constant 0 : i32
      %dma_start3A_310 = tpu.memref_slice %arg2[%dma_start3A_308, %dma_start3A_309] : memref<10000x128xf32, #tpu.memory_space<hbm>> -> memref<10000x128xf32, #tpu.memory_space<hbm>>
      tpu.enqueue_indirect_dma source(%dma_start3A_310 : memref<10000x128xf32, #tpu.memory_space<hbm>>) target(%arg11 : memref<128x128xf32, #tpu.memory_space<vmem>>) offsets(%dma_start3A_307 : memref<128xi32, #tpu.memory_space<vmem>>) semaphore(%arg14 : memref<!tpu.dma_semaphore, #tpu.memory_space<semaphore_mem>>)
      %dma_wait3A_311 = arith.constant 7 : i32
      %dma_wait3A_312 = arith.constant 0 : i32
      %dma_wait3A_313 = tpu.memref_slice %arg9[%dma_wait3A_311, %dma_wait3A_312] : memref<10x128xi32, #tpu.memory_space<vmem>> -> memref<1x128xi32, #tpu.memory_space<vmem>>
      %dma_wait3A_314 = tpu.memref_squeeze %dma_wait3A_313 : memref<1x128xi32, #tpu.memory_space<vmem>> -> memref<128xi32, #tpu.memory_space<vmem>>
      %dma_wait3A_315 = arith.constant 0 : i32
      %dma_wait3A_316 = arith.constant 0 : i32
      %dma_wait3A_317 = tpu.memref_slice %arg13[%dma_wait3A_315, %dma_wait3A_316] : memref<10000x128xf32, #tpu.memory_space<vmem_shared>> -> memref<10000x128xf32, #tpu.memory_space<vmem_shared>>
      tpu.wait_indirect_dma semaphore(%arg17 : memref<!tpu.dma_semaphore, #tpu.memory_space<semaphore_mem>>) src(%arg12 : memref<128x128xf32, #tpu.memory_space<vmem>>) dst(%dma_wait3A_317 : memref<10000x128xf32, #tpu.memory_space<vmem_shared>>)
      %dma_wait3A_318 = arith.constant 1024 : i32
      %dma_wait3A_319 = tpu.memref_slice %arg6[%dma_wait3A_318] : memref<1280xi32, #tpu.memory_space<vmem>> -> memref<128xi32, #tpu.memory_space<vmem>>
      %dma_wait3A_320 = arith.constant 0 : i32
      %dma_wait3A_321 = arith.constant 0 : i32
      %dma_wait3A_322 = tpu.memref_slice %arg2[%dma_wait3A_320, %dma_wait3A_321] : memref<10000x128xf32, #tpu.memory_space<hbm>> -> memref<10000x128xf32, #tpu.memory_space<hbm>>
      tpu.wait_indirect_dma semaphore(%arg14 : memref<!tpu.dma_semaphore, #tpu.memory_space<semaphore_mem>>) src(%dma_wait3A_322 : memref<10000x128xf32, #tpu.memory_space<hbm>>) dst(%arg11 : memref<128x128xf32, #tpu.memory_space<vmem>>)
      %dma_start3A_323 = arith.constant 8 : i32
      %dma_start3A_324 = arith.constant 0 : i32
      %dma_start3A_325 = tpu.memref_slice %arg9[%dma_start3A_323, %dma_start3A_324] : memref<10x128xi32, #tpu.memory_space<vmem>> -> memref<1x128xi32, #tpu.memory_space<vmem>>
      %dma_start3A_326 = tpu.memref_squeeze %dma_start3A_325 : memref<1x128xi32, #tpu.memory_space<vmem>> -> memref<128xi32, #tpu.memory_space<vmem>>
      %dma_start3A_327 = arith.constant 0 : i32
      %dma_start3A_328 = arith.constant 0 : i32
      %dma_start3A_329 = tpu.memref_slice %arg13[%dma_start3A_327, %dma_start3A_328] : memref<10000x128xf32, #tpu.memory_space<vmem_shared>> -> memref<10000x128xf32, #tpu.memory_space<vmem_shared>>
      tpu.enqueue_indirect_dma source(%arg11 : memref<128x128xf32, #tpu.memory_space<vmem>>) target(%dma_start3A_329 : memref<10000x128xf32, #tpu.memory_space<vmem_shared>>) offsets(%dma_start3A_326 : memref<128xi32, #tpu.memory_space<vmem>>) semaphore(%arg16 : memref<!tpu.dma_semaphore, #tpu.memory_space<semaphore_mem>>) {add = true}
      %dma_start3A_330 = arith.constant 1152 : i32
      %dma_start3A_331 = tpu.memref_slice %arg6[%dma_start3A_330] : memref<1280xi32, #tpu.memory_space<vmem>> -> memref<128xi32, #tpu.memory_space<vmem>>
      %dma_start3A_332 = arith.constant 0 : i32
      %dma_start3A_333 = arith.constant 0 : i32
      %dma_start3A_334 = tpu.memref_slice %arg2[%dma_start3A_332, %dma_start3A_333] : memref<10000x128xf32, #tpu.memory_space<hbm>> -> memref<10000x128xf32, #tpu.memory_space<hbm>>
      tpu.enqueue_indirect_dma source(%dma_start3A_334 : memref<10000x128xf32, #tpu.memory_space<hbm>>) target(%arg12 : memref<128x128xf32, #tpu.memory_space<vmem>>) offsets(%dma_start3A_331 : memref<128xi32, #tpu.memory_space<vmem>>) semaphore(%arg15 : memref<!tpu.dma_semaphore, #tpu.memory_space<semaphore_mem>>)
      %dma_wait3A_335 = arith.constant 8 : i32
      %dma_wait3A_336 = arith.constant 0 : i32
      %dma_wait3A_337 = tpu.memref_slice %arg9[%dma_wait3A_335, %dma_wait3A_336] : memref<10x128xi32, #tpu.memory_space<vmem>> -> memref<1x128xi32, #tpu.memory_space<vmem>>
      %dma_wait3A_338 = tpu.memref_squeeze %dma_wait3A_337 : memref<1x128xi32, #tpu.memory_space<vmem>> -> memref<128xi32, #tpu.memory_space<vmem>>
      %dma_wait3A_339 = arith.constant 0 : i32
      %dma_wait3A_340 = arith.constant 0 : i32
      %dma_wait3A_341 = tpu.memref_slice %arg13[%dma_wait3A_339, %dma_wait3A_340] : memref<10000x128xf32, #tpu.memory_space<vmem_shared>> -> memref<10000x128xf32, #tpu.memory_space<vmem_shared>>
      tpu.wait_indirect_dma semaphore(%arg16 : memref<!tpu.dma_semaphore, #tpu.memory_space<semaphore_mem>>) src(%arg11 : memref<128x128xf32, #tpu.memory_space<vmem>>) dst(%dma_wait3A_341 : memref<10000x128xf32, #tpu.memory_space<vmem_shared>>)
      %dma_wait3A_342 = arith.constant 1152 : i32
      %dma_wait3A_343 = tpu.memref_slice %arg6[%dma_wait3A_342] : memref<1280xi32, #tpu.memory_space<vmem>> -> memref<128xi32, #tpu.memory_space<vmem>>
      %dma_wait3A_344 = arith.constant 0 : i32
      %dma_wait3A_345 = arith.constant 0 : i32
      %dma_wait3A_346 = tpu.memref_slice %arg2[%dma_wait3A_344, %dma_wait3A_345] : memref<10000x128xf32, #tpu.memory_space<hbm>> -> memref<10000x128xf32, #tpu.memory_space<hbm>>
      tpu.wait_indirect_dma semaphore(%arg15 : memref<!tpu.dma_semaphore, #tpu.memory_space<semaphore_mem>>) src(%dma_wait3A_346 : memref<10000x128xf32, #tpu.memory_space<hbm>>) dst(%arg12 : memref<128x128xf32, #tpu.memory_space<vmem>>)
      %dma_start3A_347 = arith.constant 9 : i32
      %dma_start3A_348 = arith.constant 0 : i32
      %dma_start3A_349 = tpu.memref_slice %arg9[%dma_start3A_347, %dma_start3A_348] : memref<10x128xi32, #tpu.memory_space<vmem>> -> memref<1x128xi32, #tpu.memory_space<vmem>>
      %dma_start3A_350 = tpu.memref_squeeze %dma_start3A_349 : memref<1x128xi32, #tpu.memory_space<vmem>> -> memref<128xi32, #tpu.memory_space<vmem>>
      %dma_start3A_351 = arith.constant 0 : i32
      %dma_start3A_352 = arith.constant 0 : i32
      %dma_start3A_353 = tpu.memref_slice %arg13[%dma_start3A_351, %dma_start3A_352] : memref<10000x128xf32, #tpu.memory_space<vmem_shared>> -> memref<10000x128xf32, #tpu.memory_space<vmem_shared>>
      tpu.enqueue_indirect_dma source(%arg12 : memref<128x128xf32, #tpu.memory_space<vmem>>) target(%dma_start3A_353 : memref<10000x128xf32, #tpu.memory_space<vmem_shared>>) offsets(%dma_start3A_350 : memref<128xi32, #tpu.memory_space<vmem>>) semaphore(%arg17 : memref<!tpu.dma_semaphore, #tpu.memory_space<semaphore_mem>>) {add = true}
      %dma_start3A_354 = arith.constant 0 : i32
      %dma_start3A_355 = tpu.memref_slice %arg7[%dma_start3A_354] : memref<1280xi32, #tpu.memory_space<vmem>> -> memref<128xi32, #tpu.memory_space<vmem>>
      %dma_start3A_356 = arith.constant 0 : i32
      %dma_start3A_357 = arith.constant 0 : i32
      %dma_start3A_358 = tpu.memref_slice %arg2[%dma_start3A_356, %dma_start3A_357] : memref<10000x128xf32, #tpu.memory_space<hbm>> -> memref<10000x128xf32, #tpu.memory_space<hbm>>
      tpu.enqueue_indirect_dma source(%dma_start3A_358 : memref<10000x128xf32, #tpu.memory_space<hbm>>) target(%arg11 : memref<128x128xf32, #tpu.memory_space<vmem>>) offsets(%dma_start3A_355 : memref<128xi32, #tpu.memory_space<vmem>>) semaphore(%arg14 : memref<!tpu.dma_semaphore, #tpu.memory_space<semaphore_mem>>)
      %mul3A_359 = arith.constant 2 : i32
      %mul3A_360 = arith.muli %mul3A_359, %while3A_89 : i32
      %add3A_361 = arith.constant 1 : i32
      %add3A_362 = arith.addi %mul3A_360, %add3A_361 : i32
      %dma_wait3A_363 = arith.constant 9 : i32
      %dma_wait3A_364 = arith.constant 0 : i32
      %dma_wait3A_365 = tpu.memref_slice %arg9[%dma_wait3A_363, %dma_wait3A_364] : memref<10x128xi32, #tpu.memory_space<vmem>> -> memref<1x128xi32, #tpu.memory_space<vmem>>
      %dma_wait3A_366 = tpu.memref_squeeze %dma_wait3A_365 : memref<1x128xi32, #tpu.memory_space<vmem>> -> memref<128xi32, #tpu.memory_space<vmem>>
      %dma_wait3A_367 = arith.constant 0 : i32
      %dma_wait3A_368 = arith.constant 0 : i32
      %dma_wait3A_369 = tpu.memref_slice %arg13[%dma_wait3A_367, %dma_wait3A_368] : memref<10000x128xf32, #tpu.memory_space<vmem_shared>> -> memref<10000x128xf32, #tpu.memory_space<vmem_shared>>
      tpu.wait_indirect_dma semaphore(%arg17 : memref<!tpu.dma_semaphore, #tpu.memory_space<semaphore_mem>>) src(%arg12 : memref<128x128xf32, #tpu.memory_space<vmem>>) dst(%dma_wait3A_369 : memref<10000x128xf32, #tpu.memory_space<vmem_shared>>)
      %dma_wait3A_370 = arith.constant 0 : i32
      %dma_wait3A_371 = tpu.memref_slice %arg7[%dma_wait3A_370] : memref<1280xi32, #tpu.memory_space<vmem>> -> memref<128xi32, #tpu.memory_space<vmem>>
      %dma_wait3A_372 = arith.constant 0 : i32
      %dma_wait3A_373 = arith.constant 0 : i32
      %dma_wait3A_374 = tpu.memref_slice %arg2[%dma_wait3A_372, %dma_wait3A_373] : memref<10000x128xf32, #tpu.memory_space<hbm>> -> memref<10000x128xf32, #tpu.memory_space<hbm>>
      tpu.wait_indirect_dma semaphore(%arg14 : memref<!tpu.dma_semaphore, #tpu.memory_space<semaphore_mem>>) src(%dma_wait3A_374 : memref<10000x128xf32, #tpu.memory_space<hbm>>) dst(%arg11 : memref<128x128xf32, #tpu.memory_space<vmem>>)
      %dma_start3A_375 = arith.constant 0 : i32
      %dma_start3A_376 = arith.constant 0 : i32
      %dma_start3A_377 = tpu.memref_slice %arg10[%dma_start3A_375, %dma_start3A_376] : memref<10x128xi32, #tpu.memory_space<vmem>> -> memref<1x128xi32, #tpu.memory_space<vmem>>
      %dma_start3A_378 = tpu.memref_squeeze %dma_start3A_377 : memref<1x128xi32, #tpu.memory_space<vmem>> -> memref<128xi32, #tpu.memory_space<vmem>>
      %dma_start3A_379 = arith.constant 0 : i32
      %dma_start3A_380 = arith.constant 0 : i32
      %dma_start3A_381 = tpu.memref_slice %arg13[%dma_start3A_379, %dma_start3A_380] : memref<10000x128xf32, #tpu.memory_space<vmem_shared>> -> memref<10000x128xf32, #tpu.memory_space<vmem_shared>>
      tpu.enqueue_indirect_dma source(%arg11 : memref<128x128xf32, #tpu.memory_space<vmem>>) target(%dma_start3A_381 : memref<10000x128xf32, #tpu.memory_space<vmem_shared>>) offsets(%dma_start3A_378 : memref<128xi32, #tpu.memory_space<vmem>>) semaphore(%arg16 : memref<!tpu.dma_semaphore, #tpu.memory_space<semaphore_mem>>) {add = true}
      %dma_start3A_382 = arith.constant 128 : i32
      %dma_start3A_383 = tpu.memref_slice %arg7[%dma_start3A_382] : memref<1280xi32, #tpu.memory_space<vmem>> -> memref<128xi32, #tpu.memory_space<vmem>>
      %dma_start3A_384 = arith.constant 0 : i32
      %dma_start3A_385 = arith.constant 0 : i32
      %dma_start3A_386 = tpu.memref_slice %arg2[%dma_start3A_384, %dma_start3A_385] : memref<10000x128xf32, #tpu.memory_space<hbm>> -> memref<10000x128xf32, #tpu.memory_space<hbm>>
      tpu.enqueue_indirect_dma source(%dma_start3A_386 : memref<10000x128xf32, #tpu.memory_space<hbm>>) target(%arg12 : memref<128x128xf32, #tpu.memory_space<vmem>>) offsets(%dma_start3A_383 : memref<128xi32, #tpu.memory_space<vmem>>) semaphore(%arg15 : memref<!tpu.dma_semaphore, #tpu.memory_space<semaphore_mem>>)
      %dma_wait3A_387 = arith.constant 0 : i32
      %dma_wait3A_388 = arith.constant 0 : i32
      %dma_wait3A_389 = tpu.memref_slice %arg10[%dma_wait3A_387, %dma_wait3A_388] : memref<10x128xi32, #tpu.memory_space<vmem>> -> memref<1x128xi32, #tpu.memory_space<vmem>>
      %dma_wait3A_390 = tpu.memref_squeeze %dma_wait3A_389 : memref<1x128xi32, #tpu.memory_space<vmem>> -> memref<128xi32, #tpu.memory_space<vmem>>
      %dma_wait3A_391 = arith.constant 0 : i32
      %dma_wait3A_392 = arith.constant 0 : i32
      %dma_wait3A_393 = tpu.memref_slice %arg13[%dma_wait3A_391, %dma_wait3A_392] : memref<10000x128xf32, #tpu.memory_space<vmem_shared>> -> memref<10000x128xf32, #tpu.memory_space<vmem_shared>>
      tpu.wait_indirect_dma semaphore(%arg16 : memref<!tpu.dma_semaphore, #tpu.memory_space<semaphore_mem>>) src(%arg11 : memref<128x128xf32, #tpu.memory_space<vmem>>) dst(%dma_wait3A_393 : memref<10000x128xf32, #tpu.memory_space<vmem_shared>>)
      %sub3A_394 = arith.constant 1 : i32
      %sub3A_395 = arith.subi %select_n3A_57, %sub3A_394 : i32
      %lt3A_396 = arith.cmpi slt, %while3A_89, %sub3A_395 : i32
      %convert_element_type3A_397 = arith.extui %lt3A_396 : i1 to i32
      %cond3A_398 = arith.constant 0 : i32
      %cond3A_399 = arith.cmpi ne, %convert_element_type3A_397, %cond3A_398 : i32
      scf.if %cond3A_399 {
        %add3A_617 = arith.constant 1 : i32
        %add3A_618 = arith.addi %add3A_362, %add3A_617 : i32
        %mul3A_619 = arith.constant 10 : i32
        %mul3A_620 = arith.muli %add3A_618, %mul3A_619 : i32
        %mul3A_621 = arith.constant 128 : i32
        %mul3A_622 = arith.muli %mul3A_620, %mul3A_621 : i32
        %add3A_623 = arith.addi %mul3A_28, %mul3A_622 : i32
        %dma_start3A_624 = tpu.memref_slice %arg3[%add3A_623] : memref<320000xi32, #tpu.memory_space<hbm>> -> memref<1280xi32, #tpu.memory_space<hbm>>
        %dma_start3A_625 = tpu.memref_slice %arg3[%add3A_623] : memref<320000xi32, #tpu.memory_space<hbm>> -> memref<1280xi32, #tpu.memory_space<hbm>>
        tpu.enqueue_dma source(%dma_start3A_625 : memref<1280xi32, #tpu.memory_space<hbm>>) target(%arg6 : memref<1280xi32, #tpu.memory_space<vmem>>) target_semaphore(%arg18 : memref<!tpu.dma_semaphore, #tpu.memory_space<semaphore_mem>>)
        %dma_start3A_626 = tpu.memref_slice %arg4[%add3A_623] : memref<320000xi32, #tpu.memory_space<hbm>> -> memref<1280xi32, #tpu.memory_space<hbm>>
        %dma_start3A_627 = tpu.memref_slice %arg4[%add3A_623] : memref<320000xi32, #tpu.memory_space<hbm>> -> memref<1280xi32, #tpu.memory_space<hbm>>
        tpu.enqueue_dma source(%dma_start3A_627 : memref<1280xi32, #tpu.memory_space<hbm>>) target(%arg8 : memref<1280xi32, #tpu.memory_space<vmem>>) target_semaphore(%arg18 : memref<!tpu.dma_semaphore, #tpu.memory_space<semaphore_mem>>)
      } else {
      }
      %dma_wait3A_400 = arith.constant 128 : i32
      %dma_wait3A_401 = tpu.memref_slice %arg7[%dma_wait3A_400] : memref<1280xi32, #tpu.memory_space<vmem>> -> memref<128xi32, #tpu.memory_space<vmem>>
      %dma_wait3A_402 = arith.constant 0 : i32
      %dma_wait3A_403 = arith.constant 0 : i32
      %dma_wait3A_404 = tpu.memref_slice %arg2[%dma_wait3A_402, %dma_wait3A_403] : memref<10000x128xf32, #tpu.memory_space<hbm>> -> memref<10000x128xf32, #tpu.memory_space<hbm>>
      tpu.wait_indirect_dma semaphore(%arg15 : memref<!tpu.dma_semaphore, #tpu.memory_space<semaphore_mem>>) src(%dma_wait3A_404 : memref<10000x128xf32, #tpu.memory_space<hbm>>) dst(%arg12 : memref<128x128xf32, #tpu.memory_space<vmem>>)
      %dma_start3A_405 = arith.constant 1 : i32
      %dma_start3A_406 = arith.constant 0 : i32
      %dma_start3A_407 = tpu.memref_slice %arg10[%dma_start3A_405, %dma_start3A_406] : memref<10x128xi32, #tpu.memory_space<vmem>> -> memref<1x128xi32, #tpu.memory_space<vmem>>
      %dma_start3A_408 = tpu.memref_squeeze %dma_start3A_407 : memref<1x128xi32, #tpu.memory_space<vmem>> -> memref<128xi32, #tpu.memory_space<vmem>>
      %dma_start3A_409 = arith.constant 0 : i32
      %dma_start3A_410 = arith.constant 0 : i32
      %dma_start3A_411 = tpu.memref_slice %arg13[%dma_start3A_409, %dma_start3A_410] : memref<10000x128xf32, #tpu.memory_space<vmem_shared>> -> memref<10000x128xf32, #tpu.memory_space<vmem_shared>>
      tpu.enqueue_indirect_dma source(%arg12 : memref<128x128xf32, #tpu.memory_space<vmem>>) target(%dma_start3A_411 : memref<10000x128xf32, #tpu.memory_space<vmem_shared>>) offsets(%dma_start3A_408 : memref<128xi32, #tpu.memory_space<vmem>>) semaphore(%arg17 : memref<!tpu.dma_semaphore, #tpu.memory_space<semaphore_mem>>) {add = true}
      %dma_start3A_412 = arith.constant 256 : i32
      %dma_start3A_413 = tpu.memref_slice %arg7[%dma_start3A_412] : memref<1280xi32, #tpu.memory_space<vmem>> -> memref<128xi32, #tpu.memory_space<vmem>>
      %dma_start3A_414 = arith.constant 0 : i32
      %dma_start3A_415 = arith.constant 0 : i32
      %dma_start3A_416 = tpu.memref_slice %arg2[%dma_start3A_414, %dma_start3A_415] : memref<10000x128xf32, #tpu.memory_space<hbm>> -> memref<10000x128xf32, #tpu.memory_space<hbm>>
      tpu.enqueue_indirect_dma source(%dma_start3A_416 : memref<10000x128xf32, #tpu.memory_space<hbm>>) target(%arg11 : memref<128x128xf32, #tpu.memory_space<vmem>>) offsets(%dma_start3A_413 : memref<128xi32, #tpu.memory_space<vmem>>) semaphore(%arg14 : memref<!tpu.dma_semaphore, #tpu.memory_space<semaphore_mem>>)
      %dma_wait3A_417 = arith.constant 1 : i32
      %dma_wait3A_418 = arith.constant 0 : i32
      %dma_wait3A_419 = tpu.memref_slice %arg10[%dma_wait3A_417, %dma_wait3A_418] : memref<10x128xi32, #tpu.memory_space<vmem>> -> memref<1x128xi32, #tpu.memory_space<vmem>>
      %dma_wait3A_420 = tpu.memref_squeeze %dma_wait3A_419 : memref<1x128xi32, #tpu.memory_space<vmem>> -> memref<128xi32, #tpu.memory_space<vmem>>
      %dma_wait3A_421 = arith.constant 0 : i32
      %dma_wait3A_422 = arith.constant 0 : i32
      %dma_wait3A_423 = tpu.memref_slice %arg13[%dma_wait3A_421, %dma_wait3A_422] : memref<10000x128xf32, #tpu.memory_space<vmem_shared>> -> memref<10000x128xf32, #tpu.memory_space<vmem_shared>>
      tpu.wait_indirect_dma semaphore(%arg17 : memref<!tpu.dma_semaphore, #tpu.memory_space<semaphore_mem>>) src(%arg12 : memref<128x128xf32, #tpu.memory_space<vmem>>) dst(%dma_wait3A_423 : memref<10000x128xf32, #tpu.memory_space<vmem_shared>>)
      %dma_wait3A_424 = arith.constant 256 : i32
      %dma_wait3A_425 = tpu.memref_slice %arg7[%dma_wait3A_424] : memref<1280xi32, #tpu.memory_space<vmem>> -> memref<128xi32, #tpu.memory_space<vmem>>
      %dma_wait3A_426 = arith.constant 0 : i32
      %dma_wait3A_427 = arith.constant 0 : i32
      %dma_wait3A_428 = tpu.memref_slice %arg2[%dma_wait3A_426, %dma_wait3A_427] : memref<10000x128xf32, #tpu.memory_space<hbm>> -> memref<10000x128xf32, #tpu.memory_space<hbm>>
      tpu.wait_indirect_dma semaphore(%arg14 : memref<!tpu.dma_semaphore, #tpu.memory_space<semaphore_mem>>) src(%dma_wait3A_428 : memref<10000x128xf32, #tpu.memory_space<hbm>>) dst(%arg11 : memref<128x128xf32, #tpu.memory_space<vmem>>)
      %dma_start3A_429 = arith.constant 2 : i32
      %dma_start3A_430 = arith.constant 0 : i32
      %dma_start3A_431 = tpu.memref_slice %arg10[%dma_start3A_429, %dma_start3A_430] : memref<10x128xi32, #tpu.memory_space<vmem>> -> memref<1x128xi32, #tpu.memory_space<vmem>>
      %dma_start3A_432 = tpu.memref_squeeze %dma_start3A_431 : memref<1x128xi32, #tpu.memory_space<vmem>> -> memref<128xi32, #tpu.memory_space<vmem>>
      %dma_start3A_433 = arith.constant 0 : i32
      %dma_start3A_434 = arith.constant 0 : i32
      %dma_start3A_435 = tpu.memref_slice %arg13[%dma_start3A_433, %dma_start3A_434] : memref<10000x128xf32, #tpu.memory_space<vmem_shared>> -> memref<10000x128xf32, #tpu.memory_space<vmem_shared>>
      tpu.enqueue_indirect_dma source(%arg11 : memref<128x128xf32, #tpu.memory_space<vmem>>) target(%dma_start3A_435 : memref<10000x128xf32, #tpu.memory_space<vmem_shared>>) offsets(%dma_start3A_432 : memref<128xi32, #tpu.memory_space<vmem>>) semaphore(%arg16 : memref<!tpu.dma_semaphore, #tpu.memory_space<semaphore_mem>>) {add = true}
      %dma_start3A_436 = arith.constant 384 : i32
      %dma_start3A_437 = tpu.memref_slice %arg7[%dma_start3A_436] : memref<1280xi32, #tpu.memory_space<vmem>> -> memref<128xi32, #tpu.memory_space<vmem>>
      %dma_start3A_438 = arith.constant 0 : i32
      %dma_start3A_439 = arith.constant 0 : i32
      %dma_start3A_440 = tpu.memref_slice %arg2[%dma_start3A_438, %dma_start3A_439] : memref<10000x128xf32, #tpu.memory_space<hbm>> -> memref<10000x128xf32, #tpu.memory_space<hbm>>
      tpu.enqueue_indirect_dma source(%dma_start3A_440 : memref<10000x128xf32, #tpu.memory_space<hbm>>) target(%arg12 : memref<128x128xf32, #tpu.memory_space<vmem>>) offsets(%dma_start3A_437 : memref<128xi32, #tpu.memory_space<vmem>>) semaphore(%arg15 : memref<!tpu.dma_semaphore, #tpu.memory_space<semaphore_mem>>)
      %dma_wait3A_441 = arith.constant 2 : i32
      %dma_wait3A_442 = arith.constant 0 : i32
      %dma_wait3A_443 = tpu.memref_slice %arg10[%dma_wait3A_441, %dma_wait3A_442] : memref<10x128xi32, #tpu.memory_space<vmem>> -> memref<1x128xi32, #tpu.memory_space<vmem>>
      %dma_wait3A_444 = tpu.memref_squeeze %dma_wait3A_443 : memref<1x128xi32, #tpu.memory_space<vmem>> -> memref<128xi32, #tpu.memory_space<vmem>>
      %dma_wait3A_445 = arith.constant 0 : i32
      %dma_wait3A_446 = arith.constant 0 : i32
      %dma_wait3A_447 = tpu.memref_slice %arg13[%dma_wait3A_445, %dma_wait3A_446] : memref<10000x128xf32, #tpu.memory_space<vmem_shared>> -> memref<10000x128xf32, #tpu.memory_space<vmem_shared>>
      tpu.wait_indirect_dma semaphore(%arg16 : memref<!tpu.dma_semaphore, #tpu.memory_space<semaphore_mem>>) src(%arg11 : memref<128x128xf32, #tpu.memory_space<vmem>>) dst(%dma_wait3A_447 : memref<10000x128xf32, #tpu.memory_space<vmem_shared>>)
      %dma_wait3A_448 = arith.constant 384 : i32
      %dma_wait3A_449 = tpu.memref_slice %arg7[%dma_wait3A_448] : memref<1280xi32, #tpu.memory_space<vmem>> -> memref<128xi32, #tpu.memory_space<vmem>>
      %dma_wait3A_450 = arith.constant 0 : i32
      %dma_wait3A_451 = arith.constant 0 : i32
      %dma_wait3A_452 = tpu.memref_slice %arg2[%dma_wait3A_450, %dma_wait3A_451] : memref<10000x128xf32, #tpu.memory_space<hbm>> -> memref<10000x128xf32, #tpu.memory_space<hbm>>
      tpu.wait_indirect_dma semaphore(%arg15 : memref<!tpu.dma_semaphore, #tpu.memory_space<semaphore_mem>>) src(%dma_wait3A_452 : memref<10000x128xf32, #tpu.memory_space<hbm>>) dst(%arg12 : memref<128x128xf32, #tpu.memory_space<vmem>>)
      %dma_start3A_453 = arith.constant 3 : i32
      %dma_start3A_454 = arith.constant 0 : i32
      %dma_start3A_455 = tpu.memref_slice %arg10[%dma_start3A_453, %dma_start3A_454] : memref<10x128xi32, #tpu.memory_space<vmem>> -> memref<1x128xi32, #tpu.memory_space<vmem>>
      %dma_start3A_456 = tpu.memref_squeeze %dma_start3A_455 : memref<1x128xi32, #tpu.memory_space<vmem>> -> memref<128xi32, #tpu.memory_space<vmem>>
      %dma_start3A_457 = arith.constant 0 : i32
      %dma_start3A_458 = arith.constant 0 : i32
      %dma_start3A_459 = tpu.memref_slice %arg13[%dma_start3A_457, %dma_start3A_458] : memref<10000x128xf32, #tpu.memory_space<vmem_shared>> -> memref<10000x128xf32, #tpu.memory_space<vmem_shared>>
      tpu.enqueue_indirect_dma source(%arg12 : memref<128x128xf32, #tpu.memory_space<vmem>>) target(%dma_start3A_459 : memref<10000x128xf32, #tpu.memory_space<vmem_shared>>) offsets(%dma_start3A_456 : memref<128xi32, #tpu.memory_space<vmem>>) semaphore(%arg17 : memref<!tpu.dma_semaphore, #tpu.memory_space<semaphore_mem>>) {add = true}
      %dma_start3A_460 = arith.constant 512 : i32
      %dma_start3A_461 = tpu.memref_slice %arg7[%dma_start3A_460] : memref<1280xi32, #tpu.memory_space<vmem>> -> memref<128xi32, #tpu.memory_space<vmem>>
      %dma_start3A_462 = arith.constant 0 : i32
      %dma_start3A_463 = arith.constant 0 : i32
      %dma_start3A_464 = tpu.memref_slice %arg2[%dma_start3A_462, %dma_start3A_463] : memref<10000x128xf32, #tpu.memory_space<hbm>> -> memref<10000x128xf32, #tpu.memory_space<hbm>>
      tpu.enqueue_indirect_dma source(%dma_start3A_464 : memref<10000x128xf32, #tpu.memory_space<hbm>>) target(%arg11 : memref<128x128xf32, #tpu.memory_space<vmem>>) offsets(%dma_start3A_461 : memref<128xi32, #tpu.memory_space<vmem>>) semaphore(%arg14 : memref<!tpu.dma_semaphore, #tpu.memory_space<semaphore_mem>>)
      %dma_wait3A_465 = arith.constant 3 : i32
      %dma_wait3A_466 = arith.constant 0 : i32
      %dma_wait3A_467 = tpu.memref_slice %arg10[%dma_wait3A_465, %dma_wait3A_466] : memref<10x128xi32, #tpu.memory_space<vmem>> -> memref<1x128xi32, #tpu.memory_space<vmem>>
      %dma_wait3A_468 = tpu.memref_squeeze %dma_wait3A_467 : memref<1x128xi32, #tpu.memory_space<vmem>> -> memref<128xi32, #tpu.memory_space<vmem>>
      %dma_wait3A_469 = arith.constant 0 : i32
      %dma_wait3A_470 = arith.constant 0 : i32
      %dma_wait3A_471 = tpu.memref_slice %arg13[%dma_wait3A_469, %dma_wait3A_470] : memref<10000x128xf32, #tpu.memory_space<vmem_shared>> -> memref<10000x128xf32, #tpu.memory_space<vmem_shared>>
      tpu.wait_indirect_dma semaphore(%arg17 : memref<!tpu.dma_semaphore, #tpu.memory_space<semaphore_mem>>) src(%arg12 : memref<128x128xf32, #tpu.memory_space<vmem>>) dst(%dma_wait3A_471 : memref<10000x128xf32, #tpu.memory_space<vmem_shared>>)
      %dma_wait3A_472 = arith.constant 512 : i32
      %dma_wait3A_473 = tpu.memref_slice %arg7[%dma_wait3A_472] : memref<1280xi32, #tpu.memory_space<vmem>> -> memref<128xi32, #tpu.memory_space<vmem>>
      %dma_wait3A_474 = arith.constant 0 : i32
      %dma_wait3A_475 = arith.constant 0 : i32
      %dma_wait3A_476 = tpu.memref_slice %arg2[%dma_wait3A_474, %dma_wait3A_475] : memref<10000x128xf32, #tpu.memory_space<hbm>> -> memref<10000x128xf32, #tpu.memory_space<hbm>>
      tpu.wait_indirect_dma semaphore(%arg14 : memref<!tpu.dma_semaphore, #tpu.memory_space<semaphore_mem>>) src(%dma_wait3A_476 : memref<10000x128xf32, #tpu.memory_space<hbm>>) dst(%arg11 : memref<128x128xf32, #tpu.memory_space<vmem>>)
      %dma_start3A_477 = arith.constant 4 : i32
      %dma_start3A_478 = arith.constant 0 : i32
      %dma_start3A_479 = tpu.memref_slice %arg10[%dma_start3A_477, %dma_start3A_478] : memref<10x128xi32, #tpu.memory_space<vmem>> -> memref<1x128xi32, #tpu.memory_space<vmem>>
      %dma_start3A_480 = tpu.memref_squeeze %dma_start3A_479 : memref<1x128xi32, #tpu.memory_space<vmem>> -> memref<128xi32, #tpu.memory_space<vmem>>
      %dma_start3A_481 = arith.constant 0 : i32
      %dma_start3A_482 = arith.constant 0 : i32
      %dma_start3A_483 = tpu.memref_slice %arg13[%dma_start3A_481, %dma_start3A_482] : memref<10000x128xf32, #tpu.memory_space<vmem_shared>> -> memref<10000x128xf32, #tpu.memory_space<vmem_shared>>
      tpu.enqueue_indirect_dma source(%arg11 : memref<128x128xf32, #tpu.memory_space<vmem>>) target(%dma_start3A_483 : memref<10000x128xf32, #tpu.memory_space<vmem_shared>>) offsets(%dma_start3A_480 : memref<128xi32, #tpu.memory_space<vmem>>) semaphore(%arg16 : memref<!tpu.dma_semaphore, #tpu.memory_space<semaphore_mem>>) {add = true}
      %dma_start3A_484 = arith.constant 640 : i32
      %dma_start3A_485 = tpu.memref_slice %arg7[%dma_start3A_484] : memref<1280xi32, #tpu.memory_space<vmem>> -> memref<128xi32, #tpu.memory_space<vmem>>
      %dma_start3A_486 = arith.constant 0 : i32
      %dma_start3A_487 = arith.constant 0 : i32
      %dma_start3A_488 = tpu.memref_slice %arg2[%dma_start3A_486, %dma_start3A_487] : memref<10000x128xf32, #tpu.memory_space<hbm>> -> memref<10000x128xf32, #tpu.memory_space<hbm>>
      tpu.enqueue_indirect_dma source(%dma_start3A_488 : memref<10000x128xf32, #tpu.memory_space<hbm>>) target(%arg12 : memref<128x128xf32, #tpu.memory_space<vmem>>) offsets(%dma_start3A_485 : memref<128xi32, #tpu.memory_space<vmem>>) semaphore(%arg15 : memref<!tpu.dma_semaphore, #tpu.memory_space<semaphore_mem>>)
      %dma_wait3A_489 = arith.constant 4 : i32
      %dma_wait3A_490 = arith.constant 0 : i32
      %dma_wait3A_491 = tpu.memref_slice %arg10[%dma_wait3A_489, %dma_wait3A_490] : memref<10x128xi32, #tpu.memory_space<vmem>> -> memref<1x128xi32, #tpu.memory_space<vmem>>
      %dma_wait3A_492 = tpu.memref_squeeze %dma_wait3A_491 : memref<1x128xi32, #tpu.memory_space<vmem>> -> memref<128xi32, #tpu.memory_space<vmem>>
      %dma_wait3A_493 = arith.constant 0 : i32
      %dma_wait3A_494 = arith.constant 0 : i32
      %dma_wait3A_495 = tpu.memref_slice %arg13[%dma_wait3A_493, %dma_wait3A_494] : memref<10000x128xf32, #tpu.memory_space<vmem_shared>> -> memref<10000x128xf32, #tpu.memory_space<vmem_shared>>
      tpu.wait_indirect_dma semaphore(%arg16 : memref<!tpu.dma_semaphore, #tpu.memory_space<semaphore_mem>>) src(%arg11 : memref<128x128xf32, #tpu.memory_space<vmem>>) dst(%dma_wait3A_495 : memref<10000x128xf32, #tpu.memory_space<vmem_shared>>)
      %sub3A_496 = arith.constant 1 : i32
      %sub3A_497 = arith.subi %select_n3A_57, %sub3A_496 : i32
      %lt3A_498 = arith.cmpi slt, %while3A_89, %sub3A_497 : i32
      %convert_element_type3A_499 = arith.extui %lt3A_498 : i1 to i32
      %cond3A_500 = arith.constant 0 : i32
      %cond3A_501 = arith.cmpi ne, %convert_element_type3A_499, %cond3A_500 : i32
      scf.if %cond3A_501 {
        %add3A_617 = arith.constant 1 : i32
        %add3A_618 = arith.addi %add3A_362, %add3A_617 : i32
        %mul3A_619 = arith.constant 10 : i32
        %mul3A_620 = arith.muli %add3A_618, %mul3A_619 : i32
        %mul3A_621 = arith.constant 128 : i32
        %mul3A_622 = arith.muli %mul3A_620, %mul3A_621 : i32
        %add3A_623 = arith.addi %mul3A_28, %mul3A_622 : i32
        %dma_wait3A_624 = tpu.memref_slice %arg3[%add3A_623] : memref<320000xi32, #tpu.memory_space<hbm>> -> memref<1280xi32, #tpu.memory_space<hbm>>
        %dma_wait3A_625 = tpu.memref_slice %arg3[%add3A_623] : memref<320000xi32, #tpu.memory_space<hbm>> -> memref<1280xi32, #tpu.memory_space<hbm>>
        tpu.wait_dma2 semaphore(%arg18 : memref<!tpu.dma_semaphore, #tpu.memory_space<semaphore_mem>>) src(%dma_wait3A_625 : memref<1280xi32, #tpu.memory_space<hbm>>) dst(%arg6 : memref<1280xi32, #tpu.memory_space<vmem>>)
        %dma_wait3A_626 = tpu.memref_slice %arg4[%add3A_623] : memref<320000xi32, #tpu.memory_space<hbm>> -> memref<1280xi32, #tpu.memory_space<hbm>>
        %dma_wait3A_627 = tpu.memref_slice %arg4[%add3A_623] : memref<320000xi32, #tpu.memory_space<hbm>> -> memref<1280xi32, #tpu.memory_space<hbm>>
        tpu.wait_dma2 semaphore(%arg18 : memref<!tpu.dma_semaphore, #tpu.memory_space<semaphore_mem>>) src(%dma_wait3A_627 : memref<1280xi32, #tpu.memory_space<hbm>>) dst(%arg8 : memref<1280xi32, #tpu.memory_space<vmem>>)
        %scan3A_628 = arith.constant 0 : i32
        %scan3A_629 = arith.constant 0 : i32
        %scan3A_630 = arith.constant 80 : i32
        %scan3A_631 = arith.addi %scan3A_629, %scan3A_630 : i32
        %scan3A_632 = arith.constant 1 : i32
        %scan3A_633 = scf.for %scan3A_635 = %scan3A_629 to %scan3A_631 step %scan3A_632 iter_args(%scan3A_636 = %scan3A_628) -> (i32)  : i32 {
          %jit3A_637 = arith.constant 8 : i32
          %div3A_638 = arith.divsi %scan3A_635, %jit3A_637 : i32
          %sign3A_639 = arith.constant 0 : i32
          %sign3A_640 = arith.cmpi sgt, %scan3A_635, %sign3A_639 : i32
          %sign3A_641 = arith.extui %sign3A_640 : i1 to i32
          %sign3A_642 = arith.constant 0 : i32
          %sign3A_643 = arith.cmpi slt, %scan3A_635, %sign3A_642 : i32
          %sign3A_644 = arith.extui %sign3A_643 : i1 to i32
          %sign3A_645 = arith.subi %sign3A_641, %sign3A_644 : i32
          %sign3A_646 = arith.constant 0 : i32
          %sign3A_647 = arith.cmpi sgt, %jit3A_637, %sign3A_646 : i32
          %sign3A_648 = arith.extui %sign3A_647 : i1 to i32
          %sign3A_649 = arith.constant 0 : i32
          %sign3A_650 = arith.cmpi slt, %jit3A_637, %sign3A_649 : i32
          %sign3A_651 = arith.extui %sign3A_650 : i1 to i32
          %sign3A_652 = arith.subi %sign3A_648, %sign3A_651 : i32
          %ne3A_653 = arith.cmpi ne, %sign3A_645, %sign3A_652 : i32
          %rem3A_654 = arith.remsi %scan3A_635, %jit3A_637 : i32
          %ne3A_655 = arith.constant 0 : i32
          %ne3A_656 = arith.cmpi ne, %rem3A_654, %ne3A_655 : i32
          %and3A_657 = arith.andi %ne3A_653, %ne3A_656 : i1
          %sub3A_658 = arith.constant 1 : i32
          %sub3A_659 = arith.subi %div3A_638, %sub3A_658 : i32
          %select_n3A_660 = arith.select %and3A_657, %sub3A_659, %div3A_638 : i32
          %jit3A_661 = arith.constant 8 : i32
          %eq3A = arith.constant 0 : i32
          %eq3A_662 = arith.cmpi eq, %jit3A_661, %eq3A : i32
          %jit3A_663 = arith.constant 1 : i32
          %select_n3A_664 = arith.select %eq3A_662, %jit3A_663, %jit3A_661 : i32
          %rem3A_665 = arith.remsi %scan3A_635, %select_n3A_664 : i32
          %ne3A_666 = arith.constant 0 : i32
          %ne3A_667 = arith.cmpi ne, %rem3A_665, %ne3A_666 : i32
          %lt3A_668 = arith.constant 0 : i32
          %lt3A_669 = arith.cmpi slt, %rem3A_665, %lt3A_668 : i32
          %lt3A_670 = arith.constant 0 : i32
          %lt3A_671 = arith.cmpi slt, %select_n3A_664, %lt3A_670 : i32
          %ne3A_672 = arith.xori %lt3A_669, %lt3A_671 : i1
          %and3A_673 = arith.andi %ne3A_672, %ne3A_667 : i1
          %add3A_674 = arith.addi %rem3A_665, %select_n3A_664 : i32
          %select_n3A_675 = arith.select %and3A_673, %add3A_674, %rem3A_665 : i32
          %mul3A_676 = arith.constant 128 : i32
          %mul3A_677 = arith.muli %select_n3A_660, %mul3A_676 : i32
          %mul3A_678 = arith.constant 16 : i32
          %mul3A_679 = arith.muli %select_n3A_675, %mul3A_678 : i32
          %add3A_680 = arith.addi %mul3A_677, %mul3A_679 : i32
          %get3A = arith.index_cast %add3A_680 : i32 to index
          %get3A_681 = tpu.vector_load %arg8[%get3A] {strides = array<i32>} : memref<1280xi32, #tpu.memory_space<vmem>>, vector<16xi32>,
          %get3A_682 = vector.shape_cast %get3A_681 : vector<16xi32> to vector<16xi32>
          %mul3A_683 = arith.constant 16 : i32
          %mul3A_684 = arith.muli %select_n3A_675, %mul3A_683 : i32
          %swap3A = arith.index_cast %select_n3A_660 : i32 to index
          %swap3A_685 = arith.index_cast %mul3A_684 : i32 to index
          %swap3A_686 = tpu.vector_load %arg9[%swap3A, %swap3A_685] {strides = array<i32>} : memref<10x128xi32, #tpu.memory_space<vmem>>, vector<1x16xi32>,
          %swap3A_687 = vector.shape_cast %swap3A_686 : vector<1x16xi32> to vector<16xi32>
          %swap3A_688 = vector.shape_cast %get3A_682 : vector<16xi32> to vector<1x16xi32>
          tpu.vector_store %arg9[%swap3A, %swap3A_685], %swap3A_688 {strides = array<i32>} : memref<10x128xi32, #tpu.memory_space<vmem>>, vector<1x16xi32>,
          %scan3A_689 = arith.constant 0 : i32
          scf.yield %scan3A_689 : i32
        }
        %scan3A_634 = arith.constant 80 : i32
      } else {
      }
      %dma_wait3A_502 = arith.constant 640 : i32
      %dma_wait3A_503 = tpu.memref_slice %arg7[%dma_wait3A_502] : memref<1280xi32, #tpu.memory_space<vmem>> -> memref<128xi32, #tpu.memory_space<vmem>>
      %dma_wait3A_504 = arith.constant 0 : i32
      %dma_wait3A_505 = arith.constant 0 : i32
      %dma_wait3A_506 = tpu.memref_slice %arg2[%dma_wait3A_504, %dma_wait3A_505] : memref<10000x128xf32, #tpu.memory_space<hbm>> -> memref<10000x128xf32, #tpu.memory_space<hbm>>
      tpu.wait_indirect_dma semaphore(%arg15 : memref<!tpu.dma_semaphore, #tpu.memory_space<semaphore_mem>>) src(%dma_wait3A_506 : memref<10000x128xf32, #tpu.memory_space<hbm>>) dst(%arg12 : memref<128x128xf32, #tpu.memory_space<vmem>>)
      %dma_start3A_507 = arith.constant 5 : i32
      %dma_start3A_508 = arith.constant 0 : i32
      %dma_start3A_509 = tpu.memref_slice %arg10[%dma_start3A_507, %dma_start3A_508] : memref<10x128xi32, #tpu.memory_space<vmem>> -> memref<1x128xi32, #tpu.memory_space<vmem>>
      %dma_start3A_510 = tpu.memref_squeeze %dma_start3A_509 : memref<1x128xi32, #tpu.memory_space<vmem>> -> memref<128xi32, #tpu.memory_space<vmem>>
      %dma_start3A_511 = arith.constant 0 : i32
      %dma_start3A_512 = arith.constant 0 : i32
      %dma_start3A_513 = tpu.memref_slice %arg13[%dma_start3A_511, %dma_start3A_512] : memref<10000x128xf32, #tpu.memory_space<vmem_shared>> -> memref<10000x128xf32, #tpu.memory_space<vmem_shared>>
      tpu.enqueue_indirect_dma source(%arg12 : memref<128x128xf32, #tpu.memory_space<vmem>>) target(%dma_start3A_513 : memref<10000x128xf32, #tpu.memory_space<vmem_shared>>) offsets(%dma_start3A_510 : memref<128xi32, #tpu.memory_space<vmem>>) semaphore(%arg17 : memref<!tpu.dma_semaphore, #tpu.memory_space<semaphore_mem>>) {add = true}
      %dma_start3A_514 = arith.constant 768 : i32
      %dma_start3A_515 = tpu.memref_slice %arg7[%dma_start3A_514] : memref<1280xi32, #tpu.memory_space<vmem>> -> memref<128xi32, #tpu.memory_space<vmem>>
      %dma_start3A_516 = arith.constant 0 : i32
      %dma_start3A_517 = arith.constant 0 : i32
      %dma_start3A_518 = tpu.memref_slice %arg2[%dma_start3A_516, %dma_start3A_517] : memref<10000x128xf32, #tpu.memory_space<hbm>> -> memref<10000x128xf32, #tpu.memory_space<hbm>>
      tpu.enqueue_indirect_dma source(%dma_start3A_518 : memref<10000x128xf32, #tpu.memory_space<hbm>>) target(%arg11 : memref<128x128xf32, #tpu.memory_space<vmem>>) offsets(%dma_start3A_515 : memref<128xi32, #tpu.memory_space<vmem>>) semaphore(%arg14 : memref<!tpu.dma_semaphore, #tpu.memory_space<semaphore_mem>>)
      %dma_wait3A_519 = arith.constant 5 : i32
      %dma_wait3A_520 = arith.constant 0 : i32
      %dma_wait3A_521 = tpu.memref_slice %arg10[%dma_wait3A_519, %dma_wait3A_520] : memref<10x128xi32, #tpu.memory_space<vmem>> -> memref<1x128xi32, #tpu.memory_space<vmem>>
      %dma_wait3A_522 = tpu.memref_squeeze %dma_wait3A_521 : memref<1x128xi32, #tpu.memory_space<vmem>> -> memref<128xi32, #tpu.memory_space<vmem>>
      %dma_wait3A_523 = arith.constant 0 : i32
      %dma_wait3A_524 = arith.constant 0 : i32
      %dma_wait3A_525 = tpu.memref_slice %arg13[%dma_wait3A_523, %dma_wait3A_524] : memref<10000x128xf32, #tpu.memory_space<vmem_shared>> -> memref<10000x128xf32, #tpu.memory_space<vmem_shared>>
      tpu.wait_indirect_dma semaphore(%arg17 : memref<!tpu.dma_semaphore, #tpu.memory_space<semaphore_mem>>) src(%arg12 : memref<128x128xf32, #tpu.memory_space<vmem>>) dst(%dma_wait3A_525 : memref<10000x128xf32, #tpu.memory_space<vmem_shared>>)
      %dma_wait3A_526 = arith.constant 768 : i32
      %dma_wait3A_527 = tpu.memref_slice %arg7[%dma_wait3A_526] : memref<1280xi32, #tpu.memory_space<vmem>> -> memref<128xi32, #tpu.memory_space<vmem>>
      %dma_wait3A_528 = arith.constant 0 : i32
      %dma_wait3A_529 = arith.constant 0 : i32
      %dma_wait3A_530 = tpu.memref_slice %arg2[%dma_wait3A_528, %dma_wait3A_529] : memref<10000x128xf32, #tpu.memory_space<hbm>> -> memref<10000x128xf32, #tpu.memory_space<hbm>>
      tpu.wait_indirect_dma semaphore(%arg14 : memref<!tpu.dma_semaphore, #tpu.memory_space<semaphore_mem>>) src(%dma_wait3A_530 : memref<10000x128xf32, #tpu.memory_space<hbm>>) dst(%arg11 : memref<128x128xf32, #tpu.memory_space<vmem>>)
      %dma_start3A_531 = arith.constant 6 : i32
      %dma_start3A_532 = arith.constant 0 : i32
      %dma_start3A_533 = tpu.memref_slice %arg10[%dma_start3A_531, %dma_start3A_532] : memref<10x128xi32, #tpu.memory_space<vmem>> -> memref<1x128xi32, #tpu.memory_space<vmem>>
      %dma_start3A_534 = tpu.memref_squeeze %dma_start3A_533 : memref<1x128xi32, #tpu.memory_space<vmem>> -> memref<128xi32, #tpu.memory_space<vmem>>
      %dma_start3A_535 = arith.constant 0 : i32
      %dma_start3A_536 = arith.constant 0 : i32
      %dma_start3A_537 = tpu.memref_slice %arg13[%dma_start3A_535, %dma_start3A_536] : memref<10000x128xf32, #tpu.memory_space<vmem_shared>> -> memref<10000x128xf32, #tpu.memory_space<vmem_shared>>
      tpu.enqueue_indirect_dma source(%arg11 : memref<128x128xf32, #tpu.memory_space<vmem>>) target(%dma_start3A_537 : memref<10000x128xf32, #tpu.memory_space<vmem_shared>>) offsets(%dma_start3A_534 : memref<128xi32, #tpu.memory_space<vmem>>) semaphore(%arg16 : memref<!tpu.dma_semaphore, #tpu.memory_space<semaphore_mem>>) {add = true}
      %dma_start3A_538 = arith.constant 896 : i32
      %dma_start3A_539 = tpu.memref_slice %arg7[%dma_start3A_538] : memref<1280xi32, #tpu.memory_space<vmem>> -> memref<128xi32, #tpu.memory_space<vmem>>
      %dma_start3A_540 = arith.constant 0 : i32
      %dma_start3A_541 = arith.constant 0 : i32
      %dma_start3A_542 = tpu.memref_slice %arg2[%dma_start3A_540, %dma_start3A_541] : memref<10000x128xf32, #tpu.memory_space<hbm>> -> memref<10000x128xf32, #tpu.memory_space<hbm>>
      tpu.enqueue_indirect_dma source(%dma_start3A_542 : memref<10000x128xf32, #tpu.memory_space<hbm>>) target(%arg12 : memref<128x128xf32, #tpu.memory_space<vmem>>) offsets(%dma_start3A_539 : memref<128xi32, #tpu.memory_space<vmem>>) semaphore(%arg15 : memref<!tpu.dma_semaphore, #tpu.memory_space<semaphore_mem>>)
      %dma_wait3A_543 = arith.constant 6 : i32
      %dma_wait3A_544 = arith.constant 0 : i32
      %dma_wait3A_545 = tpu.memref_slice %arg10[%dma_wait3A_543, %dma_wait3A_544] : memref<10x128xi32, #tpu.memory_space<vmem>> -> memref<1x128xi32, #tpu.memory_space<vmem>>
      %dma_wait3A_546 = tpu.memref_squeeze %dma_wait3A_545 : memref<1x128xi32, #tpu.memory_space<vmem>> -> memref<128xi32, #tpu.memory_space<vmem>>
      %dma_wait3A_547 = arith.constant 0 : i32
      %dma_wait3A_548 = arith.constant 0 : i32
      %dma_wait3A_549 = tpu.memref_slice %arg13[%dma_wait3A_547, %dma_wait3A_548] : memref<10000x128xf32, #tpu.memory_space<vmem_shared>> -> memref<10000x128xf32, #tpu.memory_space<vmem_shared>>
      tpu.wait_indirect_dma semaphore(%arg16 : memref<!tpu.dma_semaphore, #tpu.memory_space<semaphore_mem>>) src(%arg11 : memref<128x128xf32, #tpu.memory_space<vmem>>) dst(%dma_wait3A_549 : memref<10000x128xf32, #tpu.memory_space<vmem_shared>>)
      %dma_wait3A_550 = arith.constant 896 : i32
      %dma_wait3A_551 = tpu.memref_slice %arg7[%dma_wait3A_550] : memref<1280xi32, #tpu.memory_space<vmem>> -> memref<128xi32, #tpu.memory_space<vmem>>
      %dma_wait3A_552 = arith.constant 0 : i32
      %dma_wait3A_553 = arith.constant 0 : i32
      %dma_wait3A_554 = tpu.memref_slice %arg2[%dma_wait3A_552, %dma_wait3A_553] : memref<10000x128xf32, #tpu.memory_space<hbm>> -> memref<10000x128xf32, #tpu.memory_space<hbm>>
      tpu.wait_indirect_dma semaphore(%arg15 : memref<!tpu.dma_semaphore, #tpu.memory_space<semaphore_mem>>) src(%dma_wait3A_554 : memref<10000x128xf32, #tpu.memory_space<hbm>>) dst(%arg12 : memref<128x128xf32, #tpu.memory_space<vmem>>)
      %dma_start3A_555 = arith.constant 7 : i32
      %dma_start3A_556 = arith.constant 0 : i32
      %dma_start3A_557 = tpu.memref_slice %arg10[%dma_start3A_555, %dma_start3A_556] : memref<10x128xi32, #tpu.memory_space<vmem>> -> memref<1x128xi32, #tpu.memory_space<vmem>>
      %dma_start3A_558 = tpu.memref_squeeze %dma_start3A_557 : memref<1x128xi32, #tpu.memory_space<vmem>> -> memref<128xi32, #tpu.memory_space<vmem>>
      %dma_start3A_559 = arith.constant 0 : i32
      %dma_start3A_560 = arith.constant 0 : i32
      %dma_start3A_561 = tpu.memref_slice %arg13[%dma_start3A_559, %dma_start3A_560] : memref<10000x128xf32, #tpu.memory_space<vmem_shared>> -> memref<10000x128xf32, #tpu.memory_space<vmem_shared>>
      tpu.enqueue_indirect_dma source(%arg12 : memref<128x128xf32, #tpu.memory_space<vmem>>) target(%dma_start3A_561 : memref<10000x128xf32, #tpu.memory_space<vmem_shared>>) offsets(%dma_start3A_558 : memref<128xi32, #tpu.memory_space<vmem>>) semaphore(%arg17 : memref<!tpu.dma_semaphore, #tpu.memory_space<semaphore_mem>>) {add = true}
      %dma_start3A_562 = arith.constant 1024 : i32
      %dma_start3A_563 = tpu.memref_slice %arg7[%dma_start3A_562] : memref<1280xi32, #tpu.memory_space<vmem>> -> memref<128xi32, #tpu.memory_space<vmem>>
      %dma_start3A_564 = arith.constant 0 : i32
      %dma_start3A_565 = arith.constant 0 : i32
      %dma_start3A_566 = tpu.memref_slice %arg2[%dma_start3A_564, %dma_start3A_565] : memref<10000x128xf32, #tpu.memory_space<hbm>> -> memref<10000x128xf32, #tpu.memory_space<hbm>>
      tpu.enqueue_indirect_dma source(%dma_start3A_566 : memref<10000x128xf32, #tpu.memory_space<hbm>>) target(%arg11 : memref<128x128xf32, #tpu.memory_space<vmem>>) offsets(%dma_start3A_563 : memref<128xi32, #tpu.memory_space<vmem>>) semaphore(%arg14 : memref<!tpu.dma_semaphore, #tpu.memory_space<semaphore_mem>>)
      %dma_wait3A_567 = arith.constant 7 : i32
      %dma_wait3A_568 = arith.constant 0 : i32
      %dma_wait3A_569 = tpu.memref_slice %arg10[%dma_wait3A_567, %dma_wait3A_568] : memref<10x128xi32, #tpu.memory_space<vmem>> -> memref<1x128xi32, #tpu.memory_space<vmem>>
      %dma_wait3A_570 = tpu.memref_squeeze %dma_wait3A_569 : memref<1x128xi32, #tpu.memory_space<vmem>> -> memref<128xi32, #tpu.memory_space<vmem>>
      %dma_wait3A_571 = arith.constant 0 : i32
      %dma_wait3A_572 = arith.constant 0 : i32
      %dma_wait3A_573 = tpu.memref_slice %arg13[%dma_wait3A_571, %dma_wait3A_572] : memref<10000x128xf32, #tpu.memory_space<vmem_shared>> -> memref<10000x128xf32, #tpu.memory_space<vmem_shared>>
      tpu.wait_indirect_dma semaphore(%arg17 : memref<!tpu.dma_semaphore, #tpu.memory_space<semaphore_mem>>) src(%arg12 : memref<128x128xf32, #tpu.memory_space<vmem>>) dst(%dma_wait3A_573 : memref<10000x128xf32, #tpu.memory_space<vmem_shared>>)
      %dma_wait3A_574 = arith.constant 1024 : i32
      %dma_wait3A_575 = tpu.memref_slice %arg7[%dma_wait3A_574] : memref<1280xi32, #tpu.memory_space<vmem>> -> memref<128xi32, #tpu.memory_space<vmem>>
      %dma_wait3A_576 = arith.constant 0 : i32
      %dma_wait3A_577 = arith.constant 0 : i32
      %dma_wait3A_578 = tpu.memref_slice %arg2[%dma_wait3A_576, %dma_wait3A_577] : memref<10000x128xf32, #tpu.memory_space<hbm>> -> memref<10000x128xf32, #tpu.memory_space<hbm>>
      tpu.wait_indirect_dma semaphore(%arg14 : memref<!tpu.dma_semaphore, #tpu.memory_space<semaphore_mem>>) src(%dma_wait3A_578 : memref<10000x128xf32, #tpu.memory_space<hbm>>) dst(%arg11 : memref<128x128xf32, #tpu.memory_space<vmem>>)
      %dma_start3A_579 = arith.constant 8 : i32
      %dma_start3A_580 = arith.constant 0 : i32
      %dma_start3A_581 = tpu.memref_slice %arg10[%dma_start3A_579, %dma_start3A_580] : memref<10x128xi32, #tpu.memory_space<vmem>> -> memref<1x128xi32, #tpu.memory_space<vmem>>
      %dma_start3A_582 = tpu.memref_squeeze %dma_start3A_581 : memref<1x128xi32, #tpu.memory_space<vmem>> -> memref<128xi32, #tpu.memory_space<vmem>>
      %dma_start3A_583 = arith.constant 0 : i32
      %dma_start3A_584 = arith.constant 0 : i32
      %dma_start3A_585 = tpu.memref_slice %arg13[%dma_start3A_583, %dma_start3A_584] : memref<10000x128xf32, #tpu.memory_space<vmem_shared>> -> memref<10000x128xf32, #tpu.memory_space<vmem_shared>>
      tpu.enqueue_indirect_dma source(%arg11 : memref<128x128xf32, #tpu.memory_space<vmem>>) target(%dma_start3A_585 : memref<10000x128xf32, #tpu.memory_space<vmem_shared>>) offsets(%dma_start3A_582 : memref<128xi32, #tpu.memory_space<vmem>>) semaphore(%arg16 : memref<!tpu.dma_semaphore, #tpu.memory_space<semaphore_mem>>) {add = true}
      %dma_start3A_586 = arith.constant 1152 : i32
      %dma_start3A_587 = tpu.memref_slice %arg7[%dma_start3A_586] : memref<1280xi32, #tpu.memory_space<vmem>> -> memref<128xi32, #tpu.memory_space<vmem>>
      %dma_start3A_588 = arith.constant 0 : i32
      %dma_start3A_589 = arith.constant 0 : i32
      %dma_start3A_590 = tpu.memref_slice %arg2[%dma_start3A_588, %dma_start3A_589] : memref<10000x128xf32, #tpu.memory_space<hbm>> -> memref<10000x128xf32, #tpu.memory_space<hbm>>
      tpu.enqueue_indirect_dma source(%dma_start3A_590 : memref<10000x128xf32, #tpu.memory_space<hbm>>) target(%arg12 : memref<128x128xf32, #tpu.memory_space<vmem>>) offsets(%dma_start3A_587 : memref<128xi32, #tpu.memory_space<vmem>>) semaphore(%arg15 : memref<!tpu.dma_semaphore, #tpu.memory_space<semaphore_mem>>)
      %dma_wait3A_591 = arith.constant 8 : i32
      %dma_wait3A_592 = arith.constant 0 : i32
      %dma_wait3A_593 = tpu.memref_slice %arg10[%dma_wait3A_591, %dma_wait3A_592] : memref<10x128xi32, #tpu.memory_space<vmem>> -> memref<1x128xi32, #tpu.memory_space<vmem>>
      %dma_wait3A_594 = tpu.memref_squeeze %dma_wait3A_593 : memref<1x128xi32, #tpu.memory_space<vmem>> -> memref<128xi32, #tpu.memory_space<vmem>>
      %dma_wait3A_595 = arith.constant 0 : i32
      %dma_wait3A_596 = arith.constant 0 : i32
      %dma_wait3A_597 = tpu.memref_slice %arg13[%dma_wait3A_595, %dma_wait3A_596] : memref<10000x128xf32, #tpu.memory_space<vmem_shared>> -> memref<10000x128xf32, #tpu.memory_space<vmem_shared>>
      tpu.wait_indirect_dma semaphore(%arg16 : memref<!tpu.dma_semaphore, #tpu.memory_space<semaphore_mem>>) src(%arg11 : memref<128x128xf32, #tpu.memory_space<vmem>>) dst(%dma_wait3A_597 : memref<10000x128xf32, #tpu.memory_space<vmem_shared>>)
      %dma_wait3A_598 = arith.constant 1152 : i32
      %dma_wait3A_599 = tpu.memref_slice %arg7[%dma_wait3A_598] : memref<1280xi32, #tpu.memory_space<vmem>> -> memref<128xi32, #tpu.memory_space<vmem>>
      %dma_wait3A_600 = arith.constant 0 : i32
      %dma_wait3A_601 = arith.constant 0 : i32
      %dma_wait3A_602 = tpu.memref_slice %arg2[%dma_wait3A_600, %dma_wait3A_601] : memref<10000x128xf32, #tpu.memory_space<hbm>> -> memref<10000x128xf32, #tpu.memory_space<hbm>>
      tpu.wait_indirect_dma semaphore(%arg15 : memref<!tpu.dma_semaphore, #tpu.memory_space<semaphore_mem>>) src(%dma_wait3A_602 : memref<10000x128xf32, #tpu.memory_space<hbm>>) dst(%arg12 : memref<128x128xf32, #tpu.memory_space<vmem>>)
      %dma_start3A_603 = arith.constant 9 : i32
      %dma_start3A_604 = arith.constant 0 : i32
      %dma_start3A_605 = tpu.memref_slice %arg10[%dma_start3A_603, %dma_start3A_604] : memref<10x128xi32, #tpu.memory_space<vmem>> -> memref<1x128xi32, #tpu.memory_space<vmem>>
      %dma_start3A_606 = tpu.memref_squeeze %dma_start3A_605 : memref<1x128xi32, #tpu.memory_space<vmem>> -> memref<128xi32, #tpu.memory_space<vmem>>
      %dma_start3A_607 = arith.constant 0 : i32
      %dma_start3A_608 = arith.constant 0 : i32
      %dma_start3A_609 = tpu.memref_slice %arg13[%dma_start3A_607, %dma_start3A_608] : memref<10000x128xf32, #tpu.memory_space<vmem_shared>> -> memref<10000x128xf32, #tpu.memory_space<vmem_shared>>
      tpu.enqueue_indirect_dma source(%arg12 : memref<128x128xf32, #tpu.memory_space<vmem>>) target(%dma_start3A_609 : memref<10000x128xf32, #tpu.memory_space<vmem_shared>>) offsets(%dma_start3A_606 : memref<128xi32, #tpu.memory_space<vmem>>) semaphore(%arg17 : memref<!tpu.dma_semaphore, #tpu.memory_space<semaphore_mem>>) {add = true}
      %sub3A_610 = arith.constant 1 : i32
      %sub3A_611 = arith.subi %select_n3A_57, %sub3A_610 : i32
      %lt3A_612 = arith.cmpi slt, %while3A_89, %sub3A_611 : i32
      %convert_element_type3A_613 = arith.extui %lt3A_612 : i1 to i32
      %cond3A_614 = arith.constant 0 : i32
      %cond3A_615 = arith.cmpi ne, %convert_element_type3A_613, %cond3A_614 : i32
      scf.if %cond3A_615 {
        %dma_start3A_617 = arith.constant 0 : i32
        %dma_start3A_618 = tpu.memref_slice %arg6[%dma_start3A_617] : memref<1280xi32, #tpu.memory_space<vmem>> -> memref<128xi32, #tpu.memory_space<vmem>>
        %dma_start3A_619 = arith.constant 0 : i32
        %dma_start3A_620 = arith.constant 0 : i32
        %dma_start3A_621 = tpu.memref_slice %arg2[%dma_start3A_619, %dma_start3A_620] : memref<10000x128xf32, #tpu.memory_space<hbm>> -> memref<10000x128xf32, #tpu.memory_space<hbm>>
        tpu.enqueue_indirect_dma source(%dma_start3A_621 : memref<10000x128xf32, #tpu.memory_space<hbm>>) target(%arg11 : memref<128x128xf32, #tpu.memory_space<vmem>>) offsets(%dma_start3A_618 : memref<128xi32, #tpu.memory_space<vmem>>) semaphore(%arg14 : memref<!tpu.dma_semaphore, #tpu.memory_space<semaphore_mem>>)
      } else {
      }
      %while3A_616 = arith.constant 0 : i32
      scf.yield %while3A_616 : i32
    }
    %while3A_68 = arith.constant 1 : i32
    %while3A_69 = scf.for %while3A_89 = %while3A_65 to %while3A_61 step %while3A_68 iter_args(%while3A_90 = %while3A_67) -> (i32)  : i32 {
      %mul3A_91 = arith.constant 2 : i32
      %mul3A_92 = arith.muli %mul3A_91, %while3A_89 : i32
      %add3A_93 = arith.constant 0 : i32
      %add3A_94 = arith.addi %mul3A_92, %add3A_93 : i32
      %gt3A = arith.constant 0 : i32
      %gt3A_95 = arith.cmpi sgt, %while3A_89, %gt3A : i32
      %convert_element_type3A = arith.extui %gt3A_95 : i1 to i32
      %cond3A = arith.constant 0 : i32
      %cond3A_96 = arith.cmpi ne, %convert_element_type3A, %cond3A : i32
      scf.if %cond3A_96 {
        %dma_wait3A_617 = arith.constant 9 : i32
        %dma_wait3A_618 = arith.constant 0 : i32
        %dma_wait3A_619 = tpu.memref_slice %arg10[%dma_wait3A_617, %dma_wait3A_618] : memref<10x128xi32, #tpu.memory_space<vmem>> -> memref<1x128xi32, #tpu.memory_space<vmem>>
        %dma_wait3A_620 = tpu.memref_squeeze %dma_wait3A_619 : memref<1x128xi32, #tpu.memory_space<vmem>> -> memref<128xi32, #tpu.memory_space<vmem>>
        %dma_wait3A_621 = arith.constant 0 : i32
        %dma_wait3A_622 = arith.constant 0 : i32
        %dma_wait3A_623 = tpu.memref_slice %arg13[%dma_wait3A_621, %dma_wait3A_622] : memref<10000x128xf32, #tpu.memory_space<vmem_shared>> -> memref<10000x128xf32, #tpu.memory_space<vmem_shared>>
        tpu.wait_indirect_dma semaphore(%arg17 : memref<!tpu.dma_semaphore, #tpu.memory_space<semaphore_mem>>) src(%arg12 : memref<128x128xf32, #tpu.memory_space<vmem>>) dst(%dma_wait3A_623 : memref<10000x128xf32, #tpu.memory_space<vmem_shared>>)
      } else {
      }
      %dma_wait3A_97 = arith.constant 0 : i32
      %dma_wait3A_98 = tpu.memref_slice %arg6[%dma_wait3A_97] : memref<1280xi32, #tpu.memory_space<vmem>> -> memref<128xi32, #tpu.memory_space<vmem>>
      %dma_wait3A_99 = arith.constant 0 : i32
      %dma_wait3A_100 = arith.constant 0 : i32
      %dma_wait3A_101 = tpu.memref_slice %arg2[%dma_wait3A_99, %dma_wait3A_100] : memref<10000x128xf32, #tpu.memory_space<hbm>> -> memref<10000x128xf32, #tpu.memory_space<hbm>>
      tpu.wait_indirect_dma semaphore(%arg14 : memref<!tpu.dma_semaphore, #tpu.memory_space<semaphore_mem>>) src(%dma_wait3A_101 : memref<10000x128xf32, #tpu.memory_space<hbm>>) dst(%arg11 : memref<128x128xf32, #tpu.memory_space<vmem>>)
      %dma_start3A_102 = arith.constant 0 : i32
      %dma_start3A_103 = arith.constant 0 : i32
      %dma_start3A_104 = tpu.memref_slice %arg9[%dma_start3A_102, %dma_start3A_103] : memref<10x128xi32, #tpu.memory_space<vmem>> -> memref<1x128xi32, #tpu.memory_space<vmem>>
      %dma_start3A_105 = tpu.memref_squeeze %dma_start3A_104 : memref<1x128xi32, #tpu.memory_space<vmem>> -> memref<128xi32, #tpu.memory_space<vmem>>
      %dma_start3A_106 = arith.constant 0 : i32
      %dma_start3A_107 = arith.constant 0 : i32
      %dma_start3A_108 = tpu.memref_slice %arg13[%dma_start3A_106, %dma_start3A_107] : memref<10000x128xf32, #tpu.memory_space<vmem_shared>> -> memref<10000x128xf32, #tpu.memory_space<vmem_shared>>
      tpu.enqueue_indirect_dma source(%arg11 : memref<128x128xf32, #tpu.memory_space<vmem>>) target(%dma_start3A_108 : memref<10000x128xf32, #tpu.memory_space<vmem_shared>>) offsets(%dma_start3A_105 : memref<128xi32, #tpu.memory_space<vmem>>) semaphore(%arg16 : memref<!tpu.dma_semaphore, #tpu.memory_space<semaphore_mem>>) {add = true}
      %dma_start3A_109 = arith.constant 128 : i32
      %dma_start3A_110 = tpu.memref_slice %arg6[%dma_start3A_109] : memref<1280xi32, #tpu.memory_space<vmem>> -> memref<128xi32, #tpu.memory_space<vmem>>
      %dma_start3A_111 = arith.constant 0 : i32
      %dma_start3A_112 = arith.constant 0 : i32
      %dma_start3A_113 = tpu.memref_slice %arg2[%dma_start3A_111, %dma_start3A_112] : memref<10000x128xf32, #tpu.memory_space<hbm>> -> memref<10000x128xf32, #tpu.memory_space<hbm>>
      tpu.enqueue_indirect_dma source(%dma_start3A_113 : memref<10000x128xf32, #tpu.memory_space<hbm>>) target(%arg12 : memref<128x128xf32, #tpu.memory_space<vmem>>) offsets(%dma_start3A_110 : memref<128xi32, #tpu.memory_space<vmem>>) semaphore(%arg15 : memref<!tpu.dma_semaphore, #tpu.memory_space<semaphore_mem>>)
      %dma_wait3A_114 = arith.constant 0 : i32
      %dma_wait3A_115 = arith.constant 0 : i32
      %dma_wait3A_116 = tpu.memref_slice %arg9[%dma_wait3A_114, %dma_wait3A_115] : memref<10x128xi32, #tpu.memory_space<vmem>> -> memref<1x128xi32, #tpu.memory_space<vmem>>
      %dma_wait3A_117 = tpu.memref_squeeze %dma_wait3A_116 : memref<1x128xi32, #tpu.memory_space<vmem>> -> memref<128xi32, #tpu.memory_space<vmem>>
      %dma_wait3A_118 = arith.constant 0 : i32
      %dma_wait3A_119 = arith.constant 0 : i32
      %dma_wait3A_120 = tpu.memref_slice %arg13[%dma_wait3A_118, %dma_wait3A_119] : memref<10000x128xf32, #tpu.memory_space<vmem_shared>> -> memref<10000x128xf32, #tpu.memory_space<vmem_shared>>
      tpu.wait_indirect_dma semaphore(%arg16 : memref<!tpu.dma_semaphore, #tpu.memory_space<semaphore_mem>>) src(%arg11 : memref<128x128xf32, #tpu.memory_space<vmem>>) dst(%dma_wait3A_120 : memref<10000x128xf32, #tpu.memory_space<vmem_shared>>)
      %add3A_121 = arith.constant 1 : i32
      %add3A_122 = arith.addi %add3A_94, %add3A_121 : i32
      %mul3A_123 = arith.constant 10 : i32
      %mul3A_124 = arith.muli %add3A_122, %mul3A_123 : i32
      %mul3A_125 = arith.constant 128 : i32
      %mul3A_126 = arith.muli %mul3A_124, %mul3A_125 : i32
      %add3A_127 = arith.addi %mul3A_28, %mul3A_126 : i32
      %dma_start3A_128 = tpu.memref_slice %arg3[%add3A_127] : memref<320000xi32, #tpu.memory_space<hbm>> -> memref<1280xi32, #tpu.memory_space<hbm>>
      %dma_start3A_129 = tpu.memref_slice %arg3[%add3A_127] : memref<320000xi32, #tpu.memory_space<hbm>> -> memref<1280xi32, #tpu.memory_space<hbm>>
      tpu.enqueue_dma source(%dma_start3A_129 : memref<1280xi32, #tpu.memory_space<hbm>>) target(%arg7 : memref<1280xi32, #tpu.memory_space<vmem>>) target_semaphore(%arg19 : memref<!tpu.dma_semaphore, #tpu.memory_space<semaphore_mem>>)
      %dma_start3A_130 = tpu.memref_slice %arg4[%add3A_127] : memref<320000xi32, #tpu.memory_space<hbm>> -> memref<1280xi32, #tpu.memory_space<hbm>>
      %dma_start3A_131 = tpu.memref_slice %arg4[%add3A_127] : memref<320000xi32, #tpu.memory_space<hbm>> -> memref<1280xi32, #tpu.memory_space<hbm>>
      tpu.enqueue_dma source(%dma_start3A_131 : memref<1280xi32, #tpu.memory_space<hbm>>) target(%arg8 : memref<1280xi32, #tpu.memory_space<vmem>>) target_semaphore(%arg19 : memref<!tpu.dma_semaphore, #tpu.memory_space<semaphore_mem>>)
      %dma_wait3A_132 = arith.constant 128 : i32
      %dma_wait3A_133 = tpu.memref_slice %arg6[%dma_wait3A_132] : memref<1280xi32, #tpu.memory_space<vmem>> -> memref<128xi32, #tpu.memory_space<vmem>>
      %dma_wait3A_134 = arith.constant 0 : i32
      %dma_wait3A_135 = arith.constant 0 : i32
      %dma_wait3A_136 = tpu.memref_slice %arg2[%dma_wait3A_134, %dma_wait3A_135] : memref<10000x128xf32, #tpu.memory_space<hbm>> -> memref<10000x128xf32, #tpu.memory_space<hbm>>
      tpu.wait_indirect_dma semaphore(%arg15 : memref<!tpu.dma_semaphore, #tpu.memory_space<semaphore_mem>>) src(%dma_wait3A_136 : memref<10000x128xf32, #tpu.memory_space<hbm>>) dst(%arg12 : memref<128x128xf32, #tpu.memory_space<vmem>>)
      %dma_start3A_137 = arith.constant 1 : i32
      %dma_start3A_138 = arith.constant 0 : i32
      %dma_start3A_139 = tpu.memref_slice %arg9[%dma_start3A_137, %dma_start3A_138] : memref<10x128xi32, #tpu.memory_space<vmem>> -> memref<1x128xi32, #tpu.memory_space<vmem>>
      %dma_start3A_140 = tpu.memref_squeeze %dma_start3A_139 : memref<1x128xi32, #tpu.memory_space<vmem>> -> memref<128xi32, #tpu.memory_space<vmem>>
      %dma_start3A_141 = arith.constant 0 : i32
      %dma_start3A_142 = arith.constant 0 : i32
      %dma_start3A_143 = tpu.memref_slice %arg13[%dma_start3A_141, %dma_start3A_142] : memref<10000x128xf32, #tpu.memory_space<vmem_shared>> -> memref<10000x128xf32, #tpu.memory_space<vmem_shared>>
      tpu.enqueue_indirect_dma source(%arg12 : memref<128x128xf32, #tpu.memory_space<vmem>>) target(%dma_start3A_143 : memref<10000x128xf32, #tpu.memory_space<vmem_shared>>) offsets(%dma_start3A_140 : memref<128xi32, #tpu.memory_space<vmem>>) semaphore(%arg17 : memref<!tpu.dma_semaphore, #tpu.memory_space<semaphore_mem>>) {add = true}
      %dma_start3A_144 = arith.constant 256 : i32
      %dma_start3A_145 = tpu.memref_slice %arg6[%dma_start3A_144] : memref<1280xi32, #tpu.memory_space<vmem>> -> memref<128xi32, #tpu.memory_space<vmem>>
      %dma_start3A_146 = arith.constant 0 : i32
      %dma_start3A_147 = arith.constant 0 : i32
      %dma_start3A_148 = tpu.memref_slice %arg2[%dma_start3A_146, %dma_start3A_147] : memref<10000x128xf32, #tpu.memory_space<hbm>> -> memref<10000x128xf32, #tpu.memory_space<hbm>>
      tpu.enqueue_indirect_dma source(%dma_start3A_148 : memref<10000x128xf32, #tpu.memory_space<hbm>>) target(%arg11 : memref<128x128xf32, #tpu.memory_space<vmem>>) offsets(%dma_start3A_145 : memref<128xi32, #tpu.memory_space<vmem>>) semaphore(%arg14 : memref<!tpu.dma_semaphore, #tpu.memory_space<semaphore_mem>>)
      %dma_wait3A_149 = arith.constant 1 : i32
      %dma_wait3A_150 = arith.constant 0 : i32
      %dma_wait3A_151 = tpu.memref_slice %arg9[%dma_wait3A_149, %dma_wait3A_150] : memref<10x128xi32, #tpu.memory_space<vmem>> -> memref<1x128xi32, #tpu.memory_space<vmem>>
      %dma_wait3A_152 = tpu.memref_squeeze %dma_wait3A_151 : memref<1x128xi32, #tpu.memory_space<vmem>> -> memref<128xi32, #tpu.memory_space<vmem>>
      %dma_wait3A_153 = arith.constant 0 : i32
      %dma_wait3A_154 = arith.constant 0 : i32
      %dma_wait3A_155 = tpu.memref_slice %arg13[%dma_wait3A_153, %dma_wait3A_154] : memref<10000x128xf32, #tpu.memory_space<vmem_shared>> -> memref<10000x128xf32, #tpu.memory_space<vmem_shared>>
      tpu.wait_indirect_dma semaphore(%arg17 : memref<!tpu.dma_semaphore, #tpu.memory_space<semaphore_mem>>) src(%arg12 : memref<128x128xf32, #tpu.memory_space<vmem>>) dst(%dma_wait3A_155 : memref<10000x128xf32, #tpu.memory_space<vmem_shared>>)
      %dma_wait3A_156 = arith.constant 256 : i32
      %dma_wait3A_157 = tpu.memref_slice %arg6[%dma_wait3A_156] : memref<1280xi32, #tpu.memory_space<vmem>> -> memref<128xi32, #tpu.memory_space<vmem>>
      %dma_wait3A_158 = arith.constant 0 : i32
      %dma_wait3A_159 = arith.constant 0 : i32
      %dma_wait3A_160 = tpu.memref_slice %arg2[%dma_wait3A_158, %dma_wait3A_159] : memref<10000x128xf32, #tpu.memory_space<hbm>> -> memref<10000x128xf32, #tpu.memory_space<hbm>>
      tpu.wait_indirect_dma semaphore(%arg14 : memref<!tpu.dma_semaphore, #tpu.memory_space<semaphore_mem>>) src(%dma_wait3A_160 : memref<10000x128xf32, #tpu.memory_space<hbm>>) dst(%arg11 : memref<128x128xf32, #tpu.memory_space<vmem>>)
      %dma_start3A_161 = arith.constant 2 : i32
      %dma_start3A_162 = arith.constant 0 : i32
      %dma_start3A_163 = tpu.memref_slice %arg9[%dma_start3A_161, %dma_start3A_162] : memref<10x128xi32, #tpu.memory_space<vmem>> -> memref<1x128xi32, #tpu.memory_space<vmem>>
      %dma_start3A_164 = tpu.memref_squeeze %dma_start3A_163 : memref<1x128xi32, #tpu.memory_space<vmem>> -> memref<128xi32, #tpu.memory_space<vmem>>
      %dma_start3A_165 = arith.constant 0 : i32
      %dma_start3A_166 = arith.constant 0 : i32
      %dma_start3A_167 = tpu.memref_slice %arg13[%dma_start3A_165, %dma_start3A_166] : memref<10000x128xf32, #tpu.memory_space<vmem_shared>> -> memref<10000x128xf32, #tpu.memory_space<vmem_shared>>
      tpu.enqueue_indirect_dma source(%arg11 : memref<128x128xf32, #tpu.memory_space<vmem>>) target(%dma_start3A_167 : memref<10000x128xf32, #tpu.memory_space<vmem_shared>>) offsets(%dma_start3A_164 : memref<128xi32, #tpu.memory_space<vmem>>) semaphore(%arg16 : memref<!tpu.dma_semaphore, #tpu.memory_space<semaphore_mem>>) {add = true}
      %dma_start3A_168 = arith.constant 384 : i32
      %dma_start3A_169 = tpu.memref_slice %arg6[%dma_start3A_168] : memref<1280xi32, #tpu.memory_space<vmem>> -> memref<128xi32, #tpu.memory_space<vmem>>
      %dma_start3A_170 = arith.constant 0 : i32
      %dma_start3A_171 = arith.constant 0 : i32
      %dma_start3A_172 = tpu.memref_slice %arg2[%dma_start3A_170, %dma_start3A_171] : memref<10000x128xf32, #tpu.memory_space<hbm>> -> memref<10000x128xf32, #tpu.memory_space<hbm>>
      tpu.enqueue_indirect_dma source(%dma_start3A_172 : memref<10000x128xf32, #tpu.memory_space<hbm>>) target(%arg12 : memref<128x128xf32, #tpu.memory_space<vmem>>) offsets(%dma_start3A_169 : memref<128xi32, #tpu.memory_space<vmem>>) semaphore(%arg15 : memref<!tpu.dma_semaphore, #tpu.memory_space<semaphore_mem>>)
      %dma_wait3A_173 = arith.constant 2 : i32
      %dma_wait3A_174 = arith.constant 0 : i32
      %dma_wait3A_175 = tpu.memref_slice %arg9[%dma_wait3A_173, %dma_wait3A_174] : memref<10x128xi32, #tpu.memory_space<vmem>> -> memref<1x128xi32, #tpu.memory_space<vmem>>
      %dma_wait3A_176 = tpu.memref_squeeze %dma_wait3A_175 : memref<1x128xi32, #tpu.memory_space<vmem>> -> memref<128xi32, #tpu.memory_space<vmem>>
      %dma_wait3A_177 = arith.constant 0 : i32
      %dma_wait3A_178 = arith.constant 0 : i32
      %dma_wait3A_179 = tpu.memref_slice %arg13[%dma_wait3A_177, %dma_wait3A_178] : memref<10000x128xf32, #tpu.memory_space<vmem_shared>> -> memref<10000x128xf32, #tpu.memory_space<vmem_shared>>
      tpu.wait_indirect_dma semaphore(%arg16 : memref<!tpu.dma_semaphore, #tpu.memory_space<semaphore_mem>>) src(%arg11 : memref<128x128xf32, #tpu.memory_space<vmem>>) dst(%dma_wait3A_179 : memref<10000x128xf32, #tpu.memory_space<vmem_shared>>)
      %dma_wait3A_180 = arith.constant 384 : i32
      %dma_wait3A_181 = tpu.memref_slice %arg6[%dma_wait3A_180] : memref<1280xi32, #tpu.memory_space<vmem>> -> memref<128xi32, #tpu.memory_space<vmem>>
      %dma_wait3A_182 = arith.constant 0 : i32
      %dma_wait3A_183 = arith.constant 0 : i32
      %dma_wait3A_184 = tpu.memref_slice %arg2[%dma_wait3A_182, %dma_wait3A_183] : memref<10000x128xf32, #tpu.memory_space<hbm>> -> memref<10000x128xf32, #tpu.memory_space<hbm>>
      tpu.wait_indirect_dma semaphore(%arg15 : memref<!tpu.dma_semaphore, #tpu.memory_space<semaphore_mem>>) src(%dma_wait3A_184 : memref<10000x128xf32, #tpu.memory_space<hbm>>) dst(%arg12 : memref<128x128xf32, #tpu.memory_space<vmem>>)
      %dma_start3A_185 = arith.constant 3 : i32
      %dma_start3A_186 = arith.constant 0 : i32
      %dma_start3A_187 = tpu.memref_slice %arg9[%dma_start3A_185, %dma_start3A_186] : memref<10x128xi32, #tpu.memory_space<vmem>> -> memref<1x128xi32, #tpu.memory_space<vmem>>
      %dma_start3A_188 = tpu.memref_squeeze %dma_start3A_187 : memref<1x128xi32, #tpu.memory_space<vmem>> -> memref<128xi32, #tpu.memory_space<vmem>>
      %dma_start3A_189 = arith.constant 0 : i32
      %dma_start3A_190 = arith.constant 0 : i32
      %dma_start3A_191 = tpu.memref_slice %arg13[%dma_start3A_189, %dma_start3A_190] : memref<10000x128xf32, #tpu.memory_space<vmem_shared>> -> memref<10000x128xf32, #tpu.memory_space<vmem_shared>>
      tpu.enqueue_indirect_dma source(%arg12 : memref<128x128xf32, #tpu.memory_space<vmem>>) target(%dma_start3A_191 : memref<10000x128xf32, #tpu.memory_space<vmem_shared>>) offsets(%dma_start3A_188 : memref<128xi32, #tpu.memory_space<vmem>>) semaphore(%arg17 : memref<!tpu.dma_semaphore, #tpu.memory_space<semaphore_mem>>) {add = true}
      %dma_start3A_192 = arith.constant 512 : i32
      %dma_start3A_193 = tpu.memref_slice %arg6[%dma_start3A_192] : memref<1280xi32, #tpu.memory_space<vmem>> -> memref<128xi32, #tpu.memory_space<vmem>>
      %dma_start3A_194 = arith.constant 0 : i32
      %dma_start3A_195 = arith.constant 0 : i32
      %dma_start3A_196 = tpu.memref_slice %arg2[%dma_start3A_194, %dma_start3A_195] : memref<10000x128xf32, #tpu.memory_space<hbm>> -> memref<10000x128xf32, #tpu.memory_space<hbm>>
      tpu.enqueue_indirect_dma source(%dma_start3A_196 : memref<10000x128xf32, #tpu.memory_space<hbm>>) target(%arg11 : memref<128x128xf32, #tpu.memory_space<vmem>>) offsets(%dma_start3A_193 : memref<128xi32, #tpu.memory_space<vmem>>) semaphore(%arg14 : memref<!tpu.dma_semaphore, #tpu.memory_space<semaphore_mem>>)
      %dma_wait3A_197 = arith.constant 3 : i32
      %dma_wait3A_198 = arith.constant 0 : i32
      %dma_wait3A_199 = tpu.memref_slice %arg9[%dma_wait3A_197, %dma_wait3A_198] : memref<10x128xi32, #tpu.memory_space<vmem>> -> memref<1x128xi32, #tpu.memory_space<vmem>>
      %dma_wait3A_200 = tpu.memref_squeeze %dma_wait3A_199 : memref<1x128xi32, #tpu.memory_space<vmem>> -> memref<128xi32, #tpu.memory_space<vmem>>
      %dma_wait3A_201 = arith.constant 0 : i32
      %dma_wait3A_202 = arith.constant 0 : i32
      %dma_wait3A_203 = tpu.memref_slice %arg13[%dma_wait3A_201, %dma_wait3A_202] : memref<10000x128xf32, #tpu.memory_space<vmem_shared>> -> memref<10000x128xf32, #tpu.memory_space<vmem_shared>>
      tpu.wait_indirect_dma semaphore(%arg17 : memref<!tpu.dma_semaphore, #tpu.memory_space<semaphore_mem>>) src(%arg12 : memref<128x128xf32, #tpu.memory_space<vmem>>) dst(%dma_wait3A_203 : memref<10000x128xf32, #tpu.memory_space<vmem_shared>>)
      %dma_wait3A_204 = arith.constant 512 : i32
      %dma_wait3A_205 = tpu.memref_slice %arg6[%dma_wait3A_204] : memref<1280xi32, #tpu.memory_space<vmem>> -> memref<128xi32, #tpu.memory_space<vmem>>
      %dma_wait3A_206 = arith.constant 0 : i32
      %dma_wait3A_207 = arith.constant 0 : i32
      %dma_wait3A_208 = tpu.memref_slice %arg2[%dma_wait3A_206, %dma_wait3A_207] : memref<10000x128xf32, #tpu.memory_space<hbm>> -> memref<10000x128xf32, #tpu.memory_space<hbm>>
      tpu.wait_indirect_dma semaphore(%arg14 : memref<!tpu.dma_semaphore, #tpu.memory_space<semaphore_mem>>) src(%dma_wait3A_208 : memref<10000x128xf32, #tpu.memory_space<hbm>>) dst(%arg11 : memref<128x128xf32, #tpu.memory_space<vmem>>)
      %dma_start3A_209 = arith.constant 4 : i32
      %dma_start3A_210 = arith.constant 0 : i32
      %dma_start3A_211 = tpu.memref_slice %arg9[%dma_start3A_209, %dma_start3A_210] : memref<10x128xi32, #tpu.memory_space<vmem>> -> memref<1x128xi32, #tpu.memory_space<vmem>>
      %dma_start3A_212 = tpu.memref_squeeze %dma_start3A_211 : memref<1x128xi32, #tpu.memory_space<vmem>> -> memref<128xi32, #tpu.memory_space<vmem>>
      %dma_start3A_213 = arith.constant 0 : i32
      %dma_start3A_214 = arith.constant 0 : i32
      %dma_start3A_215 = tpu.memref_slice %arg13[%dma_start3A_213, %dma_start3A_214] : memref<10000x128xf32, #tpu.memory_space<vmem_shared>> -> memref<10000x128xf32, #tpu.memory_space<vmem_shared>>
      tpu.enqueue_indirect_dma source(%arg11 : memref<128x128xf32, #tpu.memory_space<vmem>>) target(%dma_start3A_215 : memref<10000x128xf32, #tpu.memory_space<vmem_shared>>) offsets(%dma_start3A_212 : memref<128xi32, #tpu.memory_space<vmem>>) semaphore(%arg16 : memref<!tpu.dma_semaphore, #tpu.memory_space<semaphore_mem>>) {add = true}
      %dma_start3A_216 = arith.constant 640 : i32
      %dma_start3A_217 = tpu.memref_slice %arg6[%dma_start3A_216] : memref<1280xi32, #tpu.memory_space<vmem>> -> memref<128xi32, #tpu.memory_space<vmem>>
      %dma_start3A_218 = arith.constant 0 : i32
      %dma_start3A_219 = arith.constant 0 : i32
      %dma_start3A_220 = tpu.memref_slice %arg2[%dma_start3A_218, %dma_start3A_219] : memref<10000x128xf32, #tpu.memory_space<hbm>> -> memref<10000x128xf32, #tpu.memory_space<hbm>>
      tpu.enqueue_indirect_dma source(%dma_start3A_220 : memref<10000x128xf32, #tpu.memory_space<hbm>>) target(%arg12 : memref<128x128xf32, #tpu.memory_space<vmem>>) offsets(%dma_start3A_217 : memref<128xi32, #tpu.memory_space<vmem>>) semaphore(%arg15 : memref<!tpu.dma_semaphore, #tpu.memory_space<semaphore_mem>>)
      %dma_wait3A_221 = arith.constant 4 : i32
      %dma_wait3A_222 = arith.constant 0 : i32
      %dma_wait3A_223 = tpu.memref_slice %arg9[%dma_wait3A_221, %dma_wait3A_222] : memref<10x128xi32, #tpu.memory_space<vmem>> -> memref<1x128xi32, #tpu.memory_space<vmem>>
      %dma_wait3A_224 = tpu.memref_squeeze %dma_wait3A_223 : memref<1x128xi32, #tpu.memory_space<vmem>> -> memref<128xi32, #tpu.memory_space<vmem>>
      %dma_wait3A_225 = arith.constant 0 : i32
      %dma_wait3A_226 = arith.constant 0 : i32
      %dma_wait3A_227 = tpu.memref_slice %arg13[%dma_wait3A_225, %dma_wait3A_226] : memref<10000x128xf32, #tpu.memory_space<vmem_shared>> -> memref<10000x128xf32, #tpu.memory_space<vmem_shared>>
      tpu.wait_indirect_dma semaphore(%arg16 : memref<!tpu.dma_semaphore, #tpu.memory_space<semaphore_mem>>) src(%arg11 : memref<128x128xf32, #tpu.memory_space<vmem>>) dst(%dma_wait3A_227 : memref<10000x128xf32, #tpu.memory_space<vmem_shared>>)
      %add3A_228 = arith.constant 1 : i32
      %add3A_229 = arith.addi %add3A_94, %add3A_228 : i32
      %mul3A_230 = arith.constant 10 : i32
      %mul3A_231 = arith.muli %add3A_229, %mul3A_230 : i32
      %mul3A_232 = arith.constant 128 : i32
      %mul3A_233 = arith.muli %mul3A_231, %mul3A_232 : i32
      %add3A_234 = arith.addi %mul3A_28, %mul3A_233 : i32
      %dma_wait3A_235 = tpu.memref_slice %arg3[%add3A_234] : memref<320000xi32, #tpu.memory_space<hbm>> -> memref<1280xi32, #tpu.memory_space<hbm>>
      %dma_wait3A_236 = tpu.memref_slice %arg3[%add3A_234] : memref<320000xi32, #tpu.memory_space<hbm>> -> memref<1280xi32, #tpu.memory_space<hbm>>
      tpu.wait_dma2 semaphore(%arg19 : memref<!tpu.dma_semaphore, #tpu.memory_space<semaphore_mem>>) src(%dma_wait3A_236 : memref<1280xi32, #tpu.memory_space<hbm>>) dst(%arg7 : memref<1280xi32, #tpu.memory_space<vmem>>)
      %dma_wait3A_237 = tpu.memref_slice %arg4[%add3A_234] : memref<320000xi32, #tpu.memory_space<hbm>> -> memref<1280xi32, #tpu.memory_space<hbm>>
      %dma_wait3A_238 = tpu.memref_slice %arg4[%add3A_234] : memref<320000xi32, #tpu.memory_space<hbm>> -> memref<1280xi32, #tpu.memory_space<hbm>>
      tpu.wait_dma2 semaphore(%arg19 : memref<!tpu.dma_semaphore, #tpu.memory_space<semaphore_mem>>) src(%dma_wait3A_238 : memref<1280xi32, #tpu.memory_space<hbm>>) dst(%arg8 : memref<1280xi32, #tpu.memory_space<vmem>>)
      %scan3A_239 = arith.constant 0 : i32
      %scan3A_240 = arith.constant 0 : i32
      %scan3A_241 = arith.constant 80 : i32
      %scan3A_242 = arith.addi %scan3A_240, %scan3A_241 : i32
      %scan3A_243 = arith.constant 1 : i32
      %scan3A_244 = scf.for %scan3A_617 = %scan3A_240 to %scan3A_242 step %scan3A_243 iter_args(%scan3A_618 = %scan3A_239) -> (i32)  : i32 {
        %jit3A_619 = arith.constant 8 : i32
        %div3A_620 = arith.divsi %scan3A_617, %jit3A_619 : i32
        %sign3A_621 = arith.constant 0 : i32
        %sign3A_622 = arith.cmpi sgt, %scan3A_617, %sign3A_621 : i32
        %sign3A_623 = arith.extui %sign3A_622 : i1 to i32
        %sign3A_624 = arith.constant 0 : i32
        %sign3A_625 = arith.cmpi slt, %scan3A_617, %sign3A_624 : i32
        %sign3A_626 = arith.extui %sign3A_625 : i1 to i32
        %sign3A_627 = arith.subi %sign3A_623, %sign3A_626 : i32
        %sign3A_628 = arith.constant 0 : i32
        %sign3A_629 = arith.cmpi sgt, %jit3A_619, %sign3A_628 : i32
        %sign3A_630 = arith.extui %sign3A_629 : i1 to i32
        %sign3A_631 = arith.constant 0 : i32
        %sign3A_632 = arith.cmpi slt, %jit3A_619, %sign3A_631 : i32
        %sign3A_633 = arith.extui %sign3A_632 : i1 to i32
        %sign3A_634 = arith.subi %sign3A_630, %sign3A_633 : i32
        %ne3A_635 = arith.cmpi ne, %sign3A_627, %sign3A_634 : i32
        %rem3A_636 = arith.remsi %scan3A_617, %jit3A_619 : i32
        %ne3A_637 = arith.constant 0 : i32
        %ne3A_638 = arith.cmpi ne, %rem3A_636, %ne3A_637 : i32
        %and3A_639 = arith.andi %ne3A_635, %ne3A_638 : i1
        %sub3A_640 = arith.constant 1 : i32
        %sub3A_641 = arith.subi %div3A_620, %sub3A_640 : i32
        %select_n3A_642 = arith.select %and3A_639, %sub3A_641, %div3A_620 : i32
        %jit3A_643 = arith.constant 8 : i32
        %eq3A = arith.constant 0 : i32
        %eq3A_644 = arith.cmpi eq, %jit3A_643, %eq3A : i32
        %jit3A_645 = arith.constant 1 : i32
        %select_n3A_646 = arith.select %eq3A_644, %jit3A_645, %jit3A_643 : i32
        %rem3A_647 = arith.remsi %scan3A_617, %select_n3A_646 : i32
        %ne3A_648 = arith.constant 0 : i32
        %ne3A_649 = arith.cmpi ne, %rem3A_647, %ne3A_648 : i32
        %lt3A_650 = arith.constant 0 : i32
        %lt3A_651 = arith.cmpi slt, %rem3A_647, %lt3A_650 : i32
        %lt3A_652 = arith.constant 0 : i32
        %lt3A_653 = arith.cmpi slt, %select_n3A_646, %lt3A_652 : i32
        %ne3A_654 = arith.xori %lt3A_651, %lt3A_653 : i1
        %and3A_655 = arith.andi %ne3A_654, %ne3A_649 : i1
        %add3A_656 = arith.addi %rem3A_647, %select_n3A_646 : i32
        %select_n3A_657 = arith.select %and3A_655, %add3A_656, %rem3A_647 : i32
        %mul3A_658 = arith.constant 128 : i32
        %mul3A_659 = arith.muli %select_n3A_642, %mul3A_658 : i32
        %mul3A_660 = arith.constant 16 : i32
        %mul3A_661 = arith.muli %select_n3A_657, %mul3A_660 : i32
        %add3A_662 = arith.addi %mul3A_659, %mul3A_661 : i32
        %get3A = arith.index_cast %add3A_662 : i32 to index
        %get3A_663 = tpu.vector_load %arg8[%get3A] {strides = array<i32>} : memref<1280xi32, #tpu.memory_space<vmem>>, vector<16xi32>,
        %get3A_664 = vector.shape_cast %get3A_663 : vector<16xi32> to vector<16xi32>
        %mul3A_665 = arith.constant 16 : i32
        %mul3A_666 = arith.muli %select_n3A_657, %mul3A_665 : i32
        %swap3A = arith.index_cast %select_n3A_642 : i32 to index
        %swap3A_667 = arith.index_cast %mul3A_666 : i32 to index
        %swap3A_668 = tpu.vector_load %arg10[%swap3A, %swap3A_667] {strides = array<i32>} : memref<10x128xi32, #tpu.memory_space<vmem>>, vector<1x16xi32>,
        %swap3A_669 = vector.shape_cast %swap3A_668 : vector<1x16xi32> to vector<16xi32>
        %swap3A_670 = vector.shape_cast %get3A_664 : vector<16xi32> to vector<1x16xi32>
        tpu.vector_store %arg10[%swap3A, %swap3A_667], %swap3A_670 {strides = array<i32>} : memref<10x128xi32, #tpu.memory_space<vmem>>, vector<1x16xi32>,
        %scan3A_671 = arith.constant 0 : i32
        scf.yield %scan3A_671 : i32
      }
      %scan3A_245 = arith.constant 80 : i32
      %dma_wait3A_246 = arith.constant 640 : i32
      %dma_wait3A_247 = tpu.memref_slice %arg6[%dma_wait3A_246] : memref<1280xi32, #tpu.memory_space<vmem>> -> memref<128xi32, #tpu.memory_space<vmem>>
      %dma_wait3A_248 = arith.constant 0 : i32
      %dma_wait3A_249 = arith.constant 0 : i32
      %dma_wait3A_250 = tpu.memref_slice %arg2[%dma_wait3A_248, %dma_wait3A_249] : memref<10000x128xf32, #tpu.memory_space<hbm>> -> memref<10000x128xf32, #tpu.memory_space<hbm>>
      tpu.wait_indirect_dma semaphore(%arg15 : memref<!tpu.dma_semaphore, #tpu.memory_space<semaphore_mem>>) src(%dma_wait3A_250 : memref<10000x128xf32, #tpu.memory_space<hbm>>) dst(%arg12 : memref<128x128xf32, #tpu.memory_space<vmem>>)
      %dma_start3A_251 = arith.constant 5 : i32
      %dma_start3A_252 = arith.constant 0 : i32
      %dma_start3A_253 = tpu.memref_slice %arg9[%dma_start3A_251, %dma_start3A_252] : memref<10x128xi32, #tpu.memory_space<vmem>> -> memref<1x128xi32, #tpu.memory_space<vmem>>
      %dma_start3A_254 = tpu.memref_squeeze %dma_start3A_253 : memref<1x128xi32, #tpu.memory_space<vmem>> -> memref<128xi32, #tpu.memory_space<vmem>>
      %dma_start3A_255 = arith.constant 0 : i32
      %dma_start3A_256 = arith.constant 0 : i32
      %dma_start3A_257 = tpu.memref_slice %arg13[%dma_start3A_255, %dma_start3A_256] : memref<10000x128xf32, #tpu.memory_space<vmem_shared>> -> memref<10000x128xf32, #tpu.memory_space<vmem_shared>>
      tpu.enqueue_indirect_dma source(%arg12 : memref<128x128xf32, #tpu.memory_space<vmem>>) target(%dma_start3A_257 : memref<10000x128xf32, #tpu.memory_space<vmem_shared>>) offsets(%dma_start3A_254 : memref<128xi32, #tpu.memory_space<vmem>>) semaphore(%arg17 : memref<!tpu.dma_semaphore, #tpu.memory_space<semaphore_mem>>) {add = true}
      %dma_start3A_258 = arith.constant 768 : i32
      %dma_start3A_259 = tpu.memref_slice %arg6[%dma_start3A_258] : memref<1280xi32, #tpu.memory_space<vmem>> -> memref<128xi32, #tpu.memory_space<vmem>>
      %dma_start3A_260 = arith.constant 0 : i32
      %dma_start3A_261 = arith.constant 0 : i32
      %dma_start3A_262 = tpu.memref_slice %arg2[%dma_start3A_260, %dma_start3A_261] : memref<10000x128xf32, #tpu.memory_space<hbm>> -> memref<10000x128xf32, #tpu.memory_space<hbm>>
      tpu.enqueue_indirect_dma source(%dma_start3A_262 : memref<10000x128xf32, #tpu.memory_space<hbm>>) target(%arg11 : memref<128x128xf32, #tpu.memory_space<vmem>>) offsets(%dma_start3A_259 : memref<128xi32, #tpu.memory_space<vmem>>) semaphore(%arg14 : memref<!tpu.dma_semaphore, #tpu.memory_space<semaphore_mem>>)
      %dma_wait3A_263 = arith.constant 5 : i32
      %dma_wait3A_264 = arith.constant 0 : i32
      %dma_wait3A_265 = tpu.memref_slice %arg9[%dma_wait3A_263, %dma_wait3A_264] : memref<10x128xi32, #tpu.memory_space<vmem>> -> memref<1x128xi32, #tpu.memory_space<vmem>>
      %dma_wait3A_266 = tpu.memref_squeeze %dma_wait3A_265 : memref<1x128xi32, #tpu.memory_space<vmem>> -> memref<128xi32, #tpu.memory_space<vmem>>
      %dma_wait3A_267 = arith.constant 0 : i32
      %dma_wait3A_268 = arith.constant 0 : i32
      %dma_wait3A_269 = tpu.memref_slice %arg13[%dma_wait3A_267, %dma_wait3A_268] : memref<10000x128xf32, #tpu.memory_space<vmem_shared>> -> memref<10000x128xf32, #tpu.memory_space<vmem_shared>>
      tpu.wait_indirect_dma semaphore(%arg17 : memref<!tpu.dma_semaphore, #tpu.memory_space<semaphore_mem>>) src(%arg12 : memref<128x128xf32, #tpu.memory_space<vmem>>) dst(%dma_wait3A_269 : memref<10000x128xf32, #tpu.memory_space<vmem_shared>>)
      %dma_wait3A_270 = arith.constant 768 : i32
      %dma_wait3A_271 = tpu.memref_slice %arg6[%dma_wait3A_270] : memref<1280xi32, #tpu.memory_space<vmem>> -> memref<128xi32, #tpu.memory_space<vmem>>
      %dma_wait3A_272 = arith.constant 0 : i32
      %dma_wait3A_273 = arith.constant 0 : i32
      %dma_wait3A_274 = tpu.memref_slice %arg2[%dma_wait3A_272, %dma_wait3A_273] : memref<10000x128xf32, #tpu.memory_space<hbm>> -> memref<10000x128xf32, #tpu.memory_space<hbm>>
      tpu.wait_indirect_dma semaphore(%arg14 : memref<!tpu.dma_semaphore, #tpu.memory_space<semaphore_mem>>) src(%dma_wait3A_274 : memref<10000x128xf32, #tpu.memory_space<hbm>>) dst(%arg11 : memref<128x128xf32, #tpu.memory_space<vmem>>)
      %dma_start3A_275 = arith.constant 6 : i32
      %dma_start3A_276 = arith.constant 0 : i32
      %dma_start3A_277 = tpu.memref_slice %arg9[%dma_start3A_275, %dma_start3A_276] : memref<10x128xi32, #tpu.memory_space<vmem>> -> memref<1x128xi32, #tpu.memory_space<vmem>>
      %dma_start3A_278 = tpu.memref_squeeze %dma_start3A_277 : memref<1x128xi32, #tpu.memory_space<vmem>> -> memref<128xi32, #tpu.memory_space<vmem>>
      %dma_start3A_279 = arith.constant 0 : i32
      %dma_start3A_280 = arith.constant 0 : i32
      %dma_start3A_281 = tpu.memref_slice %arg13[%dma_start3A_279, %dma_start3A_280] : memref<10000x128xf32, #tpu.memory_space<vmem_shared>> -> memref<10000x128xf32, #tpu.memory_space<vmem_shared>>
      tpu.enqueue_indirect_dma source(%arg11 : memref<128x128xf32, #tpu.memory_space<vmem>>) target(%dma_start3A_281 : memref<10000x128xf32, #tpu.memory_space<vmem_shared>>) offsets(%dma_start3A_278 : memref<128xi32, #tpu.memory_space<vmem>>) semaphore(%arg16 : memref<!tpu.dma_semaphore, #tpu.memory_space<semaphore_mem>>) {add = true}
      %dma_start3A_282 = arith.constant 896 : i32
      %dma_start3A_283 = tpu.memref_slice %arg6[%dma_start3A_282] : memref<1280xi32, #tpu.memory_space<vmem>> -> memref<128xi32, #tpu.memory_space<vmem>>
      %dma_start3A_284 = arith.constant 0 : i32
      %dma_start3A_285 = arith.constant 0 : i32
      %dma_start3A_286 = tpu.memref_slice %arg2[%dma_start3A_284, %dma_start3A_285] : memref<10000x128xf32, #tpu.memory_space<hbm>> -> memref<10000x128xf32, #tpu.memory_space<hbm>>
      tpu.enqueue_indirect_dma source(%dma_start3A_286 : memref<10000x128xf32, #tpu.memory_space<hbm>>) target(%arg12 : memref<128x128xf32, #tpu.memory_space<vmem>>) offsets(%dma_start3A_283 : memref<128xi32, #tpu.memory_space<vmem>>) semaphore(%arg15 : memref<!tpu.dma_semaphore, #tpu.memory_space<semaphore_mem>>)
      %dma_wait3A_287 = arith.constant 6 : i32
      %dma_wait3A_288 = arith.constant 0 : i32
      %dma_wait3A_289 = tpu.memref_slice %arg9[%dma_wait3A_287, %dma_wait3A_288] : memref<10x128xi32, #tpu.memory_space<vmem>> -> memref<1x128xi32, #tpu.memory_space<vmem>>
      %dma_wait3A_290 = tpu.memref_squeeze %dma_wait3A_289 : memref<1x128xi32, #tpu.memory_space<vmem>> -> memref<128xi32, #tpu.memory_space<vmem>>
      %dma_wait3A_291 = arith.constant 0 : i32
      %dma_wait3A_292 = arith.constant 0 : i32
      %dma_wait3A_293 = tpu.memref_slice %arg13[%dma_wait3A_291, %dma_wait3A_292] : memref<10000x128xf32, #tpu.memory_space<vmem_shared>> -> memref<10000x128xf32, #tpu.memory_space<vmem_shared>>
      tpu.wait_indirect_dma semaphore(%arg16 : memref<!tpu.dma_semaphore, #tpu.memory_space<semaphore_mem>>) src(%arg11 : memref<128x128xf32, #tpu.memory_space<vmem>>) dst(%dma_wait3A_293 : memref<10000x128xf32, #tpu.memory_space<vmem_shared>>)
      %dma_wait3A_294 = arith.constant 896 : i32
      %dma_wait3A_295 = tpu.memref_slice %arg6[%dma_wait3A_294] : memref<1280xi32, #tpu.memory_space<vmem>> -> memref<128xi32, #tpu.memory_space<vmem>>
      %dma_wait3A_296 = arith.constant 0 : i32
      %dma_wait3A_297 = arith.constant 0 : i32
      %dma_wait3A_298 = tpu.memref_slice %arg2[%dma_wait3A_296, %dma_wait3A_297] : memref<10000x128xf32, #tpu.memory_space<hbm>> -> memref<10000x128xf32, #tpu.memory_space<hbm>>
      tpu.wait_indirect_dma semaphore(%arg15 : memref<!tpu.dma_semaphore, #tpu.memory_space<semaphore_mem>>) src(%dma_wait3A_298 : memref<10000x128xf32, #tpu.memory_space<hbm>>) dst(%arg12 : memref<128x128xf32, #tpu.memory_space<vmem>>)
      %dma_start3A_299 = arith.constant 7 : i32
      %dma_start3A_300 = arith.constant 0 : i32
      %dma_start3A_301 = tpu.memref_slice %arg9[%dma_start3A_299, %dma_start3A_300] : memref<10x128xi32, #tpu.memory_space<vmem>> -> memref<1x128xi32, #tpu.memory_space<vmem>>
      %dma_start3A_302 = tpu.memref_squeeze %dma_start3A_301 : memref<1x128xi32, #tpu.memory_space<vmem>> -> memref<128xi32, #tpu.memory_space<vmem>>
      %dma_start3A_303 = arith.constant 0 : i32
      %dma_start3A_304 = arith.constant 0 : i32
      %dma_start3A_305 = tpu.memref_slice %arg13[%dma_start3A_303, %dma_start3A_304] : memref<10000x128xf32, #tpu.memory_space<vmem_shared>> -> memref<10000x128xf32, #tpu.memory_space<vmem_shared>>
      tpu.enqueue_indirect_dma source(%arg12 : memref<128x128xf32, #tpu.memory_space<vmem>>) target(%dma_start3A_305 : memref<10000x128xf32, #tpu.memory_space<vmem_shared>>) offsets(%dma_start3A_302 : memref<128xi32, #tpu.memory_space<vmem>>) semaphore(%arg17 : memref<!tpu.dma_semaphore, #tpu.memory_space<semaphore_mem>>) {add = true}
      %dma_start3A_306 = arith.constant 1024 : i32
      %dma_start3A_307 = tpu.memref_slice %arg6[%dma_start3A_306] : memref<1280xi32, #tpu.memory_space<vmem>> -> memref<128xi32, #tpu.memory_space<vmem>>
      %dma_start3A_308 = arith.constant 0 : i32
      %dma_start3A_309 = arith.constant 0 : i32
      %dma_start3A_310 = tpu.memref_slice %arg2[%dma_start3A_308, %dma_start3A_309] : memref<10000x128xf32, #tpu.memory_space<hbm>> -> memref<10000x128xf32, #tpu.memory_space<hbm>>
      tpu.enqueue_indirect_dma source(%dma_start3A_310 : memref<10000x128xf32, #tpu.memory_space<hbm>>) target(%arg11 : memref<128x128xf32, #tpu.memory_space<vmem>>) offsets(%dma_start3A_307 : memref<128xi32, #tpu.memory_space<vmem>>) semaphore(%arg14 : memref<!tpu.dma_semaphore, #tpu.memory_space<semaphore_mem>>)
      %dma_wait3A_311 = arith.constant 7 : i32
      %dma_wait3A_312 = arith.constant 0 : i32
      %dma_wait3A_313 = tpu.memref_slice %arg9[%dma_wait3A_311, %dma_wait3A_312] : memref<10x128xi32, #tpu.memory_space<vmem>> -> memref<1x128xi32, #tpu.memory_space<vmem>>
      %dma_wait3A_314 = tpu.memref_squeeze %dma_wait3A_313 : memref<1x128xi32, #tpu.memory_space<vmem>> -> memref<128xi32, #tpu.memory_space<vmem>>
      %dma_wait3A_315 = arith.constant 0 : i32
      %dma_wait3A_316 = arith.constant 0 : i32
      %dma_wait3A_317 = tpu.memref_slice %arg13[%dma_wait3A_315, %dma_wait3A_316] : memref<10000x128xf32, #tpu.memory_space<vmem_shared>> -> memref<10000x128xf32, #tpu.memory_space<vmem_shared>>
      tpu.wait_indirect_dma semaphore(%arg17 : memref<!tpu.dma_semaphore, #tpu.memory_space<semaphore_mem>>) src(%arg12 : memref<128x128xf32, #tpu.memory_space<vmem>>) dst(%dma_wait3A_317 : memref<10000x128xf32, #tpu.memory_space<vmem_shared>>)
      %dma_wait3A_318 = arith.constant 1024 : i32
      %dma_wait3A_319 = tpu.memref_slice %arg6[%dma_wait3A_318] : memref<1280xi32, #tpu.memory_space<vmem>> -> memref<128xi32, #tpu.memory_space<vmem>>
      %dma_wait3A_320 = arith.constant 0 : i32
      %dma_wait3A_321 = arith.constant 0 : i32
      %dma_wait3A_322 = tpu.memref_slice %arg2[%dma_wait3A_320, %dma_wait3A_321] : memref<10000x128xf32, #tpu.memory_space<hbm>> -> memref<10000x128xf32, #tpu.memory_space<hbm>>
      tpu.wait_indirect_dma semaphore(%arg14 : memref<!tpu.dma_semaphore, #tpu.memory_space<semaphore_mem>>) src(%dma_wait3A_322 : memref<10000x128xf32, #tpu.memory_space<hbm>>) dst(%arg11 : memref<128x128xf32, #tpu.memory_space<vmem>>)
      %dma_start3A_323 = arith.constant 8 : i32
      %dma_start3A_324 = arith.constant 0 : i32
      %dma_start3A_325 = tpu.memref_slice %arg9[%dma_start3A_323, %dma_start3A_324] : memref<10x128xi32, #tpu.memory_space<vmem>> -> memref<1x128xi32, #tpu.memory_space<vmem>>
      %dma_start3A_326 = tpu.memref_squeeze %dma_start3A_325 : memref<1x128xi32, #tpu.memory_space<vmem>> -> memref<128xi32, #tpu.memory_space<vmem>>
      %dma_start3A_327 = arith.constant 0 : i32
      %dma_start3A_328 = arith.constant 0 : i32
      %dma_start3A_329 = tpu.memref_slice %arg13[%dma_start3A_327, %dma_start3A_328] : memref<10000x128xf32, #tpu.memory_space<vmem_shared>> -> memref<10000x128xf32, #tpu.memory_space<vmem_shared>>
      tpu.enqueue_indirect_dma source(%arg11 : memref<128x128xf32, #tpu.memory_space<vmem>>) target(%dma_start3A_329 : memref<10000x128xf32, #tpu.memory_space<vmem_shared>>) offsets(%dma_start3A_326 : memref<128xi32, #tpu.memory_space<vmem>>) semaphore(%arg16 : memref<!tpu.dma_semaphore, #tpu.memory_space<semaphore_mem>>) {add = true}
      %dma_start3A_330 = arith.constant 1152 : i32
      %dma_start3A_331 = tpu.memref_slice %arg6[%dma_start3A_330] : memref<1280xi32, #tpu.memory_space<vmem>> -> memref<128xi32, #tpu.memory_space<vmem>>
      %dma_start3A_332 = arith.constant 0 : i32
      %dma_start3A_333 = arith.constant 0 : i32
      %dma_start3A_334 = tpu.memref_slice %arg2[%dma_start3A_332, %dma_start3A_333] : memref<10000x128xf32, #tpu.memory_space<hbm>> -> memref<10000x128xf32, #tpu.memory_space<hbm>>
      tpu.enqueue_indirect_dma source(%dma_start3A_334 : memref<10000x128xf32, #tpu.memory_space<hbm>>) target(%arg12 : memref<128x128xf32, #tpu.memory_space<vmem>>) offsets(%dma_start3A_331 : memref<128xi32, #tpu.memory_space<vmem>>) semaphore(%arg15 : memref<!tpu.dma_semaphore, #tpu.memory_space<semaphore_mem>>)
      %dma_wait3A_335 = arith.constant 8 : i32
      %dma_wait3A_336 = arith.constant 0 : i32
      %dma_wait3A_337 = tpu.memref_slice %arg9[%dma_wait3A_335, %dma_wait3A_336] : memref<10x128xi32, #tpu.memory_space<vmem>> -> memref<1x128xi32, #tpu.memory_space<vmem>>
      %dma_wait3A_338 = tpu.memref_squeeze %dma_wait3A_337 : memref<1x128xi32, #tpu.memory_space<vmem>> -> memref<128xi32, #tpu.memory_space<vmem>>
      %dma_wait3A_339 = arith.constant 0 : i32
      %dma_wait3A_340 = arith.constant 0 : i32
      %dma_wait3A_341 = tpu.memref_slice %arg13[%dma_wait3A_339, %dma_wait3A_340] : memref<10000x128xf32, #tpu.memory_space<vmem_shared>> -> memref<10000x128xf32, #tpu.memory_space<vmem_shared>>
      tpu.wait_indirect_dma semaphore(%arg16 : memref<!tpu.dma_semaphore, #tpu.memory_space<semaphore_mem>>) src(%arg11 : memref<128x128xf32, #tpu.memory_space<vmem>>) dst(%dma_wait3A_341 : memref<10000x128xf32, #tpu.memory_space<vmem_shared>>)
      %dma_wait3A_342 = arith.constant 1152 : i32
      %dma_wait3A_343 = tpu.memref_slice %arg6[%dma_wait3A_342] : memref<1280xi32, #tpu.memory_space<vmem>> -> memref<128xi32, #tpu.memory_space<vmem>>
      %dma_wait3A_344 = arith.constant 0 : i32
      %dma_wait3A_345 = arith.constant 0 : i32
      %dma_wait3A_346 = tpu.memref_slice %arg2[%dma_wait3A_344, %dma_wait3A_345] : memref<10000x128xf32, #tpu.memory_space<hbm>> -> memref<10000x128xf32, #tpu.memory_space<hbm>>
      tpu.wait_indirect_dma semaphore(%arg15 : memref<!tpu.dma_semaphore, #tpu.memory_space<semaphore_mem>>) src(%dma_wait3A_346 : memref<10000x128xf32, #tpu.memory_space<hbm>>) dst(%arg12 : memref<128x128xf32, #tpu.memory_space<vmem>>)
      %dma_start3A_347 = arith.constant 9 : i32
      %dma_start3A_348 = arith.constant 0 : i32
      %dma_start3A_349 = tpu.memref_slice %arg9[%dma_start3A_347, %dma_start3A_348] : memref<10x128xi32, #tpu.memory_space<vmem>> -> memref<1x128xi32, #tpu.memory_space<vmem>>
      %dma_start3A_350 = tpu.memref_squeeze %dma_start3A_349 : memref<1x128xi32, #tpu.memory_space<vmem>> -> memref<128xi32, #tpu.memory_space<vmem>>
      %dma_start3A_351 = arith.constant 0 : i32
      %dma_start3A_352 = arith.constant 0 : i32
      %dma_start3A_353 = tpu.memref_slice %arg13[%dma_start3A_351, %dma_start3A_352] : memref<10000x128xf32, #tpu.memory_space<vmem_shared>> -> memref<10000x128xf32, #tpu.memory_space<vmem_shared>>
      tpu.enqueue_indirect_dma source(%arg12 : memref<128x128xf32, #tpu.memory_space<vmem>>) target(%dma_start3A_353 : memref<10000x128xf32, #tpu.memory_space<vmem_shared>>) offsets(%dma_start3A_350 : memref<128xi32, #tpu.memory_space<vmem>>) semaphore(%arg17 : memref<!tpu.dma_semaphore, #tpu.memory_space<semaphore_mem>>) {add = true}
      %dma_start3A_354 = arith.constant 0 : i32
      %dma_start3A_355 = tpu.memref_slice %arg7[%dma_start3A_354] : memref<1280xi32, #tpu.memory_space<vmem>> -> memref<128xi32, #tpu.memory_space<vmem>>
      %dma_start3A_356 = arith.constant 0 : i32
      %dma_start3A_357 = arith.constant 0 : i32
      %dma_start3A_358 = tpu.memref_slice %arg2[%dma_start3A_356, %dma_start3A_357] : memref<10000x128xf32, #tpu.memory_space<hbm>> -> memref<10000x128xf32, #tpu.memory_space<hbm>>
      tpu.enqueue_indirect_dma source(%dma_start3A_358 : memref<10000x128xf32, #tpu.memory_space<hbm>>) target(%arg11 : memref<128x128xf32, #tpu.memory_space<vmem>>) offsets(%dma_start3A_355 : memref<128xi32, #tpu.memory_space<vmem>>) semaphore(%arg14 : memref<!tpu.dma_semaphore, #tpu.memory_space<semaphore_mem>>)
      %mul3A_359 = arith.constant 2 : i32
      %mul3A_360 = arith.muli %mul3A_359, %while3A_89 : i32
      %add3A_361 = arith.constant 1 : i32
      %add3A_362 = arith.addi %mul3A_360, %add3A_361 : i32
      %dma_wait3A_363 = arith.constant 9 : i32
      %dma_wait3A_364 = arith.constant 0 : i32
      %dma_wait3A_365 = tpu.memref_slice %arg9[%dma_wait3A_363, %dma_wait3A_364] : memref<10x128xi32, #tpu.memory_space<vmem>> -> memref<1x128xi32, #tpu.memory_space<vmem>>
      %dma_wait3A_366 = tpu.memref_squeeze %dma_wait3A_365 : memref<1x128xi32, #tpu.memory_space<vmem>> -> memref<128xi32, #tpu.memory_space<vmem>>
      %dma_wait3A_367 = arith.constant 0 : i32
      %dma_wait3A_368 = arith.constant 0 : i32
      %dma_wait3A_369 = tpu.memref_slice %arg13[%dma_wait3A_367, %dma_wait3A_368] : memref<10000x128xf32, #tpu.memory_space<vmem_shared>> -> memref<10000x128xf32, #tpu.memory_space<vmem_shared>>
      tpu.wait_indirect_dma semaphore(%arg17 : memref<!tpu.dma_semaphore, #tpu.memory_space<semaphore_mem>>) src(%arg12 : memref<128x128xf32, #tpu.memory_space<vmem>>) dst(%dma_wait3A_369 : memref<10000x128xf32, #tpu.memory_space<vmem_shared>>)
      %dma_wait3A_370 = arith.constant 0 : i32
      %dma_wait3A_371 = tpu.memref_slice %arg7[%dma_wait3A_370] : memref<1280xi32, #tpu.memory_space<vmem>> -> memref<128xi32, #tpu.memory_space<vmem>>
      %dma_wait3A_372 = arith.constant 0 : i32
      %dma_wait3A_373 = arith.constant 0 : i32
      %dma_wait3A_374 = tpu.memref_slice %arg2[%dma_wait3A_372, %dma_wait3A_373] : memref<10000x128xf32, #tpu.memory_space<hbm>> -> memref<10000x128xf32, #tpu.memory_space<hbm>>
      tpu.wait_indirect_dma semaphore(%arg14 : memref<!tpu.dma_semaphore, #tpu.memory_space<semaphore_mem>>) src(%dma_wait3A_374 : memref<10000x128xf32, #tpu.memory_space<hbm>>) dst(%arg11 : memref<128x128xf32, #tpu.memory_space<vmem>>)
      %dma_start3A_375 = arith.constant 0 : i32
      %dma_start3A_376 = arith.constant 0 : i32
      %dma_start3A_377 = tpu.memref_slice %arg10[%dma_start3A_375, %dma_start3A_376] : memref<10x128xi32, #tpu.memory_space<vmem>> -> memref<1x128xi32, #tpu.memory_space<vmem>>
      %dma_start3A_378 = tpu.memref_squeeze %dma_start3A_377 : memref<1x128xi32, #tpu.memory_space<vmem>> -> memref<128xi32, #tpu.memory_space<vmem>>
      %dma_start3A_379 = arith.constant 0 : i32
      %dma_start3A_380 = arith.constant 0 : i32
      %dma_start3A_381 = tpu.memref_slice %arg13[%dma_start3A_379, %dma_start3A_380] : memref<10000x128xf32, #tpu.memory_space<vmem_shared>> -> memref<10000x128xf32, #tpu.memory_space<vmem_shared>>
      tpu.enqueue_indirect_dma source(%arg11 : memref<128x128xf32, #tpu.memory_space<vmem>>) target(%dma_start3A_381 : memref<10000x128xf32, #tpu.memory_space<vmem_shared>>) offsets(%dma_start3A_378 : memref<128xi32, #tpu.memory_space<vmem>>) semaphore(%arg16 : memref<!tpu.dma_semaphore, #tpu.memory_space<semaphore_mem>>) {add = true}
      %dma_start3A_382 = arith.constant 128 : i32
      %dma_start3A_383 = tpu.memref_slice %arg7[%dma_start3A_382] : memref<1280xi32, #tpu.memory_space<vmem>> -> memref<128xi32, #tpu.memory_space<vmem>>
      %dma_start3A_384 = arith.constant 0 : i32
      %dma_start3A_385 = arith.constant 0 : i32
      %dma_start3A_386 = tpu.memref_slice %arg2[%dma_start3A_384, %dma_start3A_385] : memref<10000x128xf32, #tpu.memory_space<hbm>> -> memref<10000x128xf32, #tpu.memory_space<hbm>>
      tpu.enqueue_indirect_dma source(%dma_start3A_386 : memref<10000x128xf32, #tpu.memory_space<hbm>>) target(%arg12 : memref<128x128xf32, #tpu.memory_space<vmem>>) offsets(%dma_start3A_383 : memref<128xi32, #tpu.memory_space<vmem>>) semaphore(%arg15 : memref<!tpu.dma_semaphore, #tpu.memory_space<semaphore_mem>>)
      %dma_wait3A_387 = arith.constant 0 : i32
      %dma_wait3A_388 = arith.constant 0 : i32
      %dma_wait3A_389 = tpu.memref_slice %arg10[%dma_wait3A_387, %dma_wait3A_388] : memref<10x128xi32, #tpu.memory_space<vmem>> -> memref<1x128xi32, #tpu.memory_space<vmem>>
      %dma_wait3A_390 = tpu.memref_squeeze %dma_wait3A_389 : memref<1x128xi32, #tpu.memory_space<vmem>> -> memref<128xi32, #tpu.memory_space<vmem>>
      %dma_wait3A_391 = arith.constant 0 : i32
      %dma_wait3A_392 = arith.constant 0 : i32
      %dma_wait3A_393 = tpu.memref_slice %arg13[%dma_wait3A_391, %dma_wait3A_392] : memref<10000x128xf32, #tpu.memory_space<vmem_shared>> -> memref<10000x128xf32, #tpu.memory_space<vmem_shared>>
      tpu.wait_indirect_dma semaphore(%arg16 : memref<!tpu.dma_semaphore, #tpu.memory_space<semaphore_mem>>) src(%arg11 : memref<128x128xf32, #tpu.memory_space<vmem>>) dst(%dma_wait3A_393 : memref<10000x128xf32, #tpu.memory_space<vmem_shared>>)
      %sub3A_394 = arith.constant 1 : i32
      %sub3A_395 = arith.subi %select_n3A_57, %sub3A_394 : i32
      %lt3A_396 = arith.cmpi slt, %while3A_89, %sub3A_395 : i32
      %convert_element_type3A_397 = arith.extui %lt3A_396 : i1 to i32
      %cond3A_398 = arith.constant 0 : i32
      %cond3A_399 = arith.cmpi ne, %convert_element_type3A_397, %cond3A_398 : i32
      scf.if %cond3A_399 {
        %add3A_617 = arith.constant 1 : i32
        %add3A_618 = arith.addi %add3A_362, %add3A_617 : i32
        %mul3A_619 = arith.constant 10 : i32
        %mul3A_620 = arith.muli %add3A_618, %mul3A_619 : i32
        %mul3A_621 = arith.constant 128 : i32
        %mul3A_622 = arith.muli %mul3A_620, %mul3A_621 : i32
        %add3A_623 = arith.addi %mul3A_28, %mul3A_622 : i32
        %dma_start3A_624 = tpu.memref_slice %arg3[%add3A_623] : memref<320000xi32, #tpu.memory_space<hbm>> -> memref<1280xi32, #tpu.memory_space<hbm>>
        %dma_start3A_625 = tpu.memref_slice %arg3[%add3A_623] : memref<320000xi32, #tpu.memory_space<hbm>> -> memref<1280xi32, #tpu.memory_space<hbm>>
        tpu.enqueue_dma source(%dma_start3A_625 : memref<1280xi32, #tpu.memory_space<hbm>>) target(%arg6 : memref<1280xi32, #tpu.memory_space<vmem>>) target_semaphore(%arg18 : memref<!tpu.dma_semaphore, #tpu.memory_space<semaphore_mem>>)
        %dma_start3A_626 = tpu.memref_slice %arg4[%add3A_623] : memref<320000xi32, #tpu.memory_space<hbm>> -> memref<1280xi32, #tpu.memory_space<hbm>>
        %dma_start3A_627 = tpu.memref_slice %arg4[%add3A_623] : memref<320000xi32, #tpu.memory_space<hbm>> -> memref<1280xi32, #tpu.memory_space<hbm>>
        tpu.enqueue_dma source(%dma_start3A_627 : memref<1280xi32, #tpu.memory_space<hbm>>) target(%arg8 : memref<1280xi32, #tpu.memory_space<vmem>>) target_semaphore(%arg18 : memref<!tpu.dma_semaphore, #tpu.memory_space<semaphore_mem>>)
      } else {
      }
      %dma_wait3A_400 = arith.constant 128 : i32
      %dma_wait3A_401 = tpu.memref_slice %arg7[%dma_wait3A_400] : memref<1280xi32, #tpu.memory_space<vmem>> -> memref<128xi32, #tpu.memory_space<vmem>>
      %dma_wait3A_402 = arith.constant 0 : i32
      %dma_wait3A_403 = arith.constant 0 : i32
      %dma_wait3A_404 = tpu.memref_slice %arg2[%dma_wait3A_402, %dma_wait3A_403] : memref<10000x128xf32, #tpu.memory_space<hbm>> -> memref<10000x128xf32, #tpu.memory_space<hbm>>
      tpu.wait_indirect_dma semaphore(%arg15 : memref<!tpu.dma_semaphore, #tpu.memory_space<semaphore_mem>>) src(%dma_wait3A_404 : memref<10000x128xf32, #tpu.memory_space<hbm>>) dst(%arg12 : memref<128x128xf32, #tpu.memory_space<vmem>>)
      %dma_start3A_405 = arith.constant 1 : i32
      %dma_start3A_406 = arith.constant 0 : i32
      %dma_start3A_407 = tpu.memref_slice %arg10[%dma_start3A_405, %dma_start3A_406] : memref<10x128xi32, #tpu.memory_space<vmem>> -> memref<1x128xi32, #tpu.memory_space<vmem>>
      %dma_start3A_408 = tpu.memref_squeeze %dma_start3A_407 : memref<1x128xi32, #tpu.memory_space<vmem>> -> memref<128xi32, #tpu.memory_space<vmem>>
      %dma_start3A_409 = arith.constant 0 : i32
      %dma_start3A_410 = arith.constant 0 : i32
      %dma_start3A_411 = tpu.memref_slice %arg13[%dma_start3A_409, %dma_start3A_410] : memref<10000x128xf32, #tpu.memory_space<vmem_shared>> -> memref<10000x128xf32, #tpu.memory_space<vmem_shared>>
      tpu.enqueue_indirect_dma source(%arg12 : memref<128x128xf32, #tpu.memory_space<vmem>>) target(%dma_start3A_411 : memref<10000x128xf32, #tpu.memory_space<vmem_shared>>) offsets(%dma_start3A_408 : memref<128xi32, #tpu.memory_space<vmem>>) semaphore(%arg17 : memref<!tpu.dma_semaphore, #tpu.memory_space<semaphore_mem>>) {add = true}
      %dma_start3A_412 = arith.constant 256 : i32
      %dma_start3A_413 = tpu.memref_slice %arg7[%dma_start3A_412] : memref<1280xi32, #tpu.memory_space<vmem>> -> memref<128xi32, #tpu.memory_space<vmem>>
      %dma_start3A_414 = arith.constant 0 : i32
      %dma_start3A_415 = arith.constant 0 : i32
      %dma_start3A_416 = tpu.memref_slice %arg2[%dma_start3A_414, %dma_start3A_415] : memref<10000x128xf32, #tpu.memory_space<hbm>> -> memref<10000x128xf32, #tpu.memory_space<hbm>>
      tpu.enqueue_indirect_dma source(%dma_start3A_416 : memref<10000x128xf32, #tpu.memory_space<hbm>>) target(%arg11 : memref<128x128xf32, #tpu.memory_space<vmem>>) offsets(%dma_start3A_413 : memref<128xi32, #tpu.memory_space<vmem>>) semaphore(%arg14 : memref<!tpu.dma_semaphore, #tpu.memory_space<semaphore_mem>>)
      %dma_wait3A_417 = arith.constant 1 : i32
      %dma_wait3A_418 = arith.constant 0 : i32
      %dma_wait3A_419 = tpu.memref_slice %arg10[%dma_wait3A_417, %dma_wait3A_418] : memref<10x128xi32, #tpu.memory_space<vmem>> -> memref<1x128xi32, #tpu.memory_space<vmem>>
      %dma_wait3A_420 = tpu.memref_squeeze %dma_wait3A_419 : memref<1x128xi32, #tpu.memory_space<vmem>> -> memref<128xi32, #tpu.memory_space<vmem>>
      %dma_wait3A_421 = arith.constant 0 : i32
      %dma_wait3A_422 = arith.constant 0 : i32
      %dma_wait3A_423 = tpu.memref_slice %arg13[%dma_wait3A_421, %dma_wait3A_422] : memref<10000x128xf32, #tpu.memory_space<vmem_shared>> -> memref<10000x128xf32, #tpu.memory_space<vmem_shared>>
      tpu.wait_indirect_dma semaphore(%arg17 : memref<!tpu.dma_semaphore, #tpu.memory_space<semaphore_mem>>) src(%arg12 : memref<128x128xf32, #tpu.memory_space<vmem>>) dst(%dma_wait3A_423 : memref<10000x128xf32, #tpu.memory_space<vmem_shared>>)
      %dma_wait3A_424 = arith.constant 256 : i32
      %dma_wait3A_425 = tpu.memref_slice %arg7[%dma_wait3A_424] : memref<1280xi32, #tpu.memory_space<vmem>> -> memref<128xi32, #tpu.memory_space<vmem>>
      %dma_wait3A_426 = arith.constant 0 : i32
      %dma_wait3A_427 = arith.constant 0 : i32
      %dma_wait3A_428 = tpu.memref_slice %arg2[%dma_wait3A_426, %dma_wait3A_427] : memref<10000x128xf32, #tpu.memory_space<hbm>> -> memref<10000x128xf32, #tpu.memory_space<hbm>>
      tpu.wait_indirect_dma semaphore(%arg14 : memref<!tpu.dma_semaphore, #tpu.memory_space<semaphore_mem>>) src(%dma_wait3A_428 : memref<10000x128xf32, #tpu.memory_space<hbm>>) dst(%arg11 : memref<128x128xf32, #tpu.memory_space<vmem>>)
      %dma_start3A_429 = arith.constant 2 : i32
      %dma_start3A_430 = arith.constant 0 : i32
      %dma_start3A_431 = tpu.memref_slice %arg10[%dma_start3A_429, %dma_start3A_430] : memref<10x128xi32, #tpu.memory_space<vmem>> -> memref<1x128xi32, #tpu.memory_space<vmem>>
      %dma_start3A_432 = tpu.memref_squeeze %dma_start3A_431 : memref<1x128xi32, #tpu.memory_space<vmem>> -> memref<128xi32, #tpu.memory_space<vmem>>
      %dma_start3A_433 = arith.constant 0 : i32
      %dma_start3A_434 = arith.constant 0 : i32
      %dma_start3A_435 = tpu.memref_slice %arg13[%dma_start3A_433, %dma_start3A_434] : memref<10000x128xf32, #tpu.memory_space<vmem_shared>> -> memref<10000x128xf32, #tpu.memory_space<vmem_shared>>
      tpu.enqueue_indirect_dma source(%arg11 : memref<128x128xf32, #tpu.memory_space<vmem>>) target(%dma_start3A_435 : memref<10000x128xf32, #tpu.memory_space<vmem_shared>>) offsets(%dma_start3A_432 : memref<128xi32, #tpu.memory_space<vmem>>) semaphore(%arg16 : memref<!tpu.dma_semaphore, #tpu.memory_space<semaphore_mem>>) {add = true}
      %dma_start3A_436 = arith.constant 384 : i32
      %dma_start3A_437 = tpu.memref_slice %arg7[%dma_start3A_436] : memref<1280xi32, #tpu.memory_space<vmem>> -> memref<128xi32, #tpu.memory_space<vmem>>
      %dma_start3A_438 = arith.constant 0 : i32
      %dma_start3A_439 = arith.constant 0 : i32
      %dma_start3A_440 = tpu.memref_slice %arg2[%dma_start3A_438, %dma_start3A_439] : memref<10000x128xf32, #tpu.memory_space<hbm>> -> memref<10000x128xf32, #tpu.memory_space<hbm>>
      tpu.enqueue_indirect_dma source(%dma_start3A_440 : memref<10000x128xf32, #tpu.memory_space<hbm>>) target(%arg12 : memref<128x128xf32, #tpu.memory_space<vmem>>) offsets(%dma_start3A_437 : memref<128xi32, #tpu.memory_space<vmem>>) semaphore(%arg15 : memref<!tpu.dma_semaphore, #tpu.memory_space<semaphore_mem>>)
      %dma_wait3A_441 = arith.constant 2 : i32
      %dma_wait3A_442 = arith.constant 0 : i32
      %dma_wait3A_443 = tpu.memref_slice %arg10[%dma_wait3A_441, %dma_wait3A_442] : memref<10x128xi32, #tpu.memory_space<vmem>> -> memref<1x128xi32, #tpu.memory_space<vmem>>
      %dma_wait3A_444 = tpu.memref_squeeze %dma_wait3A_443 : memref<1x128xi32, #tpu.memory_space<vmem>> -> memref<128xi32, #tpu.memory_space<vmem>>
      %dma_wait3A_445 = arith.constant 0 : i32
      %dma_wait3A_446 = arith.constant 0 : i32
      %dma_wait3A_447 = tpu.memref_slice %arg13[%dma_wait3A_445, %dma_wait3A_446] : memref<10000x128xf32, #tpu.memory_space<vmem_shared>> -> memref<10000x128xf32, #tpu.memory_space<vmem_shared>>
      tpu.wait_indirect_dma semaphore(%arg16 : memref<!tpu.dma_semaphore, #tpu.memory_space<semaphore_mem>>) src(%arg11 : memref<128x128xf32, #tpu.memory_space<vmem>>) dst(%dma_wait3A_447 : memref<10000x128xf32, #tpu.memory_space<vmem_shared>>)
      %dma_wait3A_448 = arith.constant 384 : i32
      %dma_wait3A_449 = tpu.memref_slice %arg7[%dma_wait3A_448] : memref<1280xi32, #tpu.memory_space<vmem>> -> memref<128xi32, #tpu.memory_space<vmem>>
      %dma_wait3A_450 = arith.constant 0 : i32
      %dma_wait3A_451 = arith.constant 0 : i32
      %dma_wait3A_452 = tpu.memref_slice %arg2[%dma_wait3A_450, %dma_wait3A_451] : memref<10000x128xf32, #tpu.memory_space<hbm>> -> memref<10000x128xf32, #tpu.memory_space<hbm>>
      tpu.wait_indirect_dma semaphore(%arg15 : memref<!tpu.dma_semaphore, #tpu.memory_space<semaphore_mem>>) src(%dma_wait3A_452 : memref<10000x128xf32, #tpu.memory_space<hbm>>) dst(%arg12 : memref<128x128xf32, #tpu.memory_space<vmem>>)
      %dma_start3A_453 = arith.constant 3 : i32
      %dma_start3A_454 = arith.constant 0 : i32
      %dma_start3A_455 = tpu.memref_slice %arg10[%dma_start3A_453, %dma_start3A_454] : memref<10x128xi32, #tpu.memory_space<vmem>> -> memref<1x128xi32, #tpu.memory_space<vmem>>
      %dma_start3A_456 = tpu.memref_squeeze %dma_start3A_455 : memref<1x128xi32, #tpu.memory_space<vmem>> -> memref<128xi32, #tpu.memory_space<vmem>>
      %dma_start3A_457 = arith.constant 0 : i32
      %dma_start3A_458 = arith.constant 0 : i32
      %dma_start3A_459 = tpu.memref_slice %arg13[%dma_start3A_457, %dma_start3A_458] : memref<10000x128xf32, #tpu.memory_space<vmem_shared>> -> memref<10000x128xf32, #tpu.memory_space<vmem_shared>>
      tpu.enqueue_indirect_dma source(%arg12 : memref<128x128xf32, #tpu.memory_space<vmem>>) target(%dma_start3A_459 : memref<10000x128xf32, #tpu.memory_space<vmem_shared>>) offsets(%dma_start3A_456 : memref<128xi32, #tpu.memory_space<vmem>>) semaphore(%arg17 : memref<!tpu.dma_semaphore, #tpu.memory_space<semaphore_mem>>) {add = true}
      %dma_start3A_460 = arith.constant 512 : i32
      %dma_start3A_461 = tpu.memref_slice %arg7[%dma_start3A_460] : memref<1280xi32, #tpu.memory_space<vmem>> -> memref<128xi32, #tpu.memory_space<vmem>>
      %dma_start3A_462 = arith.constant 0 : i32
      %dma_start3A_463 = arith.constant 0 : i32
      %dma_start3A_464 = tpu.memref_slice %arg2[%dma_start3A_462, %dma_start3A_463] : memref<10000x128xf32, #tpu.memory_space<hbm>> -> memref<10000x128xf32, #tpu.memory_space<hbm>>
      tpu.enqueue_indirect_dma source(%dma_start3A_464 : memref<10000x128xf32, #tpu.memory_space<hbm>>) target(%arg11 : memref<128x128xf32, #tpu.memory_space<vmem>>) offsets(%dma_start3A_461 : memref<128xi32, #tpu.memory_space<vmem>>) semaphore(%arg14 : memref<!tpu.dma_semaphore, #tpu.memory_space<semaphore_mem>>)
      %dma_wait3A_465 = arith.constant 3 : i32
      %dma_wait3A_466 = arith.constant 0 : i32
      %dma_wait3A_467 = tpu.memref_slice %arg10[%dma_wait3A_465, %dma_wait3A_466] : memref<10x128xi32, #tpu.memory_space<vmem>> -> memref<1x128xi32, #tpu.memory_space<vmem>>
      %dma_wait3A_468 = tpu.memref_squeeze %dma_wait3A_467 : memref<1x128xi32, #tpu.memory_space<vmem>> -> memref<128xi32, #tpu.memory_space<vmem>>
      %dma_wait3A_469 = arith.constant 0 : i32
      %dma_wait3A_470 = arith.constant 0 : i32
      %dma_wait3A_471 = tpu.memref_slice %arg13[%dma_wait3A_469, %dma_wait3A_470] : memref<10000x128xf32, #tpu.memory_space<vmem_shared>> -> memref<10000x128xf32, #tpu.memory_space<vmem_shared>>
      tpu.wait_indirect_dma semaphore(%arg17 : memref<!tpu.dma_semaphore, #tpu.memory_space<semaphore_mem>>) src(%arg12 : memref<128x128xf32, #tpu.memory_space<vmem>>) dst(%dma_wait3A_471 : memref<10000x128xf32, #tpu.memory_space<vmem_shared>>)
      %dma_wait3A_472 = arith.constant 512 : i32
      %dma_wait3A_473 = tpu.memref_slice %arg7[%dma_wait3A_472] : memref<1280xi32, #tpu.memory_space<vmem>> -> memref<128xi32, #tpu.memory_space<vmem>>
      %dma_wait3A_474 = arith.constant 0 : i32
      %dma_wait3A_475 = arith.constant 0 : i32
      %dma_wait3A_476 = tpu.memref_slice %arg2[%dma_wait3A_474, %dma_wait3A_475] : memref<10000x128xf32, #tpu.memory_space<hbm>> -> memref<10000x128xf32, #tpu.memory_space<hbm>>
      tpu.wait_indirect_dma semaphore(%arg14 : memref<!tpu.dma_semaphore, #tpu.memory_space<semaphore_mem>>) src(%dma_wait3A_476 : memref<10000x128xf32, #tpu.memory_space<hbm>>) dst(%arg11 : memref<128x128xf32, #tpu.memory_space<vmem>>)
      %dma_start3A_477 = arith.constant 4 : i32
      %dma_start3A_478 = arith.constant 0 : i32
      %dma_start3A_479 = tpu.memref_slice %arg10[%dma_start3A_477, %dma_start3A_478] : memref<10x128xi32, #tpu.memory_space<vmem>> -> memref<1x128xi32, #tpu.memory_space<vmem>>
      %dma_start3A_480 = tpu.memref_squeeze %dma_start3A_479 : memref<1x128xi32, #tpu.memory_space<vmem>> -> memref<128xi32, #tpu.memory_space<vmem>>
      %dma_start3A_481 = arith.constant 0 : i32
      %dma_start3A_482 = arith.constant 0 : i32
      %dma_start3A_483 = tpu.memref_slice %arg13[%dma_start3A_481, %dma_start3A_482] : memref<10000x128xf32, #tpu.memory_space<vmem_shared>> -> memref<10000x128xf32, #tpu.memory_space<vmem_shared>>
      tpu.enqueue_indirect_dma source(%arg11 : memref<128x128xf32, #tpu.memory_space<vmem>>) target(%dma_start3A_483 : memref<10000x128xf32, #tpu.memory_space<vmem_shared>>) offsets(%dma_start3A_480 : memref<128xi32, #tpu.memory_space<vmem>>) semaphore(%arg16 : memref<!tpu.dma_semaphore, #tpu.memory_space<semaphore_mem>>) {add = true}
      %dma_start3A_484 = arith.constant 640 : i32
      %dma_start3A_485 = tpu.memref_slice %arg7[%dma_start3A_484] : memref<1280xi32, #tpu.memory_space<vmem>> -> memref<128xi32, #tpu.memory_space<vmem>>
      %dma_start3A_486 = arith.constant 0 : i32
      %dma_start3A_487 = arith.constant 0 : i32
      %dma_start3A_488 = tpu.memref_slice %arg2[%dma_start3A_486, %dma_start3A_487] : memref<10000x128xf32, #tpu.memory_space<hbm>> -> memref<10000x128xf32, #tpu.memory_space<hbm>>
      tpu.enqueue_indirect_dma source(%dma_start3A_488 : memref<10000x128xf32, #tpu.memory_space<hbm>>) target(%arg12 : memref<128x128xf32, #tpu.memory_space<vmem>>) offsets(%dma_start3A_485 : memref<128xi32, #tpu.memory_space<vmem>>) semaphore(%arg15 : memref<!tpu.dma_semaphore, #tpu.memory_space<semaphore_mem>>)
      %dma_wait3A_489 = arith.constant 4 : i32
      %dma_wait3A_490 = arith.constant 0 : i32
      %dma_wait3A_491 = tpu.memref_slice %arg10[%dma_wait3A_489, %dma_wait3A_490] : memref<10x128xi32, #tpu.memory_space<vmem>> -> memref<1x128xi32, #tpu.memory_space<vmem>>
      %dma_wait3A_492 = tpu.memref_squeeze %dma_wait3A_491 : memref<1x128xi32, #tpu.memory_space<vmem>> -> memref<128xi32, #tpu.memory_space<vmem>>
      %dma_wait3A_493 = arith.constant 0 : i32
      %dma_wait3A_494 = arith.constant 0 : i32
      %dma_wait3A_495 = tpu.memref_slice %arg13[%dma_wait3A_493, %dma_wait3A_494] : memref<10000x128xf32, #tpu.memory_space<vmem_shared>> -> memref<10000x128xf32, #tpu.memory_space<vmem_shared>>
      tpu.wait_indirect_dma semaphore(%arg16 : memref<!tpu.dma_semaphore, #tpu.memory_space<semaphore_mem>>) src(%arg11 : memref<128x128xf32, #tpu.memory_space<vmem>>) dst(%dma_wait3A_495 : memref<10000x128xf32, #tpu.memory_space<vmem_shared>>)
      %sub3A_496 = arith.constant 1 : i32
      %sub3A_497 = arith.subi %select_n3A_57, %sub3A_496 : i32
      %lt3A_498 = arith.cmpi slt, %while3A_89, %sub3A_497 : i32
      %convert_element_type3A_499 = arith.extui %lt3A_498 : i1 to i32
      %cond3A_500 = arith.constant 0 : i32
      %cond3A_501 = arith.cmpi ne, %convert_element_type3A_499, %cond3A_500 : i32
      scf.if %cond3A_501 {
        %add3A_617 = arith.constant 1 : i32
        %add3A_618 = arith.addi %add3A_362, %add3A_617 : i32
        %mul3A_619 = arith.constant 10 : i32
        %mul3A_620 = arith.muli %add3A_618, %mul3A_619 : i32
        %mul3A_621 = arith.constant 128 : i32
        %mul3A_622 = arith.muli %mul3A_620, %mul3A_621 : i32
        %add3A_623 = arith.addi %mul3A_28, %mul3A_622 : i32
        %dma_wait3A_624 = tpu.memref_slice %arg3[%add3A_623] : memref<320000xi32, #tpu.memory_space<hbm>> -> memref<1280xi32, #tpu.memory_space<hbm>>
        %dma_wait3A_625 = tpu.memref_slice %arg3[%add3A_623] : memref<320000xi32, #tpu.memory_space<hbm>> -> memref<1280xi32, #tpu.memory_space<hbm>>
        tpu.wait_dma2 semaphore(%arg18 : memref<!tpu.dma_semaphore, #tpu.memory_space<semaphore_mem>>) src(%dma_wait3A_625 : memref<1280xi32, #tpu.memory_space<hbm>>) dst(%arg6 : memref<1280xi32, #tpu.memory_space<vmem>>)
        %dma_wait3A_626 = tpu.memref_slice %arg4[%add3A_623] : memref<320000xi32, #tpu.memory_space<hbm>> -> memref<1280xi32, #tpu.memory_space<hbm>>
        %dma_wait3A_627 = tpu.memref_slice %arg4[%add3A_623] : memref<320000xi32, #tpu.memory_space<hbm>> -> memref<1280xi32, #tpu.memory_space<hbm>>
        tpu.wait_dma2 semaphore(%arg18 : memref<!tpu.dma_semaphore, #tpu.memory_space<semaphore_mem>>) src(%dma_wait3A_627 : memref<1280xi32, #tpu.memory_space<hbm>>) dst(%arg8 : memref<1280xi32, #tpu.memory_space<vmem>>)
        %scan3A_628 = arith.constant 0 : i32
        %scan3A_629 = arith.constant 0 : i32
        %scan3A_630 = arith.constant 80 : i32
        %scan3A_631 = arith.addi %scan3A_629, %scan3A_630 : i32
        %scan3A_632 = arith.constant 1 : i32
        %scan3A_633 = scf.for %scan3A_635 = %scan3A_629 to %scan3A_631 step %scan3A_632 iter_args(%scan3A_636 = %scan3A_628) -> (i32)  : i32 {
          %jit3A_637 = arith.constant 8 : i32
          %div3A_638 = arith.divsi %scan3A_635, %jit3A_637 : i32
          %sign3A_639 = arith.constant 0 : i32
          %sign3A_640 = arith.cmpi sgt, %scan3A_635, %sign3A_639 : i32
          %sign3A_641 = arith.extui %sign3A_640 : i1 to i32
          %sign3A_642 = arith.constant 0 : i32
          %sign3A_643 = arith.cmpi slt, %scan3A_635, %sign3A_642 : i32
          %sign3A_644 = arith.extui %sign3A_643 : i1 to i32
          %sign3A_645 = arith.subi %sign3A_641, %sign3A_644 : i32
          %sign3A_646 = arith.constant 0 : i32
          %sign3A_647 = arith.cmpi sgt, %jit3A_637, %sign3A_646 : i32
          %sign3A_648 = arith.extui %sign3A_647 : i1 to i32
          %sign3A_649 = arith.constant 0 : i32
          %sign3A_650 = arith.cmpi slt, %jit3A_637, %sign3A_649 : i32
          %sign3A_651 = arith.extui %sign3A_650 : i1 to i32
          %sign3A_652 = arith.subi %sign3A_648, %sign3A_651 : i32
          %ne3A_653 = arith.cmpi ne, %sign3A_645, %sign3A_652 : i32
          %rem3A_654 = arith.remsi %scan3A_635, %jit3A_637 : i32
          %ne3A_655 = arith.constant 0 : i32
          %ne3A_656 = arith.cmpi ne, %rem3A_654, %ne3A_655 : i32
          %and3A_657 = arith.andi %ne3A_653, %ne3A_656 : i1
          %sub3A_658 = arith.constant 1 : i32
          %sub3A_659 = arith.subi %div3A_638, %sub3A_658 : i32
          %select_n3A_660 = arith.select %and3A_657, %sub3A_659, %div3A_638 : i32
          %jit3A_661 = arith.constant 8 : i32
          %eq3A = arith.constant 0 : i32
          %eq3A_662 = arith.cmpi eq, %jit3A_661, %eq3A : i32
          %jit3A_663 = arith.constant 1 : i32
          %select_n3A_664 = arith.select %eq3A_662, %jit3A_663, %jit3A_661 : i32
          %rem3A_665 = arith.remsi %scan3A_635, %select_n3A_664 : i32
          %ne3A_666 = arith.constant 0 : i32
          %ne3A_667 = arith.cmpi ne, %rem3A_665, %ne3A_666 : i32
          %lt3A_668 = arith.constant 0 : i32
          %lt3A_669 = arith.cmpi slt, %rem3A_665, %lt3A_668 : i32
          %lt3A_670 = arith.constant 0 : i32
          %lt3A_671 = arith.cmpi slt, %select_n3A_664, %lt3A_670 : i32
          %ne3A_672 = arith.xori %lt3A_669, %lt3A_671 : i1
          %and3A_673 = arith.andi %ne3A_672, %ne3A_667 : i1
          %add3A_674 = arith.addi %rem3A_665, %select_n3A_664 : i32
          %select_n3A_675 = arith.select %and3A_673, %add3A_674, %rem3A_665 : i32
          %mul3A_676 = arith.constant 128 : i32
          %mul3A_677 = arith.muli %select_n3A_660, %mul3A_676 : i32
          %mul3A_678 = arith.constant 16 : i32
          %mul3A_679 = arith.muli %select_n3A_675, %mul3A_678 : i32
          %add3A_680 = arith.addi %mul3A_677, %mul3A_679 : i32
          %get3A = arith.index_cast %add3A_680 : i32 to index
          %get3A_681 = tpu.vector_load %arg8[%get3A] {strides = array<i32>} : memref<1280xi32, #tpu.memory_space<vmem>>, vector<16xi32>,
          %get3A_682 = vector.shape_cast %get3A_681 : vector<16xi32> to vector<16xi32>
          %mul3A_683 = arith.constant 16 : i32
          %mul3A_684 = arith.muli %select_n3A_675, %mul3A_683 : i32
          %swap3A = arith.index_cast %select_n3A_660 : i32 to index
          %swap3A_685 = arith.index_cast %mul3A_684 : i32 to index
          %swap3A_686 = tpu.vector_load %arg9[%swap3A, %swap3A_685] {strides = array<i32>} : memref<10x128xi32, #tpu.memory_space<vmem>>, vector<1x16xi32>,
          %swap3A_687 = vector.shape_cast %swap3A_686 : vector<1x16xi32> to vector<16xi32>
          %swap3A_688 = vector.shape_cast %get3A_682 : vector<16xi32> to vector<1x16xi32>
          tpu.vector_store %arg9[%swap3A, %swap3A_685], %swap3A_688 {strides = array<i32>} : memref<10x128xi32, #tpu.memory_space<vmem>>, vector<1x16xi32>,
          %scan3A_689 = arith.constant 0 : i32
          scf.yield %scan3A_689 : i32
        }
        %scan3A_634 = arith.constant 80 : i32
      } else {
      }
      %dma_wait3A_502 = arith.constant 640 : i32
      %dma_wait3A_503 = tpu.memref_slice %arg7[%dma_wait3A_502] : memref<1280xi32, #tpu.memory_space<vmem>> -> memref<128xi32, #tpu.memory_space<vmem>>
      %dma_wait3A_504 = arith.constant 0 : i32
      %dma_wait3A_505 = arith.constant 0 : i32
      %dma_wait3A_506 = tpu.memref_slice %arg2[%dma_wait3A_504, %dma_wait3A_505] : memref<10000x128xf32, #tpu.memory_space<hbm>> -> memref<10000x128xf32, #tpu.memory_space<hbm>>
      tpu.wait_indirect_dma semaphore(%arg15 : memref<!tpu.dma_semaphore, #tpu.memory_space<semaphore_mem>>) src(%dma_wait3A_506 : memref<10000x128xf32, #tpu.memory_space<hbm>>) dst(%arg12 : memref<128x128xf32, #tpu.memory_space<vmem>>)
      %dma_start3A_507 = arith.constant 5 : i32
      %dma_start3A_508 = arith.constant 0 : i32
      %dma_start3A_509 = tpu.memref_slice %arg10[%dma_start3A_507, %dma_start3A_508] : memref<10x128xi32, #tpu.memory_space<vmem>> -> memref<1x128xi32, #tpu.memory_space<vmem>>
      %dma_start3A_510 = tpu.memref_squeeze %dma_start3A_509 : memref<1x128xi32, #tpu.memory_space<vmem>> -> memref<128xi32, #tpu.memory_space<vmem>>
      %dma_start3A_511 = arith.constant 0 : i32
      %dma_start3A_512 = arith.constant 0 : i32
      %dma_start3A_513 = tpu.memref_slice %arg13[%dma_start3A_511, %dma_start3A_512] : memref<10000x128xf32, #tpu.memory_space<vmem_shared>> -> memref<10000x128xf32, #tpu.memory_space<vmem_shared>>
      tpu.enqueue_indirect_dma source(%arg12 : memref<128x128xf32, #tpu.memory_space<vmem>>) target(%dma_start3A_513 : memref<10000x128xf32, #tpu.memory_space<vmem_shared>>) offsets(%dma_start3A_510 : memref<128xi32, #tpu.memory_space<vmem>>) semaphore(%arg17 : memref<!tpu.dma_semaphore, #tpu.memory_space<semaphore_mem>>) {add = true}
      %dma_start3A_514 = arith.constant 768 : i32
      %dma_start3A_515 = tpu.memref_slice %arg7[%dma_start3A_514] : memref<1280xi32, #tpu.memory_space<vmem>> -> memref<128xi32, #tpu.memory_space<vmem>>
      %dma_start3A_516 = arith.constant 0 : i32
      %dma_start3A_517 = arith.constant 0 : i32
      %dma_start3A_518 = tpu.memref_slice %arg2[%dma_start3A_516, %dma_start3A_517] : memref<10000x128xf32, #tpu.memory_space<hbm>> -> memref<10000x128xf32, #tpu.memory_space<hbm>>
      tpu.enqueue_indirect_dma source(%dma_start3A_518 : memref<10000x128xf32, #tpu.memory_space<hbm>>) target(%arg11 : memref<128x128xf32, #tpu.memory_space<vmem>>) offsets(%dma_start3A_515 : memref<128xi32, #tpu.memory_space<vmem>>) semaphore(%arg14 : memref<!tpu.dma_semaphore, #tpu.memory_space<semaphore_mem>>)
      %dma_wait3A_519 = arith.constant 5 : i32
      %dma_wait3A_520 = arith.constant 0 : i32
      %dma_wait3A_521 = tpu.memref_slice %arg10[%dma_wait3A_519, %dma_wait3A_520] : memref<10x128xi32, #tpu.memory_space<vmem>> -> memref<1x128xi32, #tpu.memory_space<vmem>>
      %dma_wait3A_522 = tpu.memref_squeeze %dma_wait3A_521 : memref<1x128xi32, #tpu.memory_space<vmem>> -> memref<128xi32, #tpu.memory_space<vmem>>
      %dma_wait3A_523 = arith.constant 0 : i32
      %dma_wait3A_524 = arith.constant 0 : i32
      %dma_wait3A_525 = tpu.memref_slice %arg13[%dma_wait3A_523, %dma_wait3A_524] : memref<10000x128xf32, #tpu.memory_space<vmem_shared>> -> memref<10000x128xf32, #tpu.memory_space<vmem_shared>>
      tpu.wait_indirect_dma semaphore(%arg17 : memref<!tpu.dma_semaphore, #tpu.memory_space<semaphore_mem>>) src(%arg12 : memref<128x128xf32, #tpu.memory_space<vmem>>) dst(%dma_wait3A_525 : memref<10000x128xf32, #tpu.memory_space<vmem_shared>>)
      %dma_wait3A_526 = arith.constant 768 : i32
      %dma_wait3A_527 = tpu.memref_slice %arg7[%dma_wait3A_526] : memref<1280xi32, #tpu.memory_space<vmem>> -> memref<128xi32, #tpu.memory_space<vmem>>
      %dma_wait3A_528 = arith.constant 0 : i32
      %dma_wait3A_529 = arith.constant 0 : i32
      %dma_wait3A_530 = tpu.memref_slice %arg2[%dma_wait3A_528, %dma_wait3A_529] : memref<10000x128xf32, #tpu.memory_space<hbm>> -> memref<10000x128xf32, #tpu.memory_space<hbm>>
      tpu.wait_indirect_dma semaphore(%arg14 : memref<!tpu.dma_semaphore, #tpu.memory_space<semaphore_mem>>) src(%dma_wait3A_530 : memref<10000x128xf32, #tpu.memory_space<hbm>>) dst(%arg11 : memref<128x128xf32, #tpu.memory_space<vmem>>)
      %dma_start3A_531 = arith.constant 6 : i32
      %dma_start3A_532 = arith.constant 0 : i32
      %dma_start3A_533 = tpu.memref_slice %arg10[%dma_start3A_531, %dma_start3A_532] : memref<10x128xi32, #tpu.memory_space<vmem>> -> memref<1x128xi32, #tpu.memory_space<vmem>>
      %dma_start3A_534 = tpu.memref_squeeze %dma_start3A_533 : memref<1x128xi32, #tpu.memory_space<vmem>> -> memref<128xi32, #tpu.memory_space<vmem>>
      %dma_start3A_535 = arith.constant 0 : i32
      %dma_start3A_536 = arith.constant 0 : i32
      %dma_start3A_537 = tpu.memref_slice %arg13[%dma_start3A_535, %dma_start3A_536] : memref<10000x128xf32, #tpu.memory_space<vmem_shared>> -> memref<10000x128xf32, #tpu.memory_space<vmem_shared>>
      tpu.enqueue_indirect_dma source(%arg11 : memref<128x128xf32, #tpu.memory_space<vmem>>) target(%dma_start3A_537 : memref<10000x128xf32, #tpu.memory_space<vmem_shared>>) offsets(%dma_start3A_534 : memref<128xi32, #tpu.memory_space<vmem>>) semaphore(%arg16 : memref<!tpu.dma_semaphore, #tpu.memory_space<semaphore_mem>>) {add = true}
      %dma_start3A_538 = arith.constant 896 : i32
      %dma_start3A_539 = tpu.memref_slice %arg7[%dma_start3A_538] : memref<1280xi32, #tpu.memory_space<vmem>> -> memref<128xi32, #tpu.memory_space<vmem>>
      %dma_start3A_540 = arith.constant 0 : i32
      %dma_start3A_541 = arith.constant 0 : i32
      %dma_start3A_542 = tpu.memref_slice %arg2[%dma_start3A_540, %dma_start3A_541] : memref<10000x128xf32, #tpu.memory_space<hbm>> -> memref<10000x128xf32, #tpu.memory_space<hbm>>
      tpu.enqueue_indirect_dma source(%dma_start3A_542 : memref<10000x128xf32, #tpu.memory_space<hbm>>) target(%arg12 : memref<128x128xf32, #tpu.memory_space<vmem>>) offsets(%dma_start3A_539 : memref<128xi32, #tpu.memory_space<vmem>>) semaphore(%arg15 : memref<!tpu.dma_semaphore, #tpu.memory_space<semaphore_mem>>)
      %dma_wait3A_543 = arith.constant 6 : i32
      %dma_wait3A_544 = arith.constant 0 : i32
      %dma_wait3A_545 = tpu.memref_slice %arg10[%dma_wait3A_543, %dma_wait3A_544] : memref<10x128xi32, #tpu.memory_space<vmem>> -> memref<1x128xi32, #tpu.memory_space<vmem>>
      %dma_wait3A_546 = tpu.memref_squeeze %dma_wait3A_545 : memref<1x128xi32, #tpu.memory_space<vmem>> -> memref<128xi32, #tpu.memory_space<vmem>>
      %dma_wait3A_547 = arith.constant 0 : i32
      %dma_wait3A_548 = arith.constant 0 : i32
      %dma_wait3A_549 = tpu.memref_slice %arg13[%dma_wait3A_547, %dma_wait3A_548] : memref<10000x128xf32, #tpu.memory_space<vmem_shared>> -> memref<10000x128xf32, #tpu.memory_space<vmem_shared>>
      tpu.wait_indirect_dma semaphore(%arg16 : memref<!tpu.dma_semaphore, #tpu.memory_space<semaphore_mem>>) src(%arg11 : memref<128x128xf32, #tpu.memory_space<vmem>>) dst(%dma_wait3A_549 : memref<10000x128xf32, #tpu.memory_space<vmem_shared>>)
      %dma_wait3A_550 = arith.constant 896 : i32
      %dma_wait3A_551 = tpu.memref_slice %arg7[%dma_wait3A_550] : memref<1280xi32, #tpu.memory_space<vmem>> -> memref<128xi32, #tpu.memory_space<vmem>>
      %dma_wait3A_552 = arith.constant 0 : i32
      %dma_wait3A_553 = arith.constant 0 : i32
      %dma_wait3A_554 = tpu.memref_slice %arg2[%dma_wait3A_552, %dma_wait3A_553] : memref<10000x128xf32, #tpu.memory_space<hbm>> -> memref<10000x128xf32, #tpu.memory_space<hbm>>
      tpu.wait_indirect_dma semaphore(%arg15 : memref<!tpu.dma_semaphore, #tpu.memory_space<semaphore_mem>>) src(%dma_wait3A_554 : memref<10000x128xf32, #tpu.memory_space<hbm>>) dst(%arg12 : memref<128x128xf32, #tpu.memory_space<vmem>>)
      %dma_start3A_555 = arith.constant 7 : i32
      %dma_start3A_556 = arith.constant 0 : i32
      %dma_start3A_557 = tpu.memref_slice %arg10[%dma_start3A_555, %dma_start3A_556] : memref<10x128xi32, #tpu.memory_space<vmem>> -> memref<1x128xi32, #tpu.memory_space<vmem>>
      %dma_start3A_558 = tpu.memref_squeeze %dma_start3A_557 : memref<1x128xi32, #tpu.memory_space<vmem>> -> memref<128xi32, #tpu.memory_space<vmem>>
      %dma_start3A_559 = arith.constant 0 : i32
      %dma_start3A_560 = arith.constant 0 : i32
      %dma_start3A_561 = tpu.memref_slice %arg13[%dma_start3A_559, %dma_start3A_560] : memref<10000x128xf32, #tpu.memory_space<vmem_shared>> -> memref<10000x128xf32, #tpu.memory_space<vmem_shared>>
      tpu.enqueue_indirect_dma source(%arg12 : memref<128x128xf32, #tpu.memory_space<vmem>>) target(%dma_start3A_561 : memref<10000x128xf32, #tpu.memory_space<vmem_shared>>) offsets(%dma_start3A_558 : memref<128xi32, #tpu.memory_space<vmem>>) semaphore(%arg17 : memref<!tpu.dma_semaphore, #tpu.memory_space<semaphore_mem>>) {add = true}
      %dma_start3A_562 = arith.constant 1024 : i32
      %dma_start3A_563 = tpu.memref_slice %arg7[%dma_start3A_562] : memref<1280xi32, #tpu.memory_space<vmem>> -> memref<128xi32, #tpu.memory_space<vmem>>
      %dma_start3A_564 = arith.constant 0 : i32
      %dma_start3A_565 = arith.constant 0 : i32
      %dma_start3A_566 = tpu.memref_slice %arg2[%dma_start3A_564, %dma_start3A_565] : memref<10000x128xf32, #tpu.memory_space<hbm>> -> memref<10000x128xf32, #tpu.memory_space<hbm>>
      tpu.enqueue_indirect_dma source(%dma_start3A_566 : memref<10000x128xf32, #tpu.memory_space<hbm>>) target(%arg11 : memref<128x128xf32, #tpu.memory_space<vmem>>) offsets(%dma_start3A_563 : memref<128xi32, #tpu.memory_space<vmem>>) semaphore(%arg14 : memref<!tpu.dma_semaphore, #tpu.memory_space<semaphore_mem>>)
      %dma_wait3A_567 = arith.constant 7 : i32
      %dma_wait3A_568 = arith.constant 0 : i32
      %dma_wait3A_569 = tpu.memref_slice %arg10[%dma_wait3A_567, %dma_wait3A_568] : memref<10x128xi32, #tpu.memory_space<vmem>> -> memref<1x128xi32, #tpu.memory_space<vmem>>
      %dma_wait3A_570 = tpu.memref_squeeze %dma_wait3A_569 : memref<1x128xi32, #tpu.memory_space<vmem>> -> memref<128xi32, #tpu.memory_space<vmem>>
      %dma_wait3A_571 = arith.constant 0 : i32
      %dma_wait3A_572 = arith.constant 0 : i32
      %dma_wait3A_573 = tpu.memref_slice %arg13[%dma_wait3A_571, %dma_wait3A_572] : memref<10000x128xf32, #tpu.memory_space<vmem_shared>> -> memref<10000x128xf32, #tpu.memory_space<vmem_shared>>
      tpu.wait_indirect_dma semaphore(%arg17 : memref<!tpu.dma_semaphore, #tpu.memory_space<semaphore_mem>>) src(%arg12 : memref<128x128xf32, #tpu.memory_space<vmem>>) dst(%dma_wait3A_573 : memref<10000x128xf32, #tpu.memory_space<vmem_shared>>)
      %dma_wait3A_574 = arith.constant 1024 : i32
      %dma_wait3A_575 = tpu.memref_slice %arg7[%dma_wait3A_574] : memref<1280xi32, #tpu.memory_space<vmem>> -> memref<128xi32, #tpu.memory_space<vmem>>
      %dma_wait3A_576 = arith.constant 0 : i32
      %dma_wait3A_577 = arith.constant 0 : i32
      %dma_wait3A_578 = tpu.memref_slice %arg2[%dma_wait3A_576, %dma_wait3A_577] : memref<10000x128xf32, #tpu.memory_space<hbm>> -> memref<10000x128xf32, #tpu.memory_space<hbm>>
      tpu.wait_indirect_dma semaphore(%arg14 : memref<!tpu.dma_semaphore, #tpu.memory_space<semaphore_mem>>) src(%dma_wait3A_578 : memref<10000x128xf32, #tpu.memory_space<hbm>>) dst(%arg11 : memref<128x128xf32, #tpu.memory_space<vmem>>)
      %dma_start3A_579 = arith.constant 8 : i32
      %dma_start3A_580 = arith.constant 0 : i32
      %dma_start3A_581 = tpu.memref_slice %arg10[%dma_start3A_579, %dma_start3A_580] : memref<10x128xi32, #tpu.memory_space<vmem>> -> memref<1x128xi32, #tpu.memory_space<vmem>>
      %dma_start3A_582 = tpu.memref_squeeze %dma_start3A_581 : memref<1x128xi32, #tpu.memory_space<vmem>> -> memref<128xi32, #tpu.memory_space<vmem>>
      %dma_start3A_583 = arith.constant 0 : i32
      %dma_start3A_584 = arith.constant 0 : i32
      %dma_start3A_585 = tpu.memref_slice %arg13[%dma_start3A_583, %dma_start3A_584] : memref<10000x128xf32, #tpu.memory_space<vmem_shared>> -> memref<10000x128xf32, #tpu.memory_space<vmem_shared>>
      tpu.enqueue_indirect_dma source(%arg11 : memref<128x128xf32, #tpu.memory_space<vmem>>) target(%dma_start3A_585 : memref<10000x128xf32, #tpu.memory_space<vmem_shared>>) offsets(%dma_start3A_582 : memref<128xi32, #tpu.memory_space<vmem>>) semaphore(%arg16 : memref<!tpu.dma_semaphore, #tpu.memory_space<semaphore_mem>>) {add = true}
      %dma_start3A_586 = arith.constant 1152 : i32
      %dma_start3A_587 = tpu.memref_slice %arg7[%dma_start3A_586] : memref<1280xi32, #tpu.memory_space<vmem>> -> memref<128xi32, #tpu.memory_space<vmem>>
      %dma_start3A_588 = arith.constant 0 : i32
      %dma_start3A_589 = arith.constant 0 : i32
      %dma_start3A_590 = tpu.memref_slice %arg2[%dma_start3A_588, %dma_start3A_589] : memref<10000x128xf32, #tpu.memory_space<hbm>> -> memref<10000x128xf32, #tpu.memory_space<hbm>>
      tpu.enqueue_indirect_dma source(%dma_start3A_590 : memref<10000x128xf32, #tpu.memory_space<hbm>>) target(%arg12 : memref<128x128xf32, #tpu.memory_space<vmem>>) offsets(%dma_start3A_587 : memref<128xi32, #tpu.memory_space<vmem>>) semaphore(%arg15 : memref<!tpu.dma_semaphore, #tpu.memory_space<semaphore_mem>>)
      %dma_wait3A_591 = arith.constant 8 : i32
      %dma_wait3A_592 = arith.constant 0 : i32
      %dma_wait3A_593 = tpu.memref_slice %arg10[%dma_wait3A_591, %dma_wait3A_592] : memref<10x128xi32, #tpu.memory_space<vmem>> -> memref<1x128xi32, #tpu.memory_space<vmem>>
      %dma_wait3A_594 = tpu.memref_squeeze %dma_wait3A_593 : memref<1x128xi32, #tpu.memory_space<vmem>> -> memref<128xi32, #tpu.memory_space<vmem>>
      %dma_wait3A_595 = arith.constant 0 : i32
      %dma_wait3A_596 = arith.constant 0 : i32
      %dma_wait3A_597 = tpu.memref_slice %arg13[%dma_wait3A_595, %dma_wait3A_596] : memref<10000x128xf32, #tpu.memory_space<vmem_shared>> -> memref<10000x128xf32, #tpu.memory_space<vmem_shared>>
      tpu.wait_indirect_dma semaphore(%arg16 : memref<!tpu.dma_semaphore, #tpu.memory_space<semaphore_mem>>) src(%arg11 : memref<128x128xf32, #tpu.memory_space<vmem>>) dst(%dma_wait3A_597 : memref<10000x128xf32, #tpu.memory_space<vmem_shared>>)
      %dma_wait3A_598 = arith.constant 1152 : i32
      %dma_wait3A_599 = tpu.memref_slice %arg7[%dma_wait3A_598] : memref<1280xi32, #tpu.memory_space<vmem>> -> memref<128xi32, #tpu.memory_space<vmem>>
      %dma_wait3A_600 = arith.constant 0 : i32
      %dma_wait3A_601 = arith.constant 0 : i32
      %dma_wait3A_602 = tpu.memref_slice %arg2[%dma_wait3A_600, %dma_wait3A_601] : memref<10000x128xf32, #tpu.memory_space<hbm>> -> memref<10000x128xf32, #tpu.memory_space<hbm>>
      tpu.wait_indirect_dma semaphore(%arg15 : memref<!tpu.dma_semaphore, #tpu.memory_space<semaphore_mem>>) src(%dma_wait3A_602 : memref<10000x128xf32, #tpu.memory_space<hbm>>) dst(%arg12 : memref<128x128xf32, #tpu.memory_space<vmem>>)
      %dma_start3A_603 = arith.constant 9 : i32
      %dma_start3A_604 = arith.constant 0 : i32
      %dma_start3A_605 = tpu.memref_slice %arg10[%dma_start3A_603, %dma_start3A_604] : memref<10x128xi32, #tpu.memory_space<vmem>> -> memref<1x128xi32, #tpu.memory_space<vmem>>
      %dma_start3A_606 = tpu.memref_squeeze %dma_start3A_605 : memref<1x128xi32, #tpu.memory_space<vmem>> -> memref<128xi32, #tpu.memory_space<vmem>>
      %dma_start3A_607 = arith.constant 0 : i32
      %dma_start3A_608 = arith.constant 0 : i32
      %dma_start3A_609 = tpu.memref_slice %arg13[%dma_start3A_607, %dma_start3A_608] : memref<10000x128xf32, #tpu.memory_space<vmem_shared>> -> memref<10000x128xf32, #tpu.memory_space<vmem_shared>>
      tpu.enqueue_indirect_dma source(%arg12 : memref<128x128xf32, #tpu.memory_space<vmem>>) target(%dma_start3A_609 : memref<10000x128xf32, #tpu.memory_space<vmem_shared>>) offsets(%dma_start3A_606 : memref<128xi32, #tpu.memory_space<vmem>>) semaphore(%arg17 : memref<!tpu.dma_semaphore, #tpu.memory_space<semaphore_mem>>) {add = true}
      %sub3A_610 = arith.constant 1 : i32
      %sub3A_611 = arith.subi %select_n3A_57, %sub3A_610 : i32
      %lt3A_612 = arith.cmpi slt, %while3A_89, %sub3A_611 : i32
      %convert_element_type3A_613 = arith.extui %lt3A_612 : i1 to i32
      %cond3A_614 = arith.constant 0 : i32
      %cond3A_615 = arith.cmpi ne, %convert_element_type3A_613, %cond3A_614 : i32
      scf.if %cond3A_615 {
        %dma_start3A_617 = arith.constant 0 : i32
        %dma_start3A_618 = tpu.memref_slice %arg6[%dma_start3A_617] : memref<1280xi32, #tpu.memory_space<vmem>> -> memref<128xi32, #tpu.memory_space<vmem>>
        %dma_start3A_619 = arith.constant 0 : i32
        %dma_start3A_620 = arith.constant 0 : i32
        %dma_start3A_621 = tpu.memref_slice %arg2[%dma_start3A_619, %dma_start3A_620] : memref<10000x128xf32, #tpu.memory_space<hbm>> -> memref<10000x128xf32, #tpu.memory_space<hbm>>
        tpu.enqueue_indirect_dma source(%dma_start3A_621 : memref<10000x128xf32, #tpu.memory_space<hbm>>) target(%arg11 : memref<128x128xf32, #tpu.memory_space<vmem>>) offsets(%dma_start3A_618 : memref<128xi32, #tpu.memory_space<vmem>>) semaphore(%arg14 : memref<!tpu.dma_semaphore, #tpu.memory_space<semaphore_mem>>)
      } else {
      }
      %while3A_616 = arith.constant 0 : i32
      scf.yield %while3A_616 : i32
    }
    %dma_wait3A = arith.constant 9 : i32
    %dma_wait3A_70 = arith.constant 0 : i32
    %dma_wait3A_71 = tpu.memref_slice %arg10[%dma_wait3A, %dma_wait3A_70] : memref<10x128xi32, #tpu.memory_space<vmem>> -> memref<1x128xi32, #tpu.memory_space<vmem>>
    %dma_wait3A_72 = tpu.memref_squeeze %dma_wait3A_71 : memref<1x128xi32, #tpu.memory_space<vmem>> -> memref<128xi32, #tpu.memory_space<vmem>>
    %dma_wait3A_73 = arith.constant 0 : i32
    %dma_wait3A_74 = arith.constant 0 : i32
    %dma_wait3A_75 = tpu.memref_slice %arg13[%dma_wait3A_73, %dma_wait3A_74] : memref<10000x128xf32, #tpu.memory_space<vmem_shared>> -> memref<10000x128xf32, #tpu.memory_space<vmem_shared>>
    tpu.wait_indirect_dma semaphore(%arg17 : memref<!tpu.dma_semaphore, #tpu.memory_space<semaphore_mem>>) src(%arg12 : memref<128x128xf32, #tpu.memory_space<vmem>>) dst(%dma_wait3A_75 : memref<10000x128xf32, #tpu.memory_space<vmem_shared>>)
    %barrier3A_76 = arith.constant 0 : index
    tpu.barrier barrier_id(%barrier3A_76)
    %while3A_77 = arith.constant 0 : i32
    %while3A_78 = arith.constant 0 : i32
    %while3A_79 = arith.subi %select_n3A, %while3A_77 : i32
    %while3A_80 = arith.addi %while3A_77, %while3A_79 : i32
    %while3A_81 = arith.constant 1 : i32
    %while3A_82 = arith.divsi %while3A_79, %while3A_81 : i32
    %while3A_83 = arith.muli %while3A_82, %while3A_81 : i32
    %while3A_84 = arith.addi %while3A_77, %while3A_83 : i32
    %while3A_85 = arith.constant 1 : i32
    %while3A_86 = scf.for %while3A_89 = %while3A_77 to %while3A_84 step %while3A_85 iter_args(%while3A_90 = %while3A_78) -> (i32)  : i32 {
      %mul3A_91 = arith.constant 16 : i32
      %mul3A_92 = arith.muli %mul3A_91, %while3A_89 : i32
      %add3A_93 = arith.addi %arg1, %mul3A_92 : i32
      %mul3A_94 = arith.constant 80 : i32
      %mul3A_95 = arith.muli %add3A_93, %mul3A_94 : i32
      "tpu.region"() ({
        %run_scoped3A = tpu.sem_alloc : memref<!tpu.dma_semaphore, #tpu.memory_space<semaphore_mem>>
        %dma_start3A_97 = arith.constant 0 : i32
        %dma_start3A_98 = tpu.memref_slice %arg5[%arg0, %mul3A_95, %dma_start3A_97] : memref<2x10000x128xf32, #tpu.memory_space<hbm>> -> memref<1x80x128xf32, #tpu.memory_space<hbm>>
        %dma_start3A_99 = tpu.memref_squeeze %dma_start3A_98 : memref<1x80x128xf32, #tpu.memory_space<hbm>> -> memref<80x128xf32, #tpu.memory_space<hbm>>
        %dma_start3A_100 = arith.constant 0 : i32
        %dma_start3A_101 = tpu.memref_slice %arg13[%mul3A_95, %dma_start3A_100] : memref<10000x128xf32, #tpu.memory_space<vmem_shared>> -> memref<80x128xf32, #tpu.memory_space<vmem_shared>>
        tpu.enqueue_dma source(%dma_start3A_101 : memref<80x128xf32, #tpu.memory_space<vmem_shared>>) target(%dma_start3A_99 : memref<80x128xf32, #tpu.memory_space<hbm>>) target_semaphore(%run_scoped3A : memref<!tpu.dma_semaphore, #tpu.memory_space<semaphore_mem>>)
        %dma_wait3A_102 = arith.constant 0 : i32
        %dma_wait3A_103 = tpu.memref_slice %arg5[%arg0, %mul3A_95, %dma_wait3A_102] : memref<2x10000x128xf32, #tpu.memory_space<hbm>> -> memref<1x80x128xf32, #tpu.memory_space<hbm>>
        %dma_wait3A_104 = tpu.memref_squeeze %dma_wait3A_103 : memref<1x80x128xf32, #tpu.memory_space<hbm>> -> memref<80x128xf32, #tpu.memory_space<hbm>>
        %dma_wait3A_105 = arith.constant 0 : i32
        %dma_wait3A_106 = tpu.memref_slice %arg13[%mul3A_95, %dma_wait3A_105] : memref<10000x128xf32, #tpu.memory_space<vmem_shared>> -> memref<80x128xf32, #tpu.memory_space<vmem_shared>>
        tpu.wait_dma2 semaphore(%run_scoped3A : memref<!tpu.dma_semaphore, #tpu.memory_space<semaphore_mem>>) src(%dma_wait3A_106 : memref<80x128xf32, #tpu.memory_space<vmem_shared>>) dst(%dma_wait3A_104 : memref<80x128xf32, #tpu.memory_space<hbm>>)
        tpu.yield
      }) : () -> ()
      %while3A_96 = arith.constant 0 : i32
      scf.yield %while3A_96 : i32
    }
    %while3A_87 = arith.constant 1 : i32
    %while3A_88 = scf.for %while3A_89 = %while3A_84 to %while3A_80 step %while3A_87 iter_args(%while3A_90 = %while3A_86) -> (i32)  : i32 {
      %mul3A_91 = arith.constant 16 : i32
      %mul3A_92 = arith.muli %mul3A_91, %while3A_89 : i32
      %add3A_93 = arith.addi %arg1, %mul3A_92 : i32
      %mul3A_94 = arith.constant 80 : i32
      %mul3A_95 = arith.muli %add3A_93, %mul3A_94 : i32
      "tpu.region"() ({
        %run_scoped3A = tpu.sem_alloc : memref<!tpu.dma_semaphore, #tpu.memory_space<semaphore_mem>>
        %dma_start3A_97 = arith.constant 0 : i32
        %dma_start3A_98 = tpu.memref_slice %arg5[%arg0, %mul3A_95, %dma_start3A_97] : memref<2x10000x128xf32, #tpu.memory_space<hbm>> -> memref<1x80x128xf32, #tpu.memory_space<hbm>>
        %dma_start3A_99 = tpu.memref_squeeze %dma_start3A_98 : memref<1x80x128xf32, #tpu.memory_space<hbm>> -> memref<80x128xf32, #tpu.memory_space<hbm>>
        %dma_start3A_100 = arith.constant 0 : i32
        %dma_start3A_101 = tpu.memref_slice %arg13[%mul3A_95, %dma_start3A_100] : memref<10000x128xf32, #tpu.memory_space<vmem_shared>> -> memref<80x128xf32, #tpu.memory_space<vmem_shared>>
        tpu.enqueue_dma source(%dma_start3A_101 : memref<80x128xf32, #tpu.memory_space<vmem_shared>>) target(%dma_start3A_99 : memref<80x128xf32, #tpu.memory_space<hbm>>) target_semaphore(%run_scoped3A : memref<!tpu.dma_semaphore, #tpu.memory_space<semaphore_mem>>)
        %dma_wait3A_102 = arith.constant 0 : i32
        %dma_wait3A_103 = tpu.memref_slice %arg5[%arg0, %mul3A_95, %dma_wait3A_102] : memref<2x10000x128xf32, #tpu.memory_space<hbm>> -> memref<1x80x128xf32, #tpu.memory_space<hbm>>
        %dma_wait3A_104 = tpu.memref_squeeze %dma_wait3A_103 : memref<1x80x128xf32, #tpu.memory_space<hbm>> -> memref<80x128xf32, #tpu.memory_space<hbm>>
        %dma_wait3A_105 = arith.constant 0 : i32
        %dma_wait3A_106 = tpu.memref_slice %arg13[%mul3A_95, %dma_wait3A_105] : memref<10000x128xf32, #tpu.memory_space<vmem_shared>> -> memref<80x128xf32, #tpu.memory_space<vmem_shared>>
        tpu.wait_dma2 semaphore(%run_scoped3A : memref<!tpu.dma_semaphore, #tpu.memory_space<semaphore_mem>>) src(%dma_wait3A_106 : memref<80x128xf32, #tpu.memory_space<vmem_shared>>) dst(%dma_wait3A_104 : memref<80x128xf32, #tpu.memory_space<hbm>>)
        tpu.yield
      }) : () -> ()
      %while3A_96 = arith.constant 0 : i32
      scf.yield %while3A_96 : i32
    }
    return
  }
}

module attributes {stable_mosaic.version = 14 : i64} {
  func.func @_scale_body(%arg0: memref<2x10112xf32, #tpu.memory_space<vmem>>, %arg1: memref<10000x128xf32, #tpu.memory_space<vmem>>, %arg2: memref<10000x128xf32, #tpu.memory_space<vmem>>) attributes {dimension_semantics = [], scalar_prefetch = 0 : i64, scratch_operands = 0 : i64, tpu.core_type = #tpu.core_type<tc>} {
    %get3A = arith.constant 0 : index
    %get3A_0 = arith.constant 0 : index
    %get3A_1 = vector.load %arg0[%get3A, %get3A_0] : memref<2x10112xf32, #tpu.memory_space<vmem>>, vector<1x10000xf32>
    %get3A_2 = vector.shape_cast %get3A_1 : vector<1x10000xf32> to vector<10000xf32>
    %get3A_3 = arith.constant 1 : index
    %get3A_4 = arith.constant 0 : index
    %get3A_5 = vector.load %arg0[%get3A_3, %get3A_4] : memref<2x10112xf32, #tpu.memory_space<vmem>>, vector<1x10000xf32>
    %get3A_6 = vector.shape_cast %get3A_5 : vector<1x10000xf32> to vector<10000xf32>
    %add3A = arith.addf %get3A_2, %get3A_6 : vector<10000xf32>
    %gt3A = arith.constant 0.000000e+00 : f32
    %gt3A_7 = vector.broadcast %gt3A : f32 to vector<10000xf32>
    %gt3A_8 = arith.cmpf ogt, %add3A, %gt3A_7 : vector<10000xf32>
    %max3A = arith.constant 1.000000e+00 : f32
    %max3A_9 = vector.broadcast %max3A : f32 to vector<10000xf32>
    %max3A_10 = arith.maximumf %add3A, %max3A_9 : vector<10000xf32>
    %rsqrt3A = math.rsqrt %max3A_10 : vector<10000xf32>
    %jit3A = arith.constant 0.000000e+00 : f32
    %broadcast_in_dim3A = vector.broadcast %jit3A : f32 to vector<10000xf32>
    %select_n3A = arith.select %gt3A_8, %rsqrt3A, %broadcast_in_dim3A : vector<10000xi1>, vector<10000xf32>
    %get3A_11 = arith.constant 0 : index
    %get3A_12 = arith.constant 0 : index
    %get3A_13 = vector.load %arg1[%get3A_11, %get3A_12] : memref<10000x128xf32, #tpu.memory_space<vmem>>, vector<10000x128xf32>
    %broadcast_in_dim3A_14 = vector.shape_cast %select_n3A : vector<10000xf32> to vector<10000x1xf32>
    %mul3A = vector.broadcast %broadcast_in_dim3A_14 : vector<10000x1xf32> to vector<10000x128xf32>
    %mul3A_15 = arith.mulf %get3A_13, %mul3A : vector<10000x128xf32>
    %swap3A = arith.constant 0 : index
    %swap3A_16 = arith.constant 0 : index
    %swap3A_17 = vector.load %arg2[%swap3A, %swap3A_16] : memref<10000x128xf32, #tpu.memory_space<vmem>>, vector<10000x128xf32>
    tpu.vector_store %arg2[%swap3A, %swap3A_16], %mul3A_15 {strides = array<i32>} : memref<10000x128xf32, #tpu.memory_space<vmem>>, vector<10000x128xf32>,
    return
  }
}

module attributes {stable_mosaic.version = 14 : i64} {
  func.func @_out_body(%arg0: memref<2x10000x128xf32, #tpu.memory_space<vmem>>, %arg1: memref<2x10112xf32, #tpu.memory_space<vmem>>, %arg2: memref<128x128xf32, #tpu.memory_space<vmem>>, %arg3: memref<1x128xf32, #tpu.memory_space<vmem>>, %arg4: memref<10000x128xf32, #tpu.memory_space<vmem>>) attributes {dimension_semantics = [], scalar_prefetch = 0 : i64, scratch_operands = 0 : i64, tpu.core_type = #tpu.core_type<tc>} {
    %get3A = arith.constant 0 : index
    %get3A_0 = arith.constant 0 : index
    %get3A_1 = vector.load %arg1[%get3A, %get3A_0] : memref<2x10112xf32, #tpu.memory_space<vmem>>, vector<1x10000xf32>
    %get3A_2 = vector.shape_cast %get3A_1 : vector<1x10000xf32> to vector<10000xf32>
    %get3A_3 = arith.constant 1 : index
    %get3A_4 = arith.constant 0 : index
    %get3A_5 = vector.load %arg1[%get3A_3, %get3A_4] : memref<2x10112xf32, #tpu.memory_space<vmem>>, vector<1x10000xf32>
    %get3A_6 = vector.shape_cast %get3A_5 : vector<1x10000xf32> to vector<10000xf32>
    %add3A = arith.addf %get3A_2, %get3A_6 : vector<10000xf32>
    %gt3A = arith.constant 0.000000e+00 : f32
    %gt3A_7 = vector.broadcast %gt3A : f32 to vector<10000xf32>
    %gt3A_8 = arith.cmpf ogt, %add3A, %gt3A_7 : vector<10000xf32>
    %max3A = arith.constant 1.000000e+00 : f32
    %max3A_9 = vector.broadcast %max3A : f32 to vector<10000xf32>
    %max3A_10 = arith.maximumf %add3A, %max3A_9 : vector<10000xf32>
    %rsqrt3A = math.rsqrt %max3A_10 : vector<10000xf32>
    %jit3A = arith.constant 0.000000e+00 : f32
    %broadcast_in_dim3A = vector.broadcast %jit3A : f32 to vector<10000xf32>
    %select_n3A = arith.select %gt3A_8, %rsqrt3A, %broadcast_in_dim3A : vector<10000xi1>, vector<10000xf32>
    %get3A_11 = arith.constant 0 : index
    %get3A_12 = arith.constant 0 : index
    %get3A_13 = arith.constant 0 : index
    %get3A_14 = vector.load %arg0[%get3A_11, %get3A_12, %get3A_13] : memref<2x10000x128xf32, #tpu.memory_space<vmem>>, vector<1x10000x128xf32>
    %get3A_15 = vector.shape_cast %get3A_14 : vector<1x10000x128xf32> to vector<10000x128xf32>
    %get3A_16 = arith.constant 1 : index
    %get3A_17 = arith.constant 0 : index
    %get3A_18 = arith.constant 0 : index
    %get3A_19 = vector.load %arg0[%get3A_16, %get3A_17, %get3A_18] : memref<2x10000x128xf32, #tpu.memory_space<vmem>>, vector<1x10000x128xf32>
    %get3A_20 = vector.shape_cast %get3A_19 : vector<1x10000x128xf32> to vector<10000x128xf32>
    %add3A_21 = arith.addf %get3A_15, %get3A_20 : vector<10000x128xf32>
    %broadcast_in_dim3A_22 = vector.shape_cast %select_n3A : vector<10000xf32> to vector<10000x1xf32>
    %mul3A = vector.broadcast %broadcast_in_dim3A_22 : vector<10000x1xf32> to vector<10000x128xf32>
    %mul3A_23 = arith.mulf %add3A_21, %mul3A : vector<10000x128xf32>
    %get3A_24 = arith.constant 0 : index
    %get3A_25 = arith.constant 0 : index
    %get3A_26 = vector.load %arg2[%get3A_24, %get3A_25] : memref<128x128xf32, #tpu.memory_space<vmem>>, vector<128x128xf32>
    %dot_general3A = arith.constant dense<0.000000e+00> : vector<10000x128xf32>
    %dot_general3A_27 = tpu.matmul %mul3A_23, %get3A_26, %dot_general3A {dimension_numbers = #tpu.dot_dimension_numbers<[1], [0], [0], [1], [0, 0, 1, 1], [], []>, transpose_lhs_hint = false} : vector<10000x128xf32>, vector<128x128xf32>, vector<10000x128xf32> -> vector<10000x128xf32>
    %get3A_28 = arith.constant 0 : index
    %get3A_29 = arith.constant 0 : index
    %get3A_30 = vector.load %arg3[%get3A_28, %get3A_29] : memref<1x128xf32, #tpu.memory_space<vmem>>, vector<1x128xf32>
    %add3A_31 = vector.broadcast %get3A_30 : vector<1x128xf32> to vector<10000x128xf32>
    %add3A_32 = arith.addf %dot_general3A_27, %add3A_31 : vector<10000x128xf32>
    %ge3A = arith.constant 0.000000e+00 : f32
    %ge3A_33 = vector.broadcast %ge3A : f32 to vector<10000x128xf32>
    %ge3A_34 = arith.cmpf oge, %add3A_32, %ge3A_33 : vector<10000x128xf32>
    %mul3A_35 = arith.constant 2.000000e-01 : f32
    %mul3A_36 = vector.broadcast %mul3A_35 : f32 to vector<10000x128xf32>
    %mul3A_37 = arith.mulf %mul3A_36, %add3A_32 : vector<10000x128xf32>
    %select_n3A_38 = arith.select %ge3A_34, %add3A_32, %mul3A_37 : vector<10000x128xi1>, vector<10000x128xf32>
    %swap3A = arith.constant 0 : index
    %swap3A_39 = arith.constant 0 : index
    %swap3A_40 = vector.load %arg4[%swap3A, %swap3A_39] : memref<10000x128xf32, #tpu.memory_space<vmem>>, vector<10000x128xf32>
    tpu.vector_store %arg4[%swap3A, %swap3A_39], %select_n3A_38 {strides = array<i32>} : memref<10000x128xf32, #tpu.memory_space<vmem>>, vector<10000x128xf32>,
    return
  }
}

</mosaic_0001>

<sc_bundles>
// kernel: kernel.6.cloned.1.call-start
scs
__scs_entry_jumppad:
0x0: {  	(pc) =	sbr.rel $0x88, $3  }
0x1: {  	(tag) =	ssettag $0x0;
	lr =	simm.s32 $0x1  }
0x2: {  	[smem:$0x3F9D] =	sst lr;
	_ =	strace $0xD0000000  }
0x3: {  	_ = 	snop  }
0x4: {  	_ = 	snop  }
0x5: {  	_ = 	snop  }
0x6: {  	_ = 	snop  }
0x7: {  	_ = 	snop  }
__scs_overlays_trampoline_lowered:
0x8: {  	[smem:$0x3FAC] =	sst s0  }
0x9: {  	[smem:$0x3FAD] =	sst s1  }
0xa: {  	[smem:$0x3FAE] =	sst s2  }
0xb: {  	[smem:$0x3FAF] =	sst s3  }
0xc: {  	[smem:$0x3FB0] =	sst s4  }
0xd: {  	[smem:$0x3FB1] =	sst s5  }
0xe: {  	[smem:$0x3FB2] =	sst s6  }
0xf: {  	[smem:$0x3FB3] =	sst s7  }
0x10: {  	[smem:$0x3FB4] =	sst s8  }
0x11: {  	[smem:$0x3FB5] =	sst s9;
	s0 =	simm.s32 @!p0 $0x0  }
0x12: {  	s1 =	sld [smem:$0x3F9B];
	s0 =	simm.s32 @p0 $0x1  }
0x13: {  	[smem:$0x3FB6] =	sst s0;
	s0 =	simm.s32 @!p1 $0x0  }
0x14: {  	s2 =	sld [smem:$0x3F9A];
	s0 =	simm.s32 @p1 $0x1  }
0x15: {  	[smem:$0x3FB7] =	sst s0;
	s0 =	simm.s32 @!p2 $0x0  }
0x16: {  	s3 =	sld [smem:$0x3FDB];
	s0 =	simm.s32 @p2 $0x1  }
0x17: {  	s4 =	simm.s32 $0x1BF5;
	[smem:$0x3FB9] =	sst s0  }
0x18: {  	s0 =	sld [smem:$0x3F9C];
	_ =	swait.ge [sflag:s4], $0x0  }
0x19: {  	s7 =	sld [smem:$0x3F9D]  }
0x1a: {  	s8 =	sadd.s32 $0xFFFFE003, lr  }
0x1b: {  	s9 =	sadd.s32 $0xFFFFFEF7, lr;
	s5 =	simm.s32 $0xFFFFFFFF;
	p2 =	slt.u32 s8, $0xFFFFF086  }
0x1c: {  	p1 =	slt.u32 s9, $0xF7A;
	s5 =	simm.s32 @!p2 $0x0  }
0x1d: {  	s5 =	simm.s32 @p1 $0x1;
	p0 =	seq.s32 s7, s2  }
0x1e: {  	s7 =	smul.u32 @!p0 $0xF7A, s2;
	p2 =	seq.s32 @!p0 s5, $0x0  }
0x1f: {  	s9 =	smul.u32 $0xF7A, s1;
	s8 =	simm.s32 @!p0 $0x1BF5;
	p2 =	por !p2, p0  }
0x20: {  	[sflag:s8] =	ssyncset.s32 @!p0 $0xFFFFF086;
	s6 =	sadd.s32 @!p0 s3, s7;
	s7 =	simm.s32 @!p0 $0x108  }
0x21: {  	s3 =	sadd.s32 s3, s9;
	s6 =	sadd.s32 @!p0 $0x88, s6;
	s7 =	simm.s32 @p2 $0x1082  }
0x22: {  	[simem:s7], [sflag:s8] =	dma.local @!p0 [hbm:s6], $0xF7A  }
0x23: {  	s9 =	sor.u32 $0xD0000000, s2;
	s6 =	simm.s32 $0x108;
	_ =	swait.ge @!p0 [sflag:s8], $0x0  }
0x24: {  	s3 =	sadd.s32 $0x88, s3;
	s6 =	simm.s32 @!p1 $0x1082;
	[sflag:s4] =	ssyncset.s32 $0xFFFFF086  }
0x25: {  	[simem:s6], [sflag:s4] =	dma.local [hbm:s3], $0xF7A  }
0x26: {  	[smem:$0x3F9D] =	sst s1;
	(tag) =	ssettag s2;
	_ =	strace s9  }
0x27: {  	s1 =	sld [smem:$0x3FAD]  }
0x28: {  	s2 =	sld [smem:$0x3FAE]  }
0x29: {  	s4 =	sld [smem:$0x3FB0]  }
0x2a: {  	p0 =	seq.s32 s5, $0x0;
	s5 =	sld [smem:$0x3FB1]  }
0x2b: {  	s6 =	sld [smem:$0x3FB2]  }
0x2c: {  	s7 =	sld [smem:$0x3FB3]  }
0x2d: {  	s3 =	simm.s32 $0x108;
	s8 =	sld [smem:$0x3FB4]  }
0x2e: {  	s3 =	simm.s32 @!p0 $0x1082;
	s9 =	sld [smem:$0x3FB5]  }
0x2f: {  	lr =	sadd.s32 s0, s3;
	s0 =	sld [smem:$0x3FAC]  }
0x30: {  	s3 =	sld [smem:$0x3FAF]  }
0x31: {  	[smem:$0x3FB8] =	sst s10  }
0x32: {  	s10 =	sld [smem:$0x3FB6];
	_ =	sdelay $0x3  }
0x33: {  	p0 =	seq.s32 s10, $0x1;
	s10 =	sld [smem:$0x3FB8];
	_ =	sdelay $0x3  }
0x34: {  	[smem:$0x3FB8] =	sst s10  }
0x35: {  	s10 =	sld [smem:$0x3FB7];
	_ =	sdelay $0x3  }
0x36: {  	p1 =	seq.s32 s10, $0x1;
	s10 =	sld [smem:$0x3FB8];
	_ =	sdelay $0x3  }
0x37: {  	[smem:$0x3FB8] =	sst s10  }
0x38: {  	s10 =	sld [smem:$0x3FB9]  }
0x39: {  	_ = 	snop;
	(pc) =	sbr.ind lr, $3  }
0x3a: {  	_ = 	snop  }
0x3b: {  	_ = 	snop  }
0x3c: {  	p2 =	seq.s32 s10, $0x1;
	s10 =	sld [smem:$0x3FB8]  }
0x3d: {  	_ =	shalt  }
0x3e: {  	_ =	shalt  }
0x3f: {  	_ =	shalt  }
0x40: {  	_ =	shalt  }
0x41: {  	_ =	shalt  }
0x42: {  	_ =	shalt  }
0x43: {  	_ =	shalt  }
0x44: {  	_ =	shalt  }
0x45: {  	_ =	shalt  }
0x46: {  	_ =	shalt  }
0x47: {  	_ =	shalt  }
0x48: {  	_ =	shalt  }
0x49: {  	_ =	shalt  }
0x4a: {  	_ =	shalt  }
0x4b: {  	_ =	shalt  }
0x4c: {  	_ =	shalt  }
0x4d: {  	_ =	shalt  }
0x4e: {  	_ =	shalt  }
0x4f: {  	_ =	shalt  }
0x50: {  	_ =	shalt  }
0x51: {  	_ =	shalt  }
0x52: {  	_ =	shalt  }
0x53: {  	_ =	shalt  }
0x54: {  	_ =	shalt  }
0x55: {  	_ =	shalt  }
0x56: {  	_ =	shalt  }
0x57: {  	_ =	shalt  }
0x58: {  	_ =	shalt  }
0x59: {  	_ =	shalt  }
0x5a: {  	_ =	shalt  }
0x5b: {  	_ =	shalt  }
0x5c: {  	_ =	shalt  }
0x5d: {  	_ =	shalt  }
0x5e: {  	_ =	shalt  }
0x5f: {  	_ =	shalt  }
0x60: {  	_ =	shalt  }
0x61: {  	_ =	shalt  }
0x62: {  	_ =	shalt  }
0x63: {  	_ =	shalt  }
0x64: {  	_ =	shalt  }
0x65: {  	_ =	shalt  }
0x66: {  	_ =	shalt  }
0x67: {  	_ =	shalt  }
0x68: {  	_ =	shalt  }
0x69: {  	_ =	shalt  }
0x6a: {  	_ =	shalt  }
0x6b: {  	_ =	shalt  }
0x6c: {  	_ =	shalt  }
0x6d: {  	_ =	shalt  }
0x6e: {  	_ =	shalt  }
0x6f: {  	_ =	shalt  }
0x70: {  	_ =	shalt  }
0x71: {  	_ =	shalt  }
0x72: {  	_ =	shalt  }
0x73: {  	_ =	shalt  }
0x74: {  	_ =	shalt  }
0x75: {  	_ =	shalt  }
0x76: {  	_ =	shalt  }
0x77: {  	_ =	shalt  }
0x78: {  	_ =	shalt  }
0x79: {  	_ =	shalt  }
0x7a: {  	_ =	shalt  }
0x7b: {  	_ =	shalt  }
0x7c: {  	_ =	shalt  }
0x7d: {  	_ =	shalt  }
0x7e: {  	_ =	shalt  }
0x7f: {  	_ =	shalt  }
0x80: {  	_ =	shalt  }
0x81: {  	_ =	shalt  }
0x82: {  	_ =	shalt  }
0x83: {  	_ =	shalt  }
0x84: {  	_ =	shalt  }
0x85: {  	_ =	shalt  }
0x86: {  	_ =	shalt  }
0x87: {  	_ =	shalt  }
.Lfunc_end0:
.L_simem_size_0:
called_computation_lowered:
.L_overlay_start_0:
0x88: {  	s2 =	sld [smem:$0x3FD9]  }
0x89: {  	s3 =	sld [smem:$0x3FFE];
	_ =	sdelay $0x1  }
0x8a: {  	s1 =	srdreg.scid  }
0x8b: {  	s0 =	sand.u32 $0x1, s1  }
0x8c: {  	s17 =	sshll.u32 s0, $0xA;
	s2 =	sadd.s32 s3, s2  }
0x8d: {  	s2 =	sadd.s32 s2, s17  }
0x8e: {  	[smem:$0x3FC4] =	sst s2  }
0x8f: {  	_ = 	snop  }
0x90: {  	s2 =	sld [smem:$0x3FD0];
	(tm) =	ssettm $0x1  }
0x91: {  	s18 =	sld [smem:$0x3FFB];
	_ =	sdelay $0x3  }
0x92: {  	_ =	strace s18  }
0x93: {  	s3 =	sld [smem:$0x3FFC];
	_ =	sdelay $0x3  }
0x94: {  	_ =	strace s3  }
0x95: {  	s3 =	sld [smem:$0x3FFD];
	_ =	sdelay $0x3  }
0x96: {  	_ =	strace s3  }
0x97: {  	_ =	strace $0x8FFFFFFF  }
0x98: {  	s19 =	sld [smem:$0x3FDB];
	_ =	sdelay $0x1  }
0x99: {  	s4 =	simm.s32 $_scs_section_size  }
0x9a: {  	s5 =	simm.s32 $_size__tile_overlayer_lowered;
	s6 =	simm.s32 $_tile_overlayer_lowered  }
0x9b: {  	s22 =	simm.s32 $0x1BFF;
	s21 =	sshll.u32 s6, $0x1;
	s3 =	sadd.s32 s4, s19  }
0x9c: {  	s7 =	simm.s32 $0x0;
	s20 =	sshll.u32 s5, $0x1;
	s5 =	sadd.s32 s21, s3  }
0x9d: {  	[timem:s7], [sflag:s22] =	dma.local [hbm:s5], s20  }
0x9e: {  	_ =	swait.ge [sflag:s22], s20  }
0x9f: {  	s4 =	ssub.s32 $0x0, s20;
	[sflag:s22] =	ssyncset.done $0x0  }
0xa0: {  	[sflag:s22] =	ssyncadd.s32 s4;
	_ =	sdelay $0x1  }
0xa1: {  	s23 =	simm.s32 $0x1B8B  }
0xa2: {  	_ =	swait.ge [sflag:s23], $0x1  }
0xa3: {  	[sflag:s23] =	ssyncset.done $0x0  }
0xa4: {  	s25 =	simm.s32 $0x1B8E;
	s24 =	sld [smem:$0x3FFE];
	[sflag:s23] =	ssyncadd.s32 $0xFFFFFFFF  }
0xa5: {  	s26 =	simm.s32 $execute0_lowered;
	[smem:$0x3FD2] =	sst s25  }
0xa6: {  	s5 =	sshll.u32 s26, $0x1;
	_ =	strace $0x80000046;
	[dreg:$0x1] =	wrdreg $0xFFFFFFFF  }
0xa7: {  	s28 =	simm.s32 $_size_execute0_lowered;
	s3 =	sadd.s32 s3, s5;
	[dreg:$0x0] =	wrdreg $0x0  }
0xa8: {  	s5 =	sshll.u32 s28, $0x1;
	[dreg:$0x2] =	wrdreg s3  }
0xa9: {  	[dreg:$0x3] =	wrdreg s5  }
0xaa: {  	[dreg:$0x4] =	wrdreg $0xC0  }
0xab: {  	_ =	task [dreg:s7], $0x5FFFF  }
0xac: {  	[dreg:$0x1] =	wrdreg $0xFFFFFFFF  }
0xad: {  	[dreg:$0x0] =	wrdreg $0x60  }
0xae: {  	[dreg:$0x2] =	wrdreg s24  }
0xaf: {  	[dreg:$0x3] =	wrdreg s2  }
0xb0: {  	[dreg:$0x4] =	wrdreg $0x57800  }
0xb1: {  	[dreg:$0x5] =	wrdreg $0x9  }
0xb2: {  	_ =	task.clear_ibuf [dreg:s7], $0x6FFFF;
	_ =	strace $0x90000046  }
0xb3: {  	s29 =	simm.s32 $0x9;
	_ =	strace $0x80000048  }
0xb4: {  	_ =	swait.ge [sflag:s29], $0x1  }
0xb5: {  	[sflag:s29] =	ssyncadd.s32 $0xFFFFFFFF  }
0xb6: {  	_ =	strace $0x90000048  }
0xb7: {  	_ =	sfence  }
0xb8: {  	s30 =	sld [smem:$0x0];
	_ =	sdelay $0x2  }
0xb9: {  	s31 =	sshll.u32 s1, $0xD;
	s1 =	sshrl.u32 s1, $0x2  }
0xba: {  	s3 =	sand.u32 $0x4000, s31;
	s1 =	sadd.s32 s1, s30  }
0xbb: {  	s0 =	sor.u32 s3, s0;
	s1 =	sshll.u32 s1, $0x11  }
0xbc: {  	s0 =	sor.u32 s1, s0  }
0xbd: {  	s0 =	sadd.s32 $0x8F2B, s0  }
0xbe: {  	[sflag:s0] =	ssyncadd.remote.s32 $0x1  }
0xbf: {  	_ =	sfence.sel $0xFFFF  }
0xc0: {  	[dreg:$0x0] =	wrdreg $0xFFFFFFFF;
	(pc) =	sbr.abs _section_cstart, $3  }
0xc1: {  	[dreg:$0x1] =	wrdreg $0xFFFFFFFF  }
0xc2: {  	_ =	task.clear_ibuf [dreg:s7], $0x2FFFF;
	_ =	strace $0x9FFFFFFF  }
0xc3: {  	(tm) =	ssettm $0x7FFFFFFF  }
tec
execute0_lowered:
.L_overlay_start_1:
0x0: {  	(tag) =	ssettag $0x1  }
0x1: {  	s5 =	rddreg [dreg:$0x0]  }
0x2: {  	s1 =	rddreg [dreg:$0x1]  }
0x3: {  	s2 =	rddreg [dreg:$0x2]  }
0x4: {  	s3 =	srdreg.scid;
	s0 =	rddreg [dreg:$0x3]  }
0x5: {  	s4 =	simm.s32 $0x0;
	s12 =	simm.s32 $0x2780;
	s13 =	simm.s32 $0x80  }
0x6: {  	s14 =	simm.s32 $0x400;
	s15 =	simm.s32 $0x13C00;
	s16 =	simm.s32 $0x4F00  }
0x7: {  	s17 =	simm.s32 $0x5700;
	s18 =	simm.s32 $0x0;
	s9 =	sand.u32 $0x1, s3  }
0x8: {  	s3 =	stileid.u32;
	[smem:$0x7FF] =	sst s4;
	s6 =	sshll.u32 s9, $0x4  }
0x9: {  	s7 =	ssub.s32 $0x2, s9;
	s8 =	sshrl.u32 s3, $0x3;
	s9 =	smul.u32 $0x2780, s9  }
0xa: {  	_ =	strace $0x80000047;
	s6 =	sor.u32 s3, s6;
	s8 =	smul.u32 $0x4F000, s8  }
0xb: {  	p0 =	seq.s32 s3, $0xF;
	s10 =	sshrl.u32 s7, $0x1;
	s6 =	smul.u32 $0x4E2, s6  }
0xc: {  	s10 =	ssub.s32 s7, s10;
	s7 =	simm.s32 $0x4;
	s31 =	sshrl.u32 s8, $0x2  }
0xd: {  	s7 =	simm.s32 @!p0 $0x5;
	s6 =	sadd.s32 s6, s5;
	s5 =	sshll.u32 s3, $0x7  }
0xe: {  	s10 =	smax.u32 s10, $0x1;
	s8 =	sadd.s32 s31, s2;
	s11 =	sand.u32 $0x380, s5  }
0xf: {  	v0 =	vimm.f32 $0.0e+00;
	v1 =	vimm.f32 $1.000000000e+00;
	s6 =	sadd.s32 $0xAE00, s6;
	s8 =	sadd.s32 s11, s8;
	s11 =	simm.s32 $0x1  }
.LBB2_1:
0x10: {  	s19 =	simm.s32 $0x40;
	s20 =	simm.s32 $0x0  }
.LBB2_2:
0x11: {  	p0 =	sne.s32 s19, $0x9DC0;
	[tilespmem:s20+$0x2780] =	vst v0;
	s20 =	smov.u32 s19;
	s19 =	sadd.s32 $0x40, s19  }
.Ltmp0:
0x12: {  	(pc) =	sbr.rel @p0 .LBB2_2-.Ltmp0, $2  }
0x13: {  	_ =	sdelay $0x2  }
0x14: {  	s20 =	sshra.s32 s20, $0x2  }
0x15: {  	[tilespmem:s20+$0x2780] =	vst v0;
	s19 =	simm.s32 $0x0  }
0x16: {  	[tilespmem:s19], [sflag:$0x1] =	stream.linear.gather [hbm4b:s6+s19], $0x2710, $0x38;
	[tilespmem:$0x7F00] =	vst v63  }
0x17: {  	_ =	swait.ge [sflag:s11], $0x2710  }
0x18: {  	[sflag:s11] =	ssyncset.done $0x0  }
0x19: {  	s20 =	simm.s32 $0x0;
	s19 =	simm.s32 $0x40;
	[sflag:s11] =	ssyncadd.s32 $0xFFFFD8F0  }
.LBB2_4:
0x1a: {  	p0 =	sne.s32 s19, $0x9C00;
	v2 =	vld [tilespmem:s20+$0x0];
	_ =	sdelay $0x3  }
.Ltmp1:
0x1b: {  	(pc) =	sbr.rel @p0 .LBB2_4-.Ltmp1, $2  }
0x1c: {  	_ =	sdelay $0x2  }
0x1d: {  	s20 =	sshra.s32 s19, $0x2;
	s19 =	sadd.s32 $0x40, s19;
	[tilespmem:v2+s12+$0x0] =	vst.idx.add.f32.msk $0xffff, v1  }
0x1e: {  	v2 =	vld [tilespmem:s20+$0x0];
	_ =	sdelay $0x7  }
0x1f: {  	[tilespmem:v2+s12+$0x0] =	vst.idx.add.f32.msk $0xffff, v1  }
0x20: {  	[spmem:s8] =	stream.strided.scatter [tilespmem:s12], [sflag:$0x1], $0x2780, s14, s13, $0x38;
	[tilespmem:$0x7F00] =	vst v63  }
0x21: {  	_ =	swait.ge [sflag:s11], $0x2780  }
0x22: {  	[sflag:s11] =	ssyncset.done $0x0  }
0x23: {  	[sflag:s11] =	ssyncadd.s32 $0xFFFFD880  }
0x24: {  	s19 =	simm.s32 $0x0;
	[bflag:$0x0] =	sbarrier.arrive $0xFFFF  }
.LBB2_6:
0x25: {  	s20 =	sshll.u32 s19, $0xB  }
0x26: {  	s20 =	sor.u32 s5, s20  }
0x27: {  	s21 =	sshll.u32 s20, $0x5  }
0x28: {  	s21 =	sshra.s32 s21, $0x2  }
0x29: {  	s21 =	sadd.s32 s21, s2  }
0x2a: {  	[tilespmem:s16], [sflag:$0x1] =	stream.strided.gather [spmem:s21], $0x800, s15, s14, $0x38;
	[tilespmem:$0x7F00] =	vst v63  }
0x2b: {  	_ =	swait.ge [sflag:s11], $0x800  }
0x2c: {  	[sflag:s11] =	ssyncset.done $0x0  }
0x2d: {  	s22 =	simm.s32 $0x0;
	[sflag:s11] =	ssyncadd.s32 $0xFFFFF800  }
0x2e: {  	v2 =	vld [tilespmem:s22+$0x4F00];
	_ =	sdelay $0x1  }
0x2f: {  	v3 =	vld [tilespmem:s22+$0x4F80];
	_ =	sdelay $0x1  }
0x30: {  	v4 =	vld [tilespmem:s22+$0x5000]  }
0x31: {  	v2 =	vadd.f32 $0.0e+00, v2  }
0x32: {  	v5 =	vld [tilespmem:s22+$0x5080]  }
0x33: {  	v2 =	vadd.f32 v3, v2  }
0x34: {  	v3 =	vld [tilespmem:s22+$0x5100]  }
0x35: {  	v2 =	vadd.f32 v4, v2  }
0x36: {  	v4 =	vld [tilespmem:s22+$0x5180]  }
0x37: {  	v2 =	vadd.f32 v5, v2  }
0x38: {  	v5 =	vld [tilespmem:s22+$0x5200]  }
0x39: {  	v2 =	vadd.f32 v3, v2  }
0x3a: {  	s21 =	simm.s32 $0x10;
	v3 =	vld [tilespmem:s22+$0x5280]  }
0x3b: {  	v6 =	vld [tilespmem:s21+$0x4F00];
	v2 =	vadd.f32 v4, v2  }
0x3c: {  	v4 =	vld [tilespmem:s22+$0x5300]  }
0x3d: {  	v7 =	vld [tilespmem:s21+$0x4F80];
	v2 =	vadd.f32 v5, v2  }
0x3e: {  	v5 =	vld [tilespmem:s22+$0x5380]  }
0x3f: {  	v8 =	vld [tilespmem:s21+$0x5000];
	v2 =	vadd.f32 v3, v2  }
0x40: {  	v3 =	vld [tilespmem:s22+$0x5400]  }
0x41: {  	v9 =	vld [tilespmem:s21+$0x5080];
	v6 =	vadd.f32 $0.0e+00, v6;
	v2 =	vadd.f32 v4, v2  }
0x42: {  	v4 =	vld [tilespmem:s22+$0x5480]  }
0x43: {  	v10 =	vld [tilespmem:s21+$0x5100];
	v6 =	vadd.f32 v7, v6;
	v2 =	vadd.f32 v5, v2  }
0x44: {  	v7 =	vld [tilespmem:s22+$0x5500]  }
0x45: {  	v11 =	vld [tilespmem:s21+$0x5180];
	v5 =	vadd.f32 v8, v6;
	v2 =	vadd.f32 v3, v2  }
0x46: {  	v8 =	vld [tilespmem:s22+$0x5580]  }
0x47: {  	v3 =	vadd.f32 v9, v5;
	v5 =	vld [tilespmem:s21+$0x5200];
	v4 =	vadd.f32 v4, v2  }
0x48: {  	v2 =	vld [tilespmem:s22+$0x5600]  }
0x49: {  	v6 =	vld [tilespmem:s21+$0x5280];
	v9 =	vadd.f32 v10, v3;
	v10 =	vadd.f32 v7, v4  }
0x4a: {  	v3 =	vld [tilespmem:s22+$0x5680]  }
0x4b: {  	s23 =	simm.s32 $0x20;
	s24 =	simm.s32 $0xC0;
	v7 =	vadd.f32 v11, v9;
	v4 =	vld [tilespmem:s21+$0x5300];
	v8 =	vadd.f32 v8, v10  }
.LBB2_7:
0x4c: {  	p0 =	sne.s32 s24, $0x1C0;
	v9 =	vld [tilespmem:s23+$0x4F00]  }
0x4d: {  	v5 =	vadd.f32 v5, v7;
	v7 =	vld [tilespmem:s21+$0x5380];
	v2 =	vadd.f32 v2, v8  }
0x4e: {  	v8 =	vld [tilespmem:s23+$0x4F80]  }
0x4f: {  	v5 =	vadd.f32 v6, v5;
	v6 =	vld [tilespmem:s21+$0x5400];
	v2 =	vadd.f32 v3, v2  }
0x50: {  	v3 =	vld [tilespmem:s23+$0x5000]  }
0x51: {  	v9 =	vadd.f32 $0.0e+00, v9;
	v4 =	vadd.f32 v4, v5;
	v5 =	vld [tilespmem:s21+$0x5480];
	[tilespmem:s22+$0x5700] =	vst v2;
	s22 =	smov.u32 s21;
	s21 =	smov.u32 s23  }
0x52: {  	v2 =	vld [tilespmem:s21+$0x5080]  }
0x53: {  	v8 =	vadd.f32 v8, v9;
	v4 =	vadd.f32 v7, v4;
	v7 =	vld [tilespmem:s22+$0x5500]  }
0x54: {  	v9 =	vld [tilespmem:s21+$0x5100]  }
0x55: {  	v3 =	vadd.f32 v3, v8;
	v4 =	vadd.f32 v6, v4;
	v8 =	vld [tilespmem:s22+$0x5580]  }
0x56: {  	v10 =	vld [tilespmem:s21+$0x5180]  }
.Ltmp2:
0x57: {  	v3 =	vadd.f32 v2, v3;
	v4 =	vadd.f32 v5, v4;
	v2 =	vld [tilespmem:s22+$0x5600];
	(pc) =	sbr.rel @p0 .LBB2_7-.Ltmp2, $4  }
0x58: {  	v5 =	vld [tilespmem:s21+$0x5200]  }
0x59: {  	v9 =	vadd.f32 v9, v3;
	v11 =	vadd.f32 v7, v4;
	v3 =	vld [tilespmem:s22+$0x5680]  }
0x5a: {  	v6 =	vld [tilespmem:s21+$0x5280]  }
0x5b: {  	s23 =	sshra.s32 s24, $0x2;
	s24 =	sadd.s32 $0x40, s24;
	v7 =	vadd.f32 v10, v9;
	v4 =	vld [tilespmem:s21+$0x5300];
	v8 =	vadd.f32 v8, v11  }
0x5c: {  	v9 =	vld [tilespmem:s23+$0x4F00]  }
0x5d: {  	v10 =	vld [tilespmem:s21+$0x5380];
	v2 =	vadd.f32 v2, v8  }
0x5e: {  	v49 =	vld [tilespmem:s23+$0x4F80]  }
0x5f: {  	v11 =	vld [tilespmem:s21+$0x5400];
	v5 =	vadd.f32 v5, v7;
	v2 =	vadd.f32 v3, v2  }
0x60: {  	v3 =	vld [tilespmem:s23+$0x5000]  }
0x61: {  	v50 =	vld [tilespmem:s21+$0x5480];
	v5 =	vadd.f32 v6, v5;
	v51 =	vadd.f32 $0.0e+00, v9;
	[tilespmem:s22+$0x5700] =	vst v2  }
0x62: {  	v2 =	vld [tilespmem:s23+$0x5080]  }
0x63: {  	v4 =	vadd.f32 v4, v5;
	v52 =	vadd.f32 v49, v51  }
0x64: {  	v53 =	vld [tilespmem:s23+$0x5100]  }
0x65: {  	v54 =	vld [tilespmem:s21+$0x5500];
	v4 =	vadd.f32 v10, v4;
	v3 =	vadd.f32 v3, v52  }
0x66: {  	v55 =	vld [tilespmem:s23+$0x5180]  }
0x67: {  	v56 =	vld [tilespmem:s21+$0x5580];
	v4 =	vadd.f32 v11, v4;
	v2 =	vadd.f32 v2, v3  }
0x68: {  	v3 =	vld [tilespmem:s23+$0x5200]  }
0x69: {  	v57 =	vld [tilespmem:s21+$0x5600];
	v4 =	vadd.f32 v50, v4;
	v2 =	vadd.f32 v53, v2  }
0x6a: {  	v58 =	vld [tilespmem:s23+$0x5280]  }
0x6b: {  	v59 =	vld [tilespmem:s21+$0x5680];
	v4 =	vadd.f32 v54, v4;
	v2 =	vadd.f32 v55, v2  }
0x6c: {  	v60 =	vld [tilespmem:s23+$0x5300]  }
0x6d: {  	v4 =	vadd.f32 v56, v4;
	v2 =	vadd.f32 v3, v2  }
0x6e: {  	v3 =	vld [tilespmem:s23+$0x5380]  }
0x6f: {  	v4 =	vadd.f32 v57, v4;
	v2 =	vadd.f32 v58, v2  }
0x70: {  	v61 =	vld [tilespmem:s23+$0x5400]  }
0x71: {  	v4 =	vadd.f32 v59, v4;
	v2 =	vadd.f32 v60, v2  }
0x72: {  	v62 =	vld [tilespmem:s23+$0x5480]  }
0x73: {  	[tilespmem:s21+$0x5700] =	vst v4;
	v2 =	vadd.f32 v3, v2  }
0x74: {  	v3 =	vld [tilespmem:s23+$0x5500]  }
0x75: {  	v2 =	vadd.f32 v61, v2  }
0x76: {  	v4 =	vld [tilespmem:s23+$0x5580]  }
0x77: {  	v2 =	vadd.f32 v62, v2  }
0x78: {  	v63 =	vld [tilespmem:s23+$0x5600]  }
0x79: {  	v2 =	vadd.f32 v3, v2  }
0x7a: {  	v3 =	vld [tilespmem:s23+$0x5680]  }
0x7b: {  	v2 =	vadd.f32 v4, v2;
	_ =	sdelay $0x1  }
0x7c: {  	v2 =	vadd.f32 v63, v2;
	_ =	sdelay $0x1  }
0x7d: {  	s20 =	sadd.s32 s9, s20;
	s19 =	sadd.s32 $0x1, s19;
	v2 =	vadd.f32 v3, v2  }
0x7e: {  	s20 =	sshrl.u32 s20, $0x3;
	p0 =	sne.s32 s19, s7  }
.Ltmp3:
0x7f: {  	s20 =	sadd.s32 s1, s20;
	[tilespmem:s23+$0x5700] =	vst v2;
	(pc) =	sbr.rel @p0 .LBB2_6-.Ltmp3, $4  }
0x80: {  	[hbm4b:s20+s4] =	stream.linear.scatter [tilespmem:s17], [sflag:$0x1], $0x80, $0x38;
	[tilespmem:$0x7F00] =	vst v63  }
0x81: {  	_ =	swait.ge [sflag:s11], $0x80  }
0x82: {  	[sflag:s11] =	ssyncset.done $0x0  }
0x83: {  	[sflag:s11] =	ssyncadd.s32 $0xFFFFFF80  }
0x84: {  	s18 =	sadd.s32 $0x1, s18  }
0x85: {  	p0 =	sne.s32 s18, s10  }
.Ltmp4:
0x86: {  	_ = 	snop;
	(pc) =	sbr.rel @p0 .LBB2_1-.Ltmp4, $1  }
0x87: {  	_ =	sdelay $0x3  }
0x88: {  	_ =	sfence.sel $0x180000  }
0x89: {  	[bflag:$0x0] =	sbarrier.arrive $0xFFFF  }
0x8a: {  	p0 =	sne.s32 s3, $0x0;
	_ =	strace $0x90000047  }
0x8b: {  	s0 =	sadd.s32 @!p0 $0x100000, s0;
	[bflag:$0x2] =	sbarrier.arrive $0xFFFF  }
0x8c: {  	[sflag:s0] =	ssyncadd.tile.s32 @!p0 $0x1;
	_ =	shalt  }
.Lfunc_end2:
_tile_overlayer_lowered:
.L_overlay_start_2:
0x8d: {  	(tag) =	ssettag $0x2  }
0x8e: {  	s0 =	rddreg [dreg:$0x0];
	s2 =	stileid.u32  }
0x8f: {  	s1 =	rddreg [dreg:$0x1];
	p0 =	sne.s32 s2, $0x0  }
0x90: {  	s3 =	rddreg [dreg:$0x2];
	[bflag:$0x3] =	sbarrier.arrive $0xFFFF;
	s2 =	simm.s32 @!p0 $0x1C01  }
0x91: {  	[timem:s3], [sflag:s2] =	dma.local @!p0 [hbm:s0], s1  }
0x92: {  	s0 =	simm.s32 @!p0 $0x1  }
0x93: {  	_ =	swait.ge @!p0 [sflag:s0], s1  }
0x94: {  	s1 =	ssub.s32 @!p0 $0x0, s1;
	[sflag:s0] =	ssyncset.done @!p0 $0x0  }
0x95: {  	[sflag:s0] =	ssyncadd.s32 @!p0 s1  }
0x96: {  	[bflag:$0x3] =	sbarrier.arrive $0xFFFF  }
0x97: {  	_ =	shalt  }

// kernel: kernel.9.cloned.1.call-start
scs
__scs_entry_jumppad:
0x0: {  	(pc) =	sbr.rel $0x88, $3  }
0x1: {  	(tag) =	ssettag $0x0;
	lr =	simm.s32 $0x1  }
0x2: {  	[smem:$0x3F9D] =	sst lr;
	_ =	strace $0xD0000000  }
0x3: {  	_ = 	snop  }
0x4: {  	_ = 	snop  }
0x5: {  	_ = 	snop  }
0x6: {  	_ = 	snop  }
0x7: {  	_ = 	snop  }
__scs_overlays_trampoline_lowered:
0x8: {  	[smem:$0x3FAC] =	sst s0  }
0x9: {  	[smem:$0x3FAD] =	sst s1  }
0xa: {  	[smem:$0x3FAE] =	sst s2  }
0xb: {  	[smem:$0x3FAF] =	sst s3  }
0xc: {  	[smem:$0x3FB0] =	sst s4  }
0xd: {  	[smem:$0x3FB1] =	sst s5  }
0xe: {  	[smem:$0x3FB2] =	sst s6  }
0xf: {  	[smem:$0x3FB3] =	sst s7  }
0x10: {  	[smem:$0x3FB4] =	sst s8  }
0x11: {  	[smem:$0x3FB5] =	sst s9;
	s0 =	simm.s32 @!p0 $0x0  }
0x12: {  	s1 =	sld [smem:$0x3F9B];
	s0 =	simm.s32 @p0 $0x1  }
0x13: {  	[smem:$0x3FB6] =	sst s0;
	s0 =	simm.s32 @!p1 $0x0  }
0x14: {  	s2 =	sld [smem:$0x3F9A];
	s0 =	simm.s32 @p1 $0x1  }
0x15: {  	[smem:$0x3FB7] =	sst s0;
	s0 =	simm.s32 @!p2 $0x0  }
0x16: {  	s3 =	sld [smem:$0x3FDB];
	s0 =	simm.s32 @p2 $0x1  }
0x17: {  	s4 =	simm.s32 $0x1BF5;
	[smem:$0x3FB9] =	sst s0  }
0x18: {  	s0 =	sld [smem:$0x3F9C];
	_ =	swait.ge [sflag:s4], $0x0  }
0x19: {  	s7 =	sld [smem:$0x3F9D]  }
0x1a: {  	s8 =	sadd.s32 $0xFFFFE003, lr  }
0x1b: {  	s9 =	sadd.s32 $0xFFFFFEF7, lr;
	s5 =	simm.s32 $0xFFFFFFFF;
	p2 =	slt.u32 s8, $0xFFFFF086  }
0x1c: {  	p1 =	slt.u32 s9, $0xF7A;
	s5 =	simm.s32 @!p2 $0x0  }
0x1d: {  	s5 =	simm.s32 @p1 $0x1;
	p0 =	seq.s32 s7, s2  }
0x1e: {  	s7 =	smul.u32 @!p0 $0xF7A, s2;
	p2 =	seq.s32 @!p0 s5, $0x0  }
0x1f: {  	s9 =	smul.u32 $0xF7A, s1;
	s8 =	simm.s32 @!p0 $0x1BF5;
	p2 =	por !p2, p0  }
0x20: {  	[sflag:s8] =	ssyncset.s32 @!p0 $0xFFFFF086;
	s6 =	sadd.s32 @!p0 s3, s7;
	s7 =	simm.s32 @!p0 $0x108  }
0x21: {  	s3 =	sadd.s32 s3, s9;
	s6 =	sadd.s32 @!p0 $0x88, s6;
	s7 =	simm.s32 @p2 $0x1082  }
0x22: {  	[simem:s7], [sflag:s8] =	dma.local @!p0 [hbm:s6], $0xF7A  }
0x23: {  	s9 =	sor.u32 $0xD0000000, s2;
	s6 =	simm.s32 $0x108;
	_ =	swait.ge @!p0 [sflag:s8], $0x0  }
0x24: {  	s3 =	sadd.s32 $0x88, s3;
	s6 =	simm.s32 @!p1 $0x1082;
	[sflag:s4] =	ssyncset.s32 $0xFFFFF086  }
0x25: {  	[simem:s6], [sflag:s4] =	dma.local [hbm:s3], $0xF7A  }
0x26: {  	[smem:$0x3F9D] =	sst s1;
	(tag) =	ssettag s2;
	_ =	strace s9  }
0x27: {  	s1 =	sld [smem:$0x3FAD]  }
0x28: {  	s2 =	sld [smem:$0x3FAE]  }
0x29: {  	s4 =	sld [smem:$0x3FB0]  }
0x2a: {  	p0 =	seq.s32 s5, $0x0;
	s5 =	sld [smem:$0x3FB1]  }
0x2b: {  	s6 =	sld [smem:$0x3FB2]  }
0x2c: {  	s7 =	sld [smem:$0x3FB3]  }
0x2d: {  	s3 =	simm.s32 $0x108;
	s8 =	sld [smem:$0x3FB4]  }
0x2e: {  	s3 =	simm.s32 @!p0 $0x1082;
	s9 =	sld [smem:$0x3FB5]  }
0x2f: {  	lr =	sadd.s32 s0, s3;
	s0 =	sld [smem:$0x3FAC]  }
0x30: {  	s3 =	sld [smem:$0x3FAF]  }
0x31: {  	[smem:$0x3FB8] =	sst s10  }
0x32: {  	s10 =	sld [smem:$0x3FB6];
	_ =	sdelay $0x3  }
0x33: {  	p0 =	seq.s32 s10, $0x1;
	s10 =	sld [smem:$0x3FB8];
	_ =	sdelay $0x3  }
0x34: {  	[smem:$0x3FB8] =	sst s10  }
0x35: {  	s10 =	sld [smem:$0x3FB7];
	_ =	sdelay $0x3  }
0x36: {  	p1 =	seq.s32 s10, $0x1;
	s10 =	sld [smem:$0x3FB8];
	_ =	sdelay $0x3  }
0x37: {  	[smem:$0x3FB8] =	sst s10  }
0x38: {  	s10 =	sld [smem:$0x3FB9]  }
0x39: {  	_ = 	snop;
	(pc) =	sbr.ind lr, $3  }
0x3a: {  	_ = 	snop  }
0x3b: {  	_ = 	snop  }
0x3c: {  	p2 =	seq.s32 s10, $0x1;
	s10 =	sld [smem:$0x3FB8]  }
0x3d: {  	_ =	shalt  }
0x3e: {  	_ =	shalt  }
0x3f: {  	_ =	shalt  }
0x40: {  	_ =	shalt  }
0x41: {  	_ =	shalt  }
0x42: {  	_ =	shalt  }
0x43: {  	_ =	shalt  }
0x44: {  	_ =	shalt  }
0x45: {  	_ =	shalt  }
0x46: {  	_ =	shalt  }
0x47: {  	_ =	shalt  }
0x48: {  	_ =	shalt  }
0x49: {  	_ =	shalt  }
0x4a: {  	_ =	shalt  }
0x4b: {  	_ =	shalt  }
0x4c: {  	_ =	shalt  }
0x4d: {  	_ =	shalt  }
0x4e: {  	_ =	shalt  }
0x4f: {  	_ =	shalt  }
0x50: {  	_ =	shalt  }
0x51: {  	_ =	shalt  }
0x52: {  	_ =	shalt  }
0x53: {  	_ =	shalt  }
0x54: {  	_ =	shalt  }
0x55: {  	_ =	shalt  }
0x56: {  	_ =	shalt  }
0x57: {  	_ =	shalt  }
0x58: {  	_ =	shalt  }
0x59: {  	_ =	shalt  }
0x5a: {  	_ =	shalt  }
0x5b: {  	_ =	shalt  }
0x5c: {  	_ =	shalt  }
0x5d: {  	_ =	shalt  }
0x5e: {  	_ =	shalt  }
0x5f: {  	_ =	shalt  }
0x60: {  	_ =	shalt  }
0x61: {  	_ =	shalt  }
0x62: {  	_ =	shalt  }
0x63: {  	_ =	shalt  }
0x64: {  	_ =	shalt  }
0x65: {  	_ =	shalt  }
0x66: {  	_ =	shalt  }
0x67: {  	_ =	shalt  }
0x68: {  	_ =	shalt  }
0x69: {  	_ =	shalt  }
0x6a: {  	_ =	shalt  }
0x6b: {  	_ =	shalt  }
0x6c: {  	_ =	shalt  }
0x6d: {  	_ =	shalt  }
0x6e: {  	_ =	shalt  }
0x6f: {  	_ =	shalt  }
0x70: {  	_ =	shalt  }
0x71: {  	_ =	shalt  }
0x72: {  	_ =	shalt  }
0x73: {  	_ =	shalt  }
0x74: {  	_ =	shalt  }
0x75: {  	_ =	shalt  }
0x76: {  	_ =	shalt  }
0x77: {  	_ =	shalt  }
0x78: {  	_ =	shalt  }
0x79: {  	_ =	shalt  }
0x7a: {  	_ =	shalt  }
0x7b: {  	_ =	shalt  }
0x7c: {  	_ =	shalt  }
0x7d: {  	_ =	shalt  }
0x7e: {  	_ =	shalt  }
0x7f: {  	_ =	shalt  }
0x80: {  	_ =	shalt  }
0x81: {  	_ =	shalt  }
0x82: {  	_ =	shalt  }
0x83: {  	_ =	shalt  }
0x84: {  	_ =	shalt  }
0x85: {  	_ =	shalt  }
0x86: {  	_ =	shalt  }
0x87: {  	_ =	shalt  }
.Lfunc_end0:
.L_simem_size_0:
called_computation.1_lowered:
.L_overlay_start_0:
0x88: {  	s2 =	sld [smem:$0x3FD9]  }
0x89: {  	s3 =	sld [smem:$0x3FFE];
	_ =	sdelay $0x1  }
0x8a: {  	s1 =	srdreg.scid  }
0x8b: {  	s0 =	sand.u32 $0x1, s1  }
0x8c: {  	s17 =	sshll.u32 s0, $0xA;
	s2 =	sadd.s32 s3, s2  }
0x8d: {  	s2 =	sadd.s32 s2, s17  }
0x8e: {  	[smem:$0x3FC4] =	sst s2  }
0x8f: {  	_ = 	snop  }
0x90: {  	s2 =	sld [smem:$0x3FD0];
	(tm) =	ssettm $0x1  }
0x91: {  	s18 =	sld [smem:$0x3FFB];
	_ =	sdelay $0x3  }
0x92: {  	_ =	strace s18  }
0x93: {  	s3 =	sld [smem:$0x3FFC];
	_ =	sdelay $0x3  }
0x94: {  	_ =	strace s3  }
0x95: {  	s3 =	sld [smem:$0x3FFD];
	_ =	sdelay $0x3  }
0x96: {  	_ =	strace s3  }
0x97: {  	_ =	strace $0x8FFFFFFF  }
0x98: {  	s19 =	sld [smem:$0x3FDB];
	_ =	sdelay $0x1  }
0x99: {  	s4 =	simm.s32 $_scs_section_size  }
0x9a: {  	s5 =	simm.s32 $_size__tile_overlayer_lowered;
	s6 =	simm.s32 $_tile_overlayer_lowered  }
0x9b: {  	s22 =	simm.s32 $0x1BFF;
	s21 =	sshll.u32 s6, $0x1;
	s3 =	sadd.s32 s4, s19  }
0x9c: {  	s7 =	simm.s32 $0x0;
	s20 =	sshll.u32 s5, $0x1;
	s5 =	sadd.s32 s21, s3  }
0x9d: {  	[timem:s7], [sflag:s22] =	dma.local [hbm:s5], s20  }
0x9e: {  	_ =	swait.ge [sflag:s22], s20  }
0x9f: {  	s4 =	ssub.s32 $0x0, s20;
	[sflag:s22] =	ssyncset.done $0x0  }
0xa0: {  	[sflag:s22] =	ssyncadd.s32 s4;
	_ =	sdelay $0x1  }
0xa1: {  	s23 =	simm.s32 $0x1B8B  }
0xa2: {  	_ =	swait.ge [sflag:s23], $0x1  }
0xa3: {  	[sflag:s23] =	ssyncset.done $0x0  }
0xa4: {  	s25 =	simm.s32 $0x1B8E;
	s24 =	sld [smem:$0x3FFE];
	[sflag:s23] =	ssyncadd.s32 $0xFFFFFFFF  }
0xa5: {  	s26 =	simm.s32 $execute0_lowered;
	[smem:$0x3FD2] =	sst s25  }
0xa6: {  	s5 =	sshll.u32 s26, $0x1;
	_ =	strace $0x80000049;
	[dreg:$0x1] =	wrdreg $0xFFFFFFFF  }
0xa7: {  	s28 =	simm.s32 $_size_execute0_lowered;
	s3 =	sadd.s32 s3, s5;
	[dreg:$0x0] =	wrdreg $0x0  }
0xa8: {  	s5 =	sshll.u32 s28, $0x1;
	[dreg:$0x2] =	wrdreg s3  }
0xa9: {  	[dreg:$0x3] =	wrdreg s5  }
0xaa: {  	[dreg:$0x4] =	wrdreg $0xC0  }
0xab: {  	_ =	task [dreg:s7], $0x5FFFF  }
0xac: {  	[dreg:$0x1] =	wrdreg $0xFFFFFFFF  }
0xad: {  	[dreg:$0x0] =	wrdreg $0x60  }
0xae: {  	[dreg:$0x2] =	wrdreg s2  }
0xaf: {  	[dreg:$0x3] =	wrdreg s24  }
0xb0: {  	[dreg:$0x4] =	wrdreg $0x9F000  }
0xb1: {  	[dreg:$0x5] =	wrdreg $0x9  }
0xb2: {  	_ =	task.clear_ibuf [dreg:s7], $0x6FFFF;
	_ =	strace $0x90000049  }
0xb3: {  	s29 =	simm.s32 $0x9;
	_ =	strace $0x8000004B  }
0xb4: {  	_ =	swait.ge [sflag:s29], $0x1  }
0xb5: {  	[sflag:s29] =	ssyncadd.s32 $0xFFFFFFFF  }
0xb6: {  	_ =	strace $0x9000004B  }
0xb7: {  	_ =	sfence  }
0xb8: {  	s30 =	sld [smem:$0x0];
	_ =	sdelay $0x2  }
0xb9: {  	s31 =	sshll.u32 s1, $0xD;
	s1 =	sshrl.u32 s1, $0x2  }
0xba: {  	s3 =	sand.u32 $0x4000, s31;
	s1 =	sadd.s32 s1, s30  }
0xbb: {  	s0 =	sor.u32 s3, s0;
	s1 =	sshll.u32 s1, $0x11  }
0xbc: {  	s0 =	sor.u32 s1, s0  }
0xbd: {  	s0 =	sadd.s32 $0x8F2B, s0  }
0xbe: {  	[sflag:s0] =	ssyncadd.remote.s32 $0x1  }
0xbf: {  	_ =	sfence.sel $0xFFFF  }
0xc0: {  	[dreg:$0x0] =	wrdreg $0xFFFFFFFF;
	(pc) =	sbr.abs _section_cstart, $3  }
0xc1: {  	[dreg:$0x1] =	wrdreg $0xFFFFFFFF  }
0xc2: {  	_ =	task.clear_ibuf [dreg:s7], $0x2FFFF;
	_ =	strace $0x9FFFFFFF  }
0xc3: {  	(tm) =	ssettm $0x7FFFFFFF  }
tec
execute0_lowered:
.L_overlay_start_1:
0x0: {  	(tag) =	ssettag $0x1  }
0x1: {  	s1 =	rddreg [dreg:$0x0]  }
0x2: {  	s0 =	rddreg [dreg:$0x1]  }
0x3: {  	s2 =	rddreg [dreg:$0x2];
	s3 =	srdreg.scid  }
0x4: {  	s4 =	simm.s32 $0x0;
	s15 =	stileid.u32;
	s17 =	simm.s32 $0x8  }
0x5: {  	s11 =	simm.s32 $0x1;
	s12 =	simm.s32 $0x1;
	s28 =	simm.s32 $0x2  }
0x6: {  	s31 =	simm.s32 $0x4;
	s29 =	simm.s32 $0x980;
	s30 =	simm.s32 $0x1B80  }
0x7: {  	s3 =	sand.u32 $0x1, s3;
	[smem:$0x7FF] =	sst s4;
	s5 =	sadd.s32 $0x1000, s0  }
0x8: {  	s6 =	sadd.s32 $0xAE00, s0;
	s7 =	sadd.s32 $0x14C00, s0;
	s23 =	smul.u32 $0xA000, s15  }
0x9: {  	p0 =	slt.u32 s15, $0xD;
	s24 =	smul.u32 $0x2800, s15;
	s18 =	sshll.u32 s3, $0x4  }
0xa: {  	_ =	strace $0x8000004A;
	s8 =	ssub.s32 $0x2, s3;
	s17 =	simm.s32 @!p0 $0x7  }
0xb: {  	s3 =	smul.u32 $0x138800, s3;
	s4 =	sor.u32 s15, s18;
	s9 =	sshrl.u32 s8, $0x1  }
0xc: {  	s25 =	sshrl.u32 s23, $0x2;
	s18 =	simm.s32 $0x6;
	s23 =	simm.s32 $0x1B00  }
0xd: {  	[dreg:$0x4] =	wrdreg s17;
	s10 =	smul.u32 $0x2800, s4;
	s19 =	ssub.s32 s8, s9  }
0xe: {  	p0 =	seq.s32 s4, $0x1F;
	s26 =	sadd.s32 s24, s3;
	s24 =	simm.s32 $0x5F00  }
0xf: {  	s4 =	simm.s32 $0x5;
	s3 =	simm.s32 $0x0;
	s11 =	simm.s32 @!p0 $0x4  }
0x10: {  	s0 =	smax.u32 s19, $0x1;
	[dreg:$0x9] =	wrdreg s26;
	s19 =	simm.s32 $0x1F00  }
0x11: {  	s26 =	simm.s32 $0x500;
	s20 =	sshrl.u32 s10, $0x3;
	s13 =	sadd.s32 $0xFFFFFFFF, s11  }
0x12: {  	s14 =	sor.u32 $0x500, s10;
	[dreg:$0x7] =	wrdreg s0;
	s21 =	sadd.s32 s5, s20  }
0x13: {  	s15 =	sadd.s32 $0xA00, s10;
	s22 =	sadd.s32 s6, s20;
	[dreg:$0x5] =	wrdreg s21  }
0x14: {  	s20 =	simm.s32 $0x7;
	[dreg:$0x6] =	wrdreg s22;
	s21 =	sadd.s32 s25, s2  }
0x15: {  	v0 =	vimm.f32 $0.0e+00;
	s22 =	simm.s32 $0x80;
	s25 =	simm.s32 $0x3;
	[dreg:$0x8] =	wrdreg s21  }
.LBB2_1:
0x16: {  	s16 =	simm.s32 $0x0  }
0x17: {  	s0 =	sand.u32 $0xFE00, s16  }
0x18: {  	[dreg:$0xa] =	wrdreg s3;
	s3 =	sand.u32 $0x70, s16;
	s9 =	sshrl.u32 s0, $0x2  }
0x19: {  	s0 =	simm.s32 $0x40;
	s9 =	sor.u32 s3, s9;
	s3 =	simm.s32 $0x0  }
.LBB2_2:
0x1a: {  	p0 =	sne.s32 s0, $0x9FC0  }
0x1b: {  	[tilespmem:s9+$0x1F00] =	vst v0;
	s3 =	sadd.s32 $0x10, s3;
	s9 =	smov.u32 s0;
	s0 =	sadd.s32 $0x40, s0  }
.Ltmp0:
0x1c: {  	(pc) =	sbr.rel @p0 .LBB2_2-.Ltmp0, $4  }
0x1d: {  	_ = 	snop  }
0x1e: {  	s9 =	sand.u32 $0xFE00, s9  }
0x1f: {  	s10 =	sand.u32 $0x70, s3;
	s9 =	sshrl.u32 s9, $0x2  }
0x20: {  	s9 =	sor.u32 s10, s9  }
0x21: {  	p0 =	sne.s32 s17, $0x1  }
.Ltmp1:
0x22: {  	_ = 	snop;
	(pc) =	sbr.rel @!p0 .LBB2_5-.Ltmp1, $4  }
0x23: {  	[tilespmem:s9+$0x1F00] =	vst v0  }
0x24: {  	[spmem:s21] =	stream.linear.scatter [tilespmem:s19], [sflag:$0x7], $0x2800, $0x38;
	[tilespmem:$0x1D780] =	vst v63  }
0x25: {  	_ =	swait.ge [sflag:s20], $0x2800  }
0x26: {  	s0 =	sadd.s32 $0xFFFFFFFF, s17;
	s3 =	smov.u32 s21;
	[sflag:s20] =	ssyncset.done $0x0  }
.LBB2_4:
0x27: {  	p1 =	sne.s32 s0, $0x1;
	[sflag:s20] =	ssyncadd.s32 $0xFFFFD800;
	s3 =	sadd.s32 $0x28000, s3  }
.Ltmp2:
0x28: {  	s0 =	sadd.s32 $0xFFFFFFFF, s0;
	(pc) =	sbr.rel @p1 .LBB2_4-.Ltmp2, $4  }
0x29: {  	_ = 	snop  }
0x2a: {  	[spmem:s3] =	stream.linear.scatter [tilespmem:s19], [sflag:$0x7], $0x2800, $0x38;
	[tilespmem:$0x1D780] =	vst v63  }
0x2b: {  	_ =	swait.ge [sflag:s20], $0x2800  }
0x2c: {  	[sflag:s20] =	ssyncset.done $0x0  }
.LBB2_5:
0x2d: {  	[sflag:s20] =	ssyncadd.s32 $0xFFFFD800  }
0x2e: {  	[bflag:$0x0] =	sbarrier.arrive $0xFFFF  }
0x2f: {  	s0 =	simm.s32 $0x0;
	s3 =	rddreg [dreg:$0x5]  }
0x30: {  	[tilespmem:s0], [sflag:$0x7] =	stream.linear.gather [hbm4b:s3+s0], $0x500, $0x38;
	[tilespmem:$0x1D780] =	vst v63  }
0x31: {  	_ =	swait.ge [sflag:s20], $0x500  }
0x32: {  	[sflag:s20] =	ssyncset.done $0x0  }
0x33: {  	s8 =	simm.s32 $0xA00;
	s17 =	rddreg [dreg:$0x6];
	[sflag:s20] =	ssyncadd.s32 $0xFFFFFB00  }
0x34: {  	[tilespmem:s8], [sflag:$0x7] =	stream.linear.gather [hbm4b:s17+s0], $0x500, $0x38;
	[tilespmem:$0x1D780] =	vst v63  }
0x35: {  	s21 =	simm.s32 $0x0;
	_ =	swait.ge [sflag:s20], $0x500  }
0x36: {  	s3 =	sand.u32 $0x780, s21;
	s0 =	sand.u32 $0x70, s0;
	[sflag:s20] =	ssyncset.done $0x0  }
0x37: {  	s0 =	sor.u32 s0, s3;
	[sflag:s20] =	ssyncadd.s32 $0xFFFFFB00  }
0x38: {  	v1 =	vld [tilespmem:s0+$0xA00];
	_ =	sdelay $0x1  }
0x39: {  	s9 =	simm.s32 $0x10;
	s3 =	simm.s32 $0x40  }
.LBB2_6:
0x3a: {  	s10 =	sshrl.u32 s3, $0x2;
	p1 =	sne.s32 s3, $0x13C0;
	s3 =	sadd.s32 $0x40, s3  }
.Ltmp3:
0x3b: {  	s16 =	sand.u32 $0x70, s9;
	s10 =	sand.u32 $0x780, s10;
	(pc) =	sbr.rel @p1 .LBB2_6-.Ltmp3, $3  }
0x3c: {  	[tilespmem:s0+$0xF00] =	vst v1;
	s0 =	sor.u32 s16, s10  }
0x3d: {  	v1 =	vld [tilespmem:s0+$0xA00];
	_ =	sdelay $0x1  }
0x3e: {  	s9 =	sadd.s32 $0x10, s9  }
.Ltmp4:
0x3f: {  	(pc) =	sbr.rel .LBB2_8-.Ltmp4, $3  }
0x40: {  	_ =	sdelay $0x1  }
0x41: {  	s3 =	simm.s32 $0x0;
	[tilespmem:s0+$0xF00] =	vst v1;
	s0 =	simm.s32 $0x0  }
0x42: {  	[tilespmem:s19], [sflag:$0x1] =	stream.indirect.gather [hbm4b:s1+s22], $0x80, s0, s22, $0xb8;
	[tilespmem:$0x1D780] =	vst v63  }
.LBB2_14:
0x43: {  	_ =	swait.ge [sflag:s28], $0x4000  }
0x44: {  	[sflag:s28] =	ssyncset.done $0x0  }
0x45: {  	s8 =	simm.s32 $0x1980;
	[sflag:s28] =	ssyncadd.s32 $0xFFFFC000  }
0x46: {  	[spmem:s2] =	stream.indirect.scatter.add.f32 [tilespmem:s24], [sflag:$0x4], $0x80, s8, s22, $0xb8;
	[tilespmem:$0x1D780] =	vst v63  }
0x47: {  	s21 =	simm.s32 $0x800  }
0x48: {  	[tilespmem:s19], [sflag:$0x1] =	stream.indirect.gather [hbm4b:s1+s22], $0x80, s21, s22, $0xb8;
	[tilespmem:$0x1D780] =	vst v63  }
0x49: {  	_ =	swait.ge [sflag:s31], $0x4000  }
0x4a: {  	[sflag:s31] =	ssyncset.done $0x0  }
0x4b: {  	[sflag:s31] =	ssyncadd.s32 $0xFFFFC000  }
0x4c: {  	_ =	swait.ge [sflag:s12], $0x4000  }
0x4d: {  	[sflag:s12] =	ssyncset.done $0x0  }
0x4e: {  	s10 =	simm.s32 $0x1A00;
	[sflag:s12] =	ssyncadd.s32 $0xFFFFC000  }
0x4f: {  	[spmem:s2] =	stream.indirect.scatter.add.f32 [tilespmem:s19], [sflag:$0x3], $0x80, s10, s22, $0xb8;
	[tilespmem:$0x1D780] =	vst v63  }
0x50: {  	s16 =	simm.s32 $0x880  }
0x51: {  	[tilespmem:s24], [sflag:$0x2] =	stream.indirect.gather [hbm4b:s1+s22], $0x80, s16, s22, $0xb8;
	[tilespmem:$0x1D780] =	vst v63  }
0x52: {  	_ =	swait.ge [sflag:s25], $0x4000  }
0x53: {  	[sflag:s25] =	ssyncset.done $0x0  }
0x54: {  	[sflag:s25] =	ssyncadd.s32 $0xFFFFC000  }
0x55: {  	_ =	swait.ge [sflag:s28], $0x4000  }
0x56: {  	[sflag:s28] =	ssyncset.done $0x0  }
0x57: {  	s17 =	simm.s32 $0x1A80;
	[sflag:s28] =	ssyncadd.s32 $0xFFFFC000  }
0x58: {  	[spmem:s2] =	stream.indirect.scatter.add.f32 [tilespmem:s24], [sflag:$0x4], $0x80, s17, s22, $0xb8;
	[tilespmem:$0x1D780] =	vst v63  }
0x59: {  	s21 =	simm.s32 $0x900  }
0x5a: {  	[tilespmem:s19], [sflag:$0x1] =	stream.indirect.gather [hbm4b:s1+s22], $0x80, s21, s22, $0xb8;
	[tilespmem:$0x1D780] =	vst v63  }
0x5b: {  	_ =	swait.ge [sflag:s31], $0x4000  }
0x5c: {  	[sflag:s31] =	ssyncset.done $0x0  }
0x5d: {  	[sflag:s31] =	ssyncadd.s32 $0xFFFFC000  }
0x5e: {  	_ =	swait.ge [sflag:s12], $0x4000  }
0x5f: {  	[sflag:s12] =	ssyncset.done $0x0  }
0x60: {  	[sflag:s12] =	ssyncadd.s32 $0xFFFFC000  }
0x61: {  	[spmem:s2] =	stream.indirect.scatter.add.f32 [tilespmem:s19], [sflag:$0x3], $0x80, s23, s22, $0xb8;
	[tilespmem:$0x1D780] =	vst v63  }
0x62: {  	_ = 	snop  }
0x63: {  	[tilespmem:s24], [sflag:$0x2] =	stream.indirect.gather [hbm4b:s1+s22], $0x80, s29, s22, $0xb8;
	[tilespmem:$0x1D780] =	vst v63  }
0x64: {  	_ =	swait.ge [sflag:s25], $0x4000  }
0x65: {  	[sflag:s25] =	ssyncset.done $0x0  }
0x66: {  	[sflag:s25] =	ssyncadd.s32 $0xFFFFC000  }
0x67: {  	_ =	swait.ge [sflag:s28], $0x4000  }
0x68: {  	[sflag:s28] =	ssyncset.done $0x0  }
0x69: {  	[sflag:s28] =	ssyncadd.s32 $0xFFFFC000  }
0x6a: {  	[spmem:s2] =	stream.indirect.scatter.add.f32 [tilespmem:s24], [sflag:$0x4], $0x80, s30, s22, $0xb8;
	[tilespmem:$0x1D780] =	vst v63  }
0x6b: {  	s3 =	sadd.s32 $0x1, s3;
	s8 =	simm.s32 @!p1 $0x80;
	s10 =	simm.s32 @!p1 $0x1F00  }
0x6c: {  	[tilespmem:s10], [sflag:$0x1] =	stream.indirect.gather @!p1 [hbm4b:s1+s8], $0x80, s9, s8, $0xb8;
	[tilespmem:$0x1D780] =	vst v63  }
0x6d: {  	p1 =	sne.s32 s3, s11  }
.Ltmp5:
0x6e: {  	_ = 	snop;
	(pc) =	sbr.rel @!p1 .LBB2_15-.Ltmp5, $1  }
0x6f: {  	_ =	sdelay $0x3  }
.LBB2_8:
0x70: {  	p1 =	seq.s32 s3, $0x0  }
0x71: {  	s9 =	simm.s32 @!p1 $0x4  }
0x72: {  	_ =	swait.ge @!p1 [sflag:s9], $0x4000  }
0x73: {  	[sflag:s9] =	ssyncset.done @!p1 $0x0  }
0x74: {  	[sflag:s9] =	ssyncadd.s32 @!p1 $0xFFFFC000  }
0x75: {  	_ =	swait.ge [sflag:s12], $0x4000  }
0x76: {  	[sflag:s12] =	ssyncset.done $0x0  }
0x77: {  	s8 =	simm.s32 $0xF00;
	[sflag:s12] =	ssyncadd.s32 $0xFFFFC000  }
0x78: {  	[spmem:s2] =	stream.indirect.scatter.add.f32 [tilespmem:s19], [sflag:$0x3], $0x80, s8, s22, $0xb8;
	[tilespmem:$0x1D780] =	vst v63  }
0x79: {  	s9 =	smul.u32 $0xA00, s3  }
0x7a: {  	[tilespmem:s24], [sflag:$0x2] =	stream.indirect.gather [hbm4b:s1+s22], $0x80, s22, s22, $0xb8;
	[tilespmem:$0x1D780] =	vst v63  }
0x7b: {  	s10 =	sadd.s32 s9, s14;
	_ =	swait.ge [sflag:s25], $0x4000  }
0x7c: {  	s10 =	sshrl.u32 s10, $0x3;
	[sflag:s25] =	ssyncset.done $0x0  }
0x7d: {  	s16 =	sadd.s32 s5, s10;
	[sflag:s25] =	ssyncadd.s32 $0xFFFFC000  }
0x7e: {  	[tilespmem:s26], [sflag:$0x6] =	stream.linear.gather [hbm4b:s16+s0], $0x500, $0x38;
	[tilespmem:$0x1D780] =	vst v63  }
0x7f: {  	s10 =	sadd.s32 s6, s10;
	s16 =	simm.s32 $0xA00  }
0x80: {  	[tilespmem:s16], [sflag:$0x6] =	stream.linear.gather [hbm4b:s10+s0], $0x500, $0x38;
	[tilespmem:$0x1D780] =	vst v63  }
0x81: {  	_ =	swait.ge [sflag:s28], $0x4000  }
0x82: {  	[sflag:s28] =	ssyncset.done $0x0  }
0x83: {  	s17 =	simm.s32 $0xF80;
	[sflag:s28] =	ssyncadd.s32 $0xFFFFC000  }
0x84: {  	[spmem:s2] =	stream.indirect.scatter.add.f32 [tilespmem:s24], [sflag:$0x4], $0x80, s17, s22, $0xb8;
	[tilespmem:$0x1D780] =	vst v63  }
0x85: {  	s21 =	simm.s32 $0x100  }
0x86: {  	[tilespmem:s19], [sflag:$0x1] =	stream.indirect.gather [hbm4b:s1+s22], $0x80, s21, s22, $0xb8;
	[tilespmem:$0x1D780] =	vst v63  }
0x87: {  	_ =	swait.ge [sflag:s31], $0x4000  }
0x88: {  	[sflag:s31] =	ssyncset.done $0x0  }
0x89: {  	[sflag:s31] =	ssyncadd.s32 $0xFFFFC000  }
0x8a: {  	_ =	swait.ge [sflag:s12], $0x4000  }
0x8b: {  	[sflag:s12] =	ssyncset.done $0x0  }
0x8c: {  	s10 =	simm.s32 $0x1000;
	[sflag:s12] =	ssyncadd.s32 $0xFFFFC000  }
0x8d: {  	[spmem:s2] =	stream.indirect.scatter.add.f32 [tilespmem:s19], [sflag:$0x3], $0x80, s10, s22, $0xb8;
	[tilespmem:$0x1D780] =	vst v63  }
0x8e: {  	s16 =	simm.s32 $0x180  }
0x8f: {  	[tilespmem:s24], [sflag:$0x2] =	stream.indirect.gather [hbm4b:s1+s22], $0x80, s16, s22, $0xb8;
	[tilespmem:$0x1D780] =	vst v63  }
0x90: {  	_ =	swait.ge [sflag:s25], $0x4000  }
0x91: {  	[sflag:s25] =	ssyncset.done $0x0  }
0x92: {  	[sflag:s25] =	ssyncadd.s32 $0xFFFFC000  }
0x93: {  	_ =	swait.ge [sflag:s28], $0x4000  }
0x94: {  	[sflag:s28] =	ssyncset.done $0x0  }
0x95: {  	s17 =	simm.s32 $0x1080;
	[sflag:s28] =	ssyncadd.s32 $0xFFFFC000  }
0x96: {  	[spmem:s2] =	stream.indirect.scatter.add.f32 [tilespmem:s24], [sflag:$0x4], $0x80, s17, s22, $0xb8;
	[tilespmem:$0x1D780] =	vst v63  }
0x97: {  	s21 =	simm.s32 $0x200  }
0x98: {  	[tilespmem:s19], [sflag:$0x1] =	stream.indirect.gather [hbm4b:s1+s22], $0x80, s21, s22, $0xb8;
	[tilespmem:$0x1D780] =	vst v63  }
0x99: {  	_ =	swait.ge [sflag:s31], $0x4000  }
0x9a: {  	[sflag:s31] =	ssyncset.done $0x0  }
0x9b: {  	[sflag:s31] =	ssyncadd.s32 $0xFFFFC000  }
0x9c: {  	_ =	swait.ge [sflag:s12], $0x4000  }
0x9d: {  	[sflag:s12] =	ssyncset.done $0x0  }
0x9e: {  	s10 =	simm.s32 $0x1100;
	[sflag:s12] =	ssyncadd.s32 $0xFFFFC000  }
0x9f: {  	[spmem:s2] =	stream.indirect.scatter.add.f32 [tilespmem:s19], [sflag:$0x3], $0x80, s10, s22, $0xb8;
	[tilespmem:$0x1D780] =	vst v63  }
0xa0: {  	s16 =	simm.s32 $0x280  }
0xa1: {  	[tilespmem:s24], [sflag:$0x2] =	stream.indirect.gather [hbm4b:s1+s22], $0x80, s16, s22, $0xb8;
	[tilespmem:$0x1D780] =	vst v63  }
0xa2: {  	_ =	swait.ge [sflag:s25], $0x4000  }
0xa3: {  	[sflag:s25] =	ssyncset.done $0x0  }
0xa4: {  	[sflag:s25] =	ssyncadd.s32 $0xFFFFC000  }
0xa5: {  	_ =	swait.ge [sflag:s18], $0x500  }
0xa6: {  	[sflag:s18] =	ssyncset.done $0x0  }
0xa7: {  	[sflag:s18] =	ssyncadd.s32 $0xFFFFFB00  }
0xa8: {  	s17 =	simm.s32 $0x0;
	_ =	swait.ge [sflag:s18], $0x500  }
0xa9: {  	s21 =	sand.u32 $0x70, s0;
	s10 =	sand.u32 $0x780, s17;
	[sflag:s18] =	ssyncset.done $0x0  }
0xaa: {  	s10 =	sor.u32 s21, s10;
	[sflag:s18] =	ssyncadd.s32 $0xFFFFFB00  }
0xab: {  	v1 =	vld [tilespmem:s10+$0xA00];
	_ =	sdelay $0x1  }
0xac: {  	s21 =	simm.s32 $0x40;
	s16 =	simm.s32 $0x10  }
.LBB2_9:
0xad: {  	s8 =	sshrl.u32 s21, $0x2;
	p1 =	sne.s32 s21, $0x13C0;
	s21 =	sadd.s32 $0x40, s21  }
.Ltmp6:
0xae: {  	s17 =	sand.u32 $0x70, s16;
	s8 =	sand.u32 $0x780, s8;
	(pc) =	sbr.rel @p1 .LBB2_9-.Ltmp6, $3  }
0xaf: {  	[tilespmem:s10+$0x1700] =	vst v1;
	s10 =	sor.u32 s17, s8  }
0xb0: {  	v1 =	vld [tilespmem:s10+$0xA00];
	_ =	sdelay $0x1  }
0xb1: {  	s16 =	sadd.s32 $0x10, s16  }
0xb2: {  	_ =	sdelay $0x1  }
0xb3: {  	[tilespmem:s10+$0x1700] =	vst v1  }
0xb4: {  	_ =	swait.ge [sflag:s28], $0x4000  }
0xb5: {  	[sflag:s28] =	ssyncset.done $0x0  }
0xb6: {  	s8 =	simm.s32 $0x1180;
	[sflag:s28] =	ssyncadd.s32 $0xFFFFC000  }
0xb7: {  	[spmem:s2] =	stream.indirect.scatter.add.f32 [tilespmem:s24], [sflag:$0x4], $0x80, s8, s22, $0xb8;
	[tilespmem:$0x1D780] =	vst v63  }
0xb8: {  	s17 =	simm.s32 $0x300  }
0xb9: {  	[tilespmem:s19], [sflag:$0x1] =	stream.indirect.gather [hbm4b:s1+s22], $0x80, s17, s22, $0xb8;
	[tilespmem:$0x1D780] =	vst v63  }
0xba: {  	_ =	swait.ge [sflag:s31], $0x4000  }
0xbb: {  	[sflag:s31] =	ssyncset.done $0x0  }
0xbc: {  	[sflag:s31] =	ssyncadd.s32 $0xFFFFC000  }
0xbd: {  	_ =	swait.ge [sflag:s12], $0x4000  }
0xbe: {  	[sflag:s12] =	ssyncset.done $0x0  }
0xbf: {  	s21 =	simm.s32 $0x1200;
	[sflag:s12] =	ssyncadd.s32 $0xFFFFC000  }
0xc0: {  	[spmem:s2] =	stream.indirect.scatter.add.f32 [tilespmem:s19], [sflag:$0x3], $0x80, s21, s22, $0xb8;
	[tilespmem:$0x1D780] =	vst v63  }
0xc1: {  	s10 =	simm.s32 $0x380  }
0xc2: {  	[tilespmem:s24], [sflag:$0x2] =	stream.indirect.gather [hbm4b:s1+s22], $0x80, s10, s22, $0xb8;
	[tilespmem:$0x1D780] =	vst v63  }
0xc3: {  	_ =	swait.ge [sflag:s25], $0x4000  }
0xc4: {  	[sflag:s25] =	ssyncset.done $0x0  }
0xc5: {  	[sflag:s25] =	ssyncadd.s32 $0xFFFFC000  }
0xc6: {  	_ =	swait.ge [sflag:s28], $0x4000  }
0xc7: {  	[sflag:s28] =	ssyncset.done $0x0  }
0xc8: {  	s16 =	simm.s32 $0x1280;
	[sflag:s28] =	ssyncadd.s32 $0xFFFFC000  }
0xc9: {  	[spmem:s2] =	stream.indirect.scatter.add.f32 [tilespmem:s24], [sflag:$0x4], $0x80, s16, s22, $0xb8;
	[tilespmem:$0x1D780] =	vst v63  }
0xca: {  	s17 =	simm.s32 $0x400  }
0xcb: {  	[tilespmem:s19], [sflag:$0x1] =	stream.indirect.gather [hbm4b:s1+s22], $0x80, s17, s22, $0xb8;
	[tilespmem:$0x1D780] =	vst v63  }
0xcc: {  	_ =	swait.ge [sflag:s31], $0x4000  }
0xcd: {  	[sflag:s31] =	ssyncset.done $0x0  }
0xce: {  	[sflag:s31] =	ssyncadd.s32 $0xFFFFC000  }
0xcf: {  	_ =	swait.ge [sflag:s12], $0x4000  }
0xd0: {  	[sflag:s12] =	ssyncset.done $0x0  }
0xd1: {  	s21 =	simm.s32 $0x1300;
	[sflag:s12] =	ssyncadd.s32 $0xFFFFC000  }
0xd2: {  	[spmem:s2] =	stream.indirect.scatter.add.f32 [tilespmem:s19], [sflag:$0x3], $0x80, s21, s22, $0xb8;
	[tilespmem:$0x1D780] =	vst v63  }
0xd3: {  	s10 =	simm.s32 $0x480  }
0xd4: {  	[tilespmem:s24], [sflag:$0x2] =	stream.indirect.gather [hbm4b:s1+s22], $0x80, s10, s22, $0xb8;
	[tilespmem:$0x1D780] =	vst v63  }
0xd5: {  	_ =	swait.ge [sflag:s25], $0x4000  }
0xd6: {  	[sflag:s25] =	ssyncset.done $0x0  }
0xd7: {  	[sflag:s25] =	ssyncadd.s32 $0xFFFFC000  }
0xd8: {  	_ =	swait.ge [sflag:s28], $0x4000  }
0xd9: {  	[sflag:s28] =	ssyncset.done $0x0  }
0xda: {  	s16 =	simm.s32 $0x1380;
	[sflag:s28] =	ssyncadd.s32 $0xFFFFC000  }
0xdb: {  	[spmem:s2] =	stream.indirect.scatter.add.f32 [tilespmem:s24], [sflag:$0x4], $0x80, s16, s22, $0xb8;
	[tilespmem:$0x1D780] =	vst v63  }
0xdc: {  	_ = 	snop  }
0xdd: {  	[tilespmem:s19], [sflag:$0x1] =	stream.indirect.gather [hbm4b:s1+s22], $0x80, s26, s22, $0xb8;
	[tilespmem:$0x1D780] =	vst v63  }
0xde: {  	_ =	swait.ge [sflag:s31], $0x4000  }
0xdf: {  	[sflag:s31] =	ssyncset.done $0x0  }
0xe0: {  	[sflag:s31] =	ssyncadd.s32 $0xFFFFC000  }
0xe1: {  	_ =	swait.ge [sflag:s12], $0x4000  }
0xe2: {  	[sflag:s12] =	ssyncset.done $0x0  }
0xe3: {  	s17 =	simm.s32 $0x1700;
	[sflag:s12] =	ssyncadd.s32 $0xFFFFC000  }
0xe4: {  	[spmem:s2] =	stream.indirect.scatter.add.f32 [tilespmem:s19], [sflag:$0x3], $0x80, s17, s22, $0xb8;
	[tilespmem:$0x1D780] =	vst v63  }
0xe5: {  	p1 =	sge.s32 s3, s13;
	s21 =	simm.s32 $0x580  }
0xe6: {  	[tilespmem:s24], [sflag:$0x2] =	stream.indirect.gather [hbm4b:s1+s22], $0x80, s21, s22, $0xb8;
	[tilespmem:$0x1D780] =	vst v63  }
0xe7: {  	s8 =	sadd.s32 @!p1 s9, s15;
	_ =	swait.ge [sflag:s25], $0x4000  }
0xe8: {  	s8 =	sshrl.u32 @!p1 s8, $0x3;
	[sflag:s25] =	ssyncset.done $0x0  }
0xe9: {  	s9 =	simm.s32 @!p1 $0x0;
	s10 =	sadd.s32 @!p1 s5, s8;
	[sflag:s25] =	ssyncadd.s32 $0xFFFFC000  }
0xea: {  	[tilespmem:s9], [sflag:$0x5] =	stream.linear.gather @!p1 [hbm4b:s10+s9], $0x500, $0x38;
	[tilespmem:$0x1D780] =	vst v63  }
0xeb: {  	s8 =	sadd.s32 @!p1 s6, s8;
	s10 =	simm.s32 @!p1 $0xA00  }
0xec: {  	[tilespmem:s10], [sflag:$0x5] =	stream.linear.gather @!p1 [hbm4b:s8+s9], $0x500, $0x38;
	[tilespmem:$0x1D780] =	vst v63  }
0xed: {  	_ =	swait.ge [sflag:s28], $0x4000  }
0xee: {  	[sflag:s28] =	ssyncset.done $0x0  }
0xef: {  	s10 =	simm.s32 $0x1780;
	[sflag:s28] =	ssyncadd.s32 $0xFFFFC000  }
0xf0: {  	[spmem:s2] =	stream.indirect.scatter.add.f32 [tilespmem:s24], [sflag:$0x4], $0x80, s10, s22, $0xb8;
	[tilespmem:$0x1D780] =	vst v63  }
0xf1: {  	s16 =	simm.s32 $0x600  }
0xf2: {  	[tilespmem:s19], [sflag:$0x1] =	stream.indirect.gather [hbm4b:s1+s22], $0x80, s16, s22, $0xb8;
	[tilespmem:$0x1D780] =	vst v63  }
0xf3: {  	_ =	swait.ge [sflag:s31], $0x4000  }
0xf4: {  	[sflag:s31] =	ssyncset.done $0x0  }
0xf5: {  	[sflag:s31] =	ssyncadd.s32 $0xFFFFC000  }
0xf6: {  	_ =	swait.ge [sflag:s12], $0x4000  }
0xf7: {  	[sflag:s12] =	ssyncset.done $0x0  }
0xf8: {  	s17 =	simm.s32 $0x1800;
	[sflag:s12] =	ssyncadd.s32 $0xFFFFC000  }
0xf9: {  	[spmem:s2] =	stream.indirect.scatter.add.f32 [tilespmem:s19], [sflag:$0x3], $0x80, s17, s22, $0xb8;
	[tilespmem:$0x1D780] =	vst v63  }
0xfa: {  	s21 =	simm.s32 $0x680  }
0xfb: {  	[tilespmem:s24], [sflag:$0x2] =	stream.indirect.gather [hbm4b:s1+s22], $0x80, s21, s22, $0xb8;
	[tilespmem:$0x1D780] =	vst v63  }
0xfc: {  	_ =	swait.ge [sflag:s25], $0x4000  }
0xfd: {  	[sflag:s25] =	ssyncset.done $0x0  }
0xfe: {  	[sflag:s25] =	ssyncadd.s32 $0xFFFFC000  }
0xff: {  	_ =	swait.ge [sflag:s28], $0x4000  }
0x100: {  	[sflag:s28] =	ssyncset.done $0x0  }
0x101: {  	s10 =	simm.s32 $0x1880;
	[sflag:s28] =	ssyncadd.s32 $0xFFFFC000  }
0x102: {  	[spmem:s2] =	stream.indirect.scatter.add.f32 [tilespmem:s24], [sflag:$0x4], $0x80, s10, s22, $0xb8;
	[tilespmem:$0x1D780] =	vst v63  }
0x103: {  	s16 =	simm.s32 $0x700  }
0x104: {  	[tilespmem:s19], [sflag:$0x1] =	stream.indirect.gather [hbm4b:s1+s22], $0x80, s16, s22, $0xb8;
	[tilespmem:$0x1D780] =	vst v63  }
0x105: {  	_ =	swait.ge [sflag:s31], $0x4000  }
0x106: {  	[sflag:s31] =	ssyncset.done $0x0  }
0x107: {  	[sflag:s31] =	ssyncadd.s32 $0xFFFFC000  }
0x108: {  	_ =	swait.ge [sflag:s12], $0x4000  }
0x109: {  	[sflag:s12] =	ssyncset.done $0x0  }
0x10a: {  	s17 =	simm.s32 $0x1900;
	[sflag:s12] =	ssyncadd.s32 $0xFFFFC000  }
0x10b: {  	[spmem:s2] =	stream.indirect.scatter.add.f32 [tilespmem:s19], [sflag:$0x3], $0x80, s17, s22, $0xb8;
	[tilespmem:$0x1D780] =	vst v63  }
.Ltmp7:
0x10c: {  	s21 =	simm.s32 $0x780;
	(pc) =	sbr.rel @p1 .LBB2_14-.Ltmp7, $4  }
0x10d: {  	[tilespmem:s24], [sflag:$0x2] =	stream.indirect.gather [hbm4b:s1+s22], $0x80, s21, s22, $0xb8;
	[tilespmem:$0x1D780] =	vst v63  }
0x10e: {  	_ =	swait.ge [sflag:s25], $0x4000  }
0x10f: {  	[sflag:s25] =	ssyncset.done $0x0  }
0x110: {  	[sflag:s25] =	ssyncadd.s32 $0xFFFFC000  }
0x111: {  	_ =	swait.ge [sflag:s4], $0x500  }
0x112: {  	[sflag:s4] =	ssyncset.done $0x0  }
0x113: {  	[sflag:s4] =	ssyncadd.s32 $0xFFFFFB00  }
0x114: {  	s8 =	simm.s32 $0x0;
	s10 =	simm.s32 $0x0;
	_ =	swait.ge [sflag:s4], $0x500  }
0x115: {  	s8 =	sand.u32 $0x70, s8;
	s10 =	sand.u32 $0x780, s10;
	[sflag:s4] =	ssyncset.done $0x0  }
0x116: {  	s10 =	sor.u32 s8, s10;
	[sflag:s4] =	ssyncadd.s32 $0xFFFFFB00  }
0x117: {  	v1 =	vld [tilespmem:s10+$0xA00];
	_ =	sdelay $0x1  }
0x118: {  	s21 =	simm.s32 $0x40;
	s16 =	simm.s32 $0x10  }
.LBB2_12:
0x119: {  	s8 =	sshrl.u32 s21, $0x2;
	p2 =	sne.s32 s21, $0x13C0;
	s21 =	sadd.s32 $0x40, s21  }
.Ltmp8:
0x11a: {  	s17 =	sand.u32 $0x70, s16;
	s8 =	sand.u32 $0x780, s8;
	(pc) =	sbr.rel @p2 .LBB2_12-.Ltmp8, $3  }
0x11b: {  	[tilespmem:s10+$0xF00] =	vst v1;
	s10 =	sor.u32 s17, s8  }
0x11c: {  	v1 =	vld [tilespmem:s10+$0xA00];
	_ =	sdelay $0x1  }
0x11d: {  	s16 =	sadd.s32 $0x10, s16  }
.Ltmp9:
0x11e: {  	(pc) =	sbr.rel .LBB2_14-.Ltmp9, $2  }
0x11f: {  	_ =	sdelay $0x2  }
0x120: {  	[tilespmem:s10+$0xF00] =	vst v1  }
.LBB2_15:
0x121: {  	_ =	swait.ge [sflag:s31], $0x4000  }
0x122: {  	[sflag:s31] =	ssyncset.done $0x0  }
0x123: {  	[sflag:s31] =	ssyncadd.s32 $0xFFFFC000  }
0x124: {  	s0 =	stileid.u32;
	[bflag:$0x0] =	sbarrier.arrive $0xFFFF  }
0x125: {  	s0 =	sshll.u32 s0, $0x6;
	s9 =	rddreg [dreg:$0x9]  }
.Ltmp10:
0x126: {  	s21 =	rddreg [dreg:$0x8];
	s3 =	sshrl.u32 s9, $0x3;
	(pc) =	sbr.rel @!p0 .LBB2_17-.Ltmp10, $4  }
0x127: {  	s0 =	sor.u32 $0x1C07, s0;
	s8 =	sshrl.u32 s21, $0x3;
	s3 =	sadd.s32 s7, s3  }
0x128: {  	[hbm:s3], [sflag:s0] =	dma.local [spmem:s8], $0x500  }
0x129: {  	s17 =	rddreg [dreg:$0x4]  }
0x12a: {  	s9 =	sadd.s32 $0x28000, s9;
	s10 =	smov.u32 s21;
	s3 =	sadd.s32 $0xFFFFFFFF, s17  }
.LBB2_16:
0x12b: {  	_ =	swait.ge [sflag:s20], $0x500  }
0x12c: {  	s10 =	sadd.s32 $0x28000, s10;
	s8 =	sshrl.u32 s9, $0x3;
	p0 =	sne.s32 s3, $0x1  }
.Ltmp11:
0x12d: {  	s16 =	sshrl.u32 s10, $0x3;
	[sflag:s20] =	ssyncset.done $0x0;
	(pc) =	sbr.rel @p0 .LBB2_16-.Ltmp11, $4  }
0x12e: {  	s8 =	sadd.s32 s7, s8;
	[sflag:s20] =	ssyncadd.s32 $0xFFFFFB00  }
0x12f: {  	[hbm:s8], [sflag:s0] =	dma.local [spmem:s16], $0x500  }
0x130: {  	s3 =	sadd.s32 $0xFFFFFFFF, s3  }
0x131: {  	s9 =	sadd.s32 $0x28000, s9  }
.LBB2_17:
0x132: {  	_ =	swait.ge [sflag:s20], $0x500  }
0x133: {  	s3 =	rddreg [dreg:$0xa]  }
0x134: {  	s0 =	rddreg [dreg:$0x7];
	s3 =	sadd.s32 $0x1, s3  }
0x135: {  	p0 =	sne.s32 s3, s0  }
.Ltmp12:
0x136: {  	_ = 	snop;
	(pc) =	sbr.rel @p0 .LBB2_1-.Ltmp12, $3  }
0x137: {  	_ =	sdelay $0x1  }
0x138: {  	[sflag:s20] =	ssyncset.done $0x0  }
0x139: {  	[sflag:s20] =	ssyncadd.s32 $0xFFFFFB00  }
0x13a: {  	_ =	sfence.sel $0x180000  }
0x13b: {  	[bflag:$0x0] =	sbarrier.arrive $0xFFFF  }
0x13c: {  	_ =	strace $0x9000004A  }
0x13d: {  	s0 =	stileid.u32;
	[bflag:$0x2] =	sbarrier.arrive $0xFFFF  }
0x13e: {  	p0 =	sne.s32 s0, $0x0;
	s0 =	rddreg [dreg:$0x3]  }
0x13f: {  	s0 =	sadd.s32 @!p0 $0x100000, s0  }
0x140: {  	[sflag:s0] =	ssyncadd.tile.s32 @!p0 $0x1;
	_ =	shalt  }
.Lfunc_end2:
_tile_overlayer_lowered:
.L_overlay_start_2:
0x141: {  	(tag) =	ssettag $0x2  }
0x142: {  	s0 =	rddreg [dreg:$0x0];
	s2 =	stileid.u32  }
0x143: {  	s1 =	rddreg [dreg:$0x1];
	p0 =	sne.s32 s2, $0x0  }
0x144: {  	s3 =	rddreg [dreg:$0x2];
	[bflag:$0x3] =	sbarrier.arrive $0xFFFF;
	s2 =	simm.s32 @!p0 $0x1C07  }
0x145: {  	[timem:s3], [sflag:s2] =	dma.local @!p0 [hbm:s0], s1  }
0x146: {  	s0 =	simm.s32 @!p0 $0x7  }
0x147: {  	_ =	swait.ge @!p0 [sflag:s0], s1  }
0x148: {  	s1 =	ssub.s32 @!p0 $0x0, s1;
	[sflag:s0] =	ssyncset.done @!p0 $0x0  }
0x149: {  	[sflag:s0] =	ssyncadd.s32 @!p0 s1  }
0x14a: {  	[bflag:$0x3] =	sbarrier.arrive $0xFFFF  }
0x14b: {  	_ =	shalt  }

</sc_bundles>
